<compile_context>
chip_gen: v7x
topology: tpu7x:2x2x1
jax: 0.10.2.dev20260603
libtpu: 0.0.44.dev20260713+nightly
codegen_flags: <defaults>
</compile_context>

<pallas_src>
import functools

import jax
import jax.numpy as jnp
from jax import lax
from jax.experimental import pallas as pl
from jax.experimental.pallas import tpu as pltpu
from jax.experimental.pallas import tpu_sc as plsc

_N = 10000
_D = 128
_E = 320000

_C = 128
_NTILE = 32
_PER_TILE = 79
_NCHUNK = _PER_TILE * _NTILE
_EPAD = _NCHUNK * _C
_NPAD = 10240
_ROWS_PER_TILE = _NPAD // 16
_CW = 16


def _sc_agg(d):
  mesh = plsc.VectorSubcoreMesh(core_axis_name="c", subcore_axis_name="s")
  out_type = jax.ShapeDtypeStruct((2 * _NPAD, d), jnp.float32)
  scratch = [
      pltpu.VMEM((_C,), jnp.int32),
      pltpu.VMEM((_C,), jnp.int32),
      pltpu.VMEM((_C, d), jnp.float32),
      pltpu.VMEM_SHARED((_NPAD, d), jnp.float32),
  ]
  n_blk = _ROWS_PER_TILE // _C

  @functools.partial(pl.kernel, out_type=out_type, mesh=mesh,
                     scratch_types=scratch)
  def k(src_hbm, dst_hbm, h_hbm, z_hbm, sum_out, src_v, dst_v, rows_v, acc_sh):
    core = lax.axis_index("c")
    sub = lax.axis_index("s")
    wid = sub * 2 + core
    zr = sub * _ROWS_PER_TILE

    pltpu.sync_copy(z_hbm, rows_v)
    for j in range(n_blk):
      pltpu.sync_copy(rows_v, acc_sh.at[pl.ds(zr + j * _C, _C)])
    plsc.subcore_barrier()

    @pl.loop(0, _PER_TILE)
    def _(i):
      off = (wid + i * _NTILE) * _C
      pltpu.sync_copy(src_hbm.at[pl.ds(off, _C)], src_v)
      pltpu.sync_copy(dst_hbm.at[pl.ds(off, _C)], dst_v)
      pltpu.sync_copy(h_hbm.at[src_v], rows_v)
      pltpu.sync_copy(rows_v, acc_sh.at[dst_v], add=True)

    plsc.subcore_barrier()
    for j in range(n_blk):
      sl = pl.ds(zr + j * _C, _C)
      ob = pl.ds(core * _NPAD + zr + j * _C, _C)
      pltpu.sync_copy(acc_sh.at[sl], rows_v)
      pltpu.sync_copy(rows_v, sum_out.at[ob])

  return k


def _sc_counts():
  mesh = plsc.VectorSubcoreMesh(core_axis_name="c", subcore_axis_name="s")
  out_type = jax.ShapeDtypeStruct((2 * _NPAD, _D), jnp.float32)
  scratch = [
      pltpu.VMEM((_C,), jnp.int32),
      pltpu.VMEM((_C, _D), jnp.float32),
      pltpu.VMEM((_C, _D), jnp.float32),
      pltpu.VMEM_SHARED((_NPAD, _D), jnp.float32),
  ]
  n_blk = _ROWS_PER_TILE // _C

  @functools.partial(pl.kernel, out_type=out_type, mesh=mesh,
                     scratch_types=scratch)
  def k(dst_hbm, ones_hbm, z_hbm, cnt_out, dst_v, ones_v, stage_v, acc_sh):
    core = lax.axis_index("c")
    sub = lax.axis_index("s")
    wid = sub * 2 + core
    zr = sub * _ROWS_PER_TILE

    pltpu.sync_copy(z_hbm, stage_v)
    for j in range(n_blk):
      pltpu.sync_copy(stage_v, acc_sh.at[pl.ds(zr + j * _C, _C)])
    pltpu.sync_copy(ones_hbm, ones_v)
    plsc.subcore_barrier()

    @pl.loop(0, _PER_TILE)
    def _(i):
      off = (wid + i * _NTILE) * _C
      pltpu.sync_copy(dst_hbm.at[pl.ds(off, _C)], dst_v)
      pltpu.sync_copy(ones_v, acc_sh.at[dst_v], add=True)

    plsc.subcore_barrier()
    for j in range(n_blk):
      pltpu.sync_copy(acc_sh.at[pl.ds(zr + j * _C, _C)], stage_v)
      pltpu.sync_copy(stage_v, cnt_out.at[pl.ds(core * _NPAD + zr + j * _C, _C)])

  return k


_R = 2000


def _root():

  def body(h, wr, b, out):
    out[...] = jnp.dot(h[...], wr[...], precision=lax.Precision.HIGHEST,
                       preferred_element_type=jnp.float32) + b[...]

  return pl.pallas_call(
      body,
      grid=(_N // _R,),
      in_specs=[
          pl.BlockSpec((_R, _D), lambda i: (i, 0)),
          pl.BlockSpec((_D, _D), lambda i: (0, 0)),
          pl.BlockSpec((1, _D), lambda i: (0, 0)),
      ],
      out_specs=pl.BlockSpec((_R, _D), lambda i: (i, 0)),
      out_shape=jax.ShapeDtypeStruct((_N, _D), jnp.float32),
  )


def _finish(relu):

  def body(s0, s1, c0, c1, r, wl, out):
    cnt = jnp.maximum(c0[:, 0:1] + c1[:, 0:1], 1.0)
    mean = (s0[...] + s1[...]) / cnt
    y = jnp.dot(mean, wl[...], precision=lax.Precision.HIGHEST,
                preferred_element_type=jnp.float32)
    y = y + r[...]
    out[...] = jnp.maximum(y, 0.0) if relu else y

  return pl.pallas_call(
      body,
      grid=(_N // _R,),
      in_specs=[
          pl.BlockSpec((_R, _D), lambda i: (i, 0)),
          pl.BlockSpec((_R, _D), lambda i: (i, 0)),
          pl.BlockSpec((_R, _CW), lambda i: (i, 0)),
          pl.BlockSpec((_R, _CW), lambda i: (i, 0)),
          pl.BlockSpec((_R, _D), lambda i: (i, 0)),
          pl.BlockSpec((_D, _D), lambda i: (0, 0)),
      ],
      out_specs=pl.BlockSpec((_R, _D), lambda i: (i, 0)),
      out_shape=jax.ShapeDtypeStruct((_N, _D), jnp.float32),
  )


def kernel(x, edge_index, W1_l, W1_r, b1, W2_l, W2_r, b2, W3_l, W3_r, b3):
  src = edge_index[0]
  dst = edge_index[1]
  pad = _EPAD - _E
  src_p = jnp.concatenate([src, jnp.zeros((pad,), jnp.int32)])
  dst_p = jnp.concatenate([dst, jnp.full((pad,), _NPAD - 1, jnp.int32)])
  z_d = jnp.zeros((_C, _D), jnp.float32)
  ones = jnp.ones((_C, _D), jnp.float32)

  cagg = _sc_counts()(dst_p, ones, z_d)
  c0, c1 = cagg[:_N, :_CW], cagg[_NPAD:_NPAD + _N, :_CW]
  r1 = _root()(x, W1_r, b1.reshape(1, _D))
  s1 = _sc_agg(_D)(src_p, dst_p, x, z_d)
  h1 = _finish(True)(s1[:_N], s1[_NPAD:_NPAD + _N], c0, c1, r1, W1_l)
  r2 = _root()(h1, W2_r, b2.reshape(1, _D))
  s2 = _sc_agg(_D)(src_p, dst_p, h1, z_d)
  h2 = _finish(True)(s2[:_N], s2[_NPAD:_NPAD + _N], c0, c1, r2, W2_l)
  r3 = _root()(h2, W3_r, b3.reshape(1, _D))
  s3 = _sc_agg(_D)(src_p, dst_p, h2, z_d)
  out = _finish(False)(s3[:_N], s3[_NPAD:_NPAD + _N], c0, c1, r3, W3_l)
  return out

# --- scband reference (transcript-rebuilt; emitter-appended) ---
"""Pipeline reference for scband-graph-sage-50663434224272 (READ-ONLY COPY).

The authoritative reference and input builder live on the scoring server;
editing this copy changes nothing except your own understanding.
"""

import jax, jax.numpy as jnp
import numpy as np

N = 10000
E = 320000
D_IN = 128
D_H = 128
D_OUT = 128


def setup_inputs(seed: int = 0) -> dict:
    key = jax.random.key(seed)
    ks = jax.random.split(key, 12)
    x = jax.random.normal(ks[0], (N, D_IN), dtype=jnp.float32)
    edge_index = jax.random.randint(ks[1], (2, E), 0, N, dtype=jnp.int32)
    def w(k, fi, fo):
        return jax.random.normal(k, (fi, fo), dtype=jnp.float32) * (1.0 / np.sqrt(fi))
    inp = {
        'x': x,
        'edge_index': edge_index,
        'W1_l': w(ks[2], D_IN, D_H), 'W1_r': w(ks[3], D_IN, D_H), 'b1': jnp.zeros((D_H,), jnp.float32),
        'W2_l': w(ks[4], D_H, D_H), 'W2_r': w(ks[5], D_H, D_H), 'b2': jnp.zeros((D_H,), jnp.float32),
        'W3_l': w(ks[6], D_H, D_OUT), 'W3_r': w(ks[7], D_H, D_OUT), 'b3': jnp.zeros((D_OUT,), jnp.float32),
    }
    return inp


def _sage_conv(x, src, dst, W_l, W_r, b, n_nodes):
    # PyG SAGEConv default: mean aggregation of neighbor messages + root transform
    msgs = jnp.take(x, src, axis=0)                      # gather x_j  [E, d]
    summed = jax.ops.segment_sum(msgs, dst, num_segments=n_nodes)   # scatter-add
    cnt = jax.ops.segment_sum(jnp.ones((src.shape[0],), jnp.float32), dst, num_segments=n_nodes)
    mean = summed / jnp.clip(cnt, 1.0)[:, None]
    return mean @ W_l + x @ W_r + b


def reference(x, edge_index, W1_l, W1_r, b1, W2_l, W2_r, b2, W3_l, W3_r, b3):
    src = edge_index[0]
    dst = edge_index[1]
    n = x.shape[0]
    h = jax.nn.relu(_sage_conv(x, src, dst, W1_l, W1_r, b1, n))
    h = jax.nn.relu(_sage_conv(h, src, dst, W2_l, W2_r, b2, n))
    out = _sage_conv(h, src, dst, W3_l, W3_r, b3, n)
    return out

if __name__ == "__main__":
    import jax
    _d = setup_inputs()
    print(jax.jit(kernel)(*tuple(_d.values())))

</pallas_src>

<mosaic_0001>
#map = affine_map<(d0, d1) -> (0)>
#map1 = affine_map<(d0, d1) -> (0, 0)>
module attributes {stable_mosaic.version = 14 : i64} {
  func.func @k(%arg0: i32, %arg1: i32, %arg2: memref<323584xi32, #tpu.memory_space<hbm>>, %arg3: memref<128x128xf32, #tpu.memory_space<hbm>>, %arg4: memref<128x128xf32, #tpu.memory_space<hbm>>, %arg5: memref<20480x128xf32, #tpu.memory_space<hbm>>, %arg6: memref<128xi32, #tpu.memory_space<vmem>>, %arg7: memref<128x128xf32, #tpu.memory_space<vmem>>, %arg8: memref<128x128xf32, #tpu.memory_space<vmem>>, %arg9: memref<10240x128xf32, #tpu.memory_space<vmem_shared>>) attributes {dimension_semantics = [#tpu.dimension_semantics<core_parallel>, #tpu.dimension_semantics<subcore_parallel>], iteration_bounds = array<i64: 2, 16>, scalar_prefetch = 0 : i64, scratch_operands = 4 : i64, tpu.core_type = #tpu.core_type<sc_vector_subcore>, window_params = [{transform_indices = #map}, {transform_indices = #map1}, {transform_indices = #map1}, {transform_indices = #map1}]} {
    %mul3A = arith.constant 2 : i32
    %mul3A_0 = arith.muli %arg1, %mul3A : i32
    %add3A = arith.addi %mul3A_0, %arg0 : i32
    %mul3A_1 = arith.constant 640 : i32
    %mul3A_2 = arith.muli %arg1, %mul3A_1 : i32
    "tpu.region"() ({
      %run_scoped3A = tpu.sem_alloc : memref<!tpu.dma_semaphore, #tpu.memory_space<semaphore_mem>>
      tpu.enqueue_dma source(%arg4 : memref<128x128xf32, #tpu.memory_space<hbm>>) target(%arg8 : memref<128x128xf32, #tpu.memory_space<vmem>>) target_semaphore(%run_scoped3A : memref<!tpu.dma_semaphore, #tpu.memory_space<semaphore_mem>>)
      tpu.wait_dma2 semaphore(%run_scoped3A : memref<!tpu.dma_semaphore, #tpu.memory_space<semaphore_mem>>) src(%arg4 : memref<128x128xf32, #tpu.memory_space<hbm>>) dst(%arg8 : memref<128x128xf32, #tpu.memory_space<vmem>>)
      tpu.yield
    }) : () -> ()
    %add3A_3 = arith.constant 0 : i32
    %add3A_4 = arith.addi %mul3A_2, %add3A_3 : i32
    "tpu.region"() ({
      %run_scoped3A = tpu.sem_alloc : memref<!tpu.dma_semaphore, #tpu.memory_space<semaphore_mem>>
      %dma_start3A = arith.constant 0 : i32
      %dma_start3A_53 = tpu.memref_slice %arg9[%add3A_4, %dma_start3A] : memref<10240x128xf32, #tpu.memory_space<vmem_shared>> -> memref<128x128xf32, #tpu.memory_space<vmem_shared>>
      %dma_start3A_54 = arith.constant 0 : i32
      %dma_start3A_55 = tpu.memref_slice %arg9[%add3A_4, %dma_start3A_54] : memref<10240x128xf32, #tpu.memory_space<vmem_shared>> -> memref<128x128xf32, #tpu.memory_space<vmem_shared>>
      tpu.enqueue_dma source(%arg8 : memref<128x128xf32, #tpu.memory_space<vmem>>) target(%dma_start3A_55 : memref<128x128xf32, #tpu.memory_space<vmem_shared>>) target_semaphore(%run_scoped3A : memref<!tpu.dma_semaphore, #tpu.memory_space<semaphore_mem>>)
      %dma_wait3A = arith.constant 0 : i32
      %dma_wait3A_56 = tpu.memref_slice %arg9[%add3A_4, %dma_wait3A] : memref<10240x128xf32, #tpu.memory_space<vmem_shared>> -> memref<128x128xf32, #tpu.memory_space<vmem_shared>>
      %dma_wait3A_57 = arith.constant 0 : i32
      %dma_wait3A_58 = tpu.memref_slice %arg9[%add3A_4, %dma_wait3A_57] : memref<10240x128xf32, #tpu.memory_space<vmem_shared>> -> memref<128x128xf32, #tpu.memory_space<vmem_shared>>
      tpu.wait_dma2 semaphore(%run_scoped3A : memref<!tpu.dma_semaphore, #tpu.memory_space<semaphore_mem>>) src(%arg8 : memref<128x128xf32, #tpu.memory_space<vmem>>) dst(%dma_wait3A_58 : memref<128x128xf32, #tpu.memory_space<vmem_shared>>)
      tpu.yield
    }) : () -> ()
    %add3A_5 = arith.constant 128 : i32
    %add3A_6 = arith.addi %mul3A_2, %add3A_5 : i32
    "tpu.region"() ({
      %run_scoped3A = tpu.sem_alloc : memref<!tpu.dma_semaphore, #tpu.memory_space<semaphore_mem>>
      %dma_start3A = arith.constant 0 : i32
      %dma_start3A_53 = tpu.memref_slice %arg9[%add3A_6, %dma_start3A] : memref<10240x128xf32, #tpu.memory_space<vmem_shared>> -> memref<128x128xf32, #tpu.memory_space<vmem_shared>>
      %dma_start3A_54 = arith.constant 0 : i32
      %dma_start3A_55 = tpu.memref_slice %arg9[%add3A_6, %dma_start3A_54] : memref<10240x128xf32, #tpu.memory_space<vmem_shared>> -> memref<128x128xf32, #tpu.memory_space<vmem_shared>>
      tpu.enqueue_dma source(%arg8 : memref<128x128xf32, #tpu.memory_space<vmem>>) target(%dma_start3A_55 : memref<128x128xf32, #tpu.memory_space<vmem_shared>>) target_semaphore(%run_scoped3A : memref<!tpu.dma_semaphore, #tpu.memory_space<semaphore_mem>>)
      %dma_wait3A = arith.constant 0 : i32
      %dma_wait3A_56 = tpu.memref_slice %arg9[%add3A_6, %dma_wait3A] : memref<10240x128xf32, #tpu.memory_space<vmem_shared>> -> memref<128x128xf32, #tpu.memory_space<vmem_shared>>
      %dma_wait3A_57 = arith.constant 0 : i32
      %dma_wait3A_58 = tpu.memref_slice %arg9[%add3A_6, %dma_wait3A_57] : memref<10240x128xf32, #tpu.memory_space<vmem_shared>> -> memref<128x128xf32, #tpu.memory_space<vmem_shared>>
      tpu.wait_dma2 semaphore(%run_scoped3A : memref<!tpu.dma_semaphore, #tpu.memory_space<semaphore_mem>>) src(%arg8 : memref<128x128xf32, #tpu.memory_space<vmem>>) dst(%dma_wait3A_58 : memref<128x128xf32, #tpu.memory_space<vmem_shared>>)
      tpu.yield
    }) : () -> ()
    %add3A_7 = arith.constant 256 : i32
    %add3A_8 = arith.addi %mul3A_2, %add3A_7 : i32
    "tpu.region"() ({
      %run_scoped3A = tpu.sem_alloc : memref<!tpu.dma_semaphore, #tpu.memory_space<semaphore_mem>>
      %dma_start3A = arith.constant 0 : i32
      %dma_start3A_53 = tpu.memref_slice %arg9[%add3A_8, %dma_start3A] : memref<10240x128xf32, #tpu.memory_space<vmem_shared>> -> memref<128x128xf32, #tpu.memory_space<vmem_shared>>
      %dma_start3A_54 = arith.constant 0 : i32
      %dma_start3A_55 = tpu.memref_slice %arg9[%add3A_8, %dma_start3A_54] : memref<10240x128xf32, #tpu.memory_space<vmem_shared>> -> memref<128x128xf32, #tpu.memory_space<vmem_shared>>
      tpu.enqueue_dma source(%arg8 : memref<128x128xf32, #tpu.memory_space<vmem>>) target(%dma_start3A_55 : memref<128x128xf32, #tpu.memory_space<vmem_shared>>) target_semaphore(%run_scoped3A : memref<!tpu.dma_semaphore, #tpu.memory_space<semaphore_mem>>)
      %dma_wait3A = arith.constant 0 : i32
      %dma_wait3A_56 = tpu.memref_slice %arg9[%add3A_8, %dma_wait3A] : memref<10240x128xf32, #tpu.memory_space<vmem_shared>> -> memref<128x128xf32, #tpu.memory_space<vmem_shared>>
      %dma_wait3A_57 = arith.constant 0 : i32
      %dma_wait3A_58 = tpu.memref_slice %arg9[%add3A_8, %dma_wait3A_57] : memref<10240x128xf32, #tpu.memory_space<vmem_shared>> -> memref<128x128xf32, #tpu.memory_space<vmem_shared>>
      tpu.wait_dma2 semaphore(%run_scoped3A : memref<!tpu.dma_semaphore, #tpu.memory_space<semaphore_mem>>) src(%arg8 : memref<128x128xf32, #tpu.memory_space<vmem>>) dst(%dma_wait3A_58 : memref<128x128xf32, #tpu.memory_space<vmem_shared>>)
      tpu.yield
    }) : () -> ()
    %add3A_9 = arith.constant 384 : i32
    %add3A_10 = arith.addi %mul3A_2, %add3A_9 : i32
    "tpu.region"() ({
      %run_scoped3A = tpu.sem_alloc : memref<!tpu.dma_semaphore, #tpu.memory_space<semaphore_mem>>
      %dma_start3A = arith.constant 0 : i32
      %dma_start3A_53 = tpu.memref_slice %arg9[%add3A_10, %dma_start3A] : memref<10240x128xf32, #tpu.memory_space<vmem_shared>> -> memref<128x128xf32, #tpu.memory_space<vmem_shared>>
      %dma_start3A_54 = arith.constant 0 : i32
      %dma_start3A_55 = tpu.memref_slice %arg9[%add3A_10, %dma_start3A_54] : memref<10240x128xf32, #tpu.memory_space<vmem_shared>> -> memref<128x128xf32, #tpu.memory_space<vmem_shared>>
      tpu.enqueue_dma source(%arg8 : memref<128x128xf32, #tpu.memory_space<vmem>>) target(%dma_start3A_55 : memref<128x128xf32, #tpu.memory_space<vmem_shared>>) target_semaphore(%run_scoped3A : memref<!tpu.dma_semaphore, #tpu.memory_space<semaphore_mem>>)
      %dma_wait3A = arith.constant 0 : i32
      %dma_wait3A_56 = tpu.memref_slice %arg9[%add3A_10, %dma_wait3A] : memref<10240x128xf32, #tpu.memory_space<vmem_shared>> -> memref<128x128xf32, #tpu.memory_space<vmem_shared>>
      %dma_wait3A_57 = arith.constant 0 : i32
      %dma_wait3A_58 = tpu.memref_slice %arg9[%add3A_10, %dma_wait3A_57] : memref<10240x128xf32, #tpu.memory_space<vmem_shared>> -> memref<128x128xf32, #tpu.memory_space<vmem_shared>>
      tpu.wait_dma2 semaphore(%run_scoped3A : memref<!tpu.dma_semaphore, #tpu.memory_space<semaphore_mem>>) src(%arg8 : memref<128x128xf32, #tpu.memory_space<vmem>>) dst(%dma_wait3A_58 : memref<128x128xf32, #tpu.memory_space<vmem_shared>>)
      tpu.yield
    }) : () -> ()
    %add3A_11 = arith.constant 512 : i32
    %add3A_12 = arith.addi %mul3A_2, %add3A_11 : i32
    "tpu.region"() ({
      %run_scoped3A = tpu.sem_alloc : memref<!tpu.dma_semaphore, #tpu.memory_space<semaphore_mem>>
      %dma_start3A = arith.constant 0 : i32
      %dma_start3A_53 = tpu.memref_slice %arg9[%add3A_12, %dma_start3A] : memref<10240x128xf32, #tpu.memory_space<vmem_shared>> -> memref<128x128xf32, #tpu.memory_space<vmem_shared>>
      %dma_start3A_54 = arith.constant 0 : i32
      %dma_start3A_55 = tpu.memref_slice %arg9[%add3A_12, %dma_start3A_54] : memref<10240x128xf32, #tpu.memory_space<vmem_shared>> -> memref<128x128xf32, #tpu.memory_space<vmem_shared>>
      tpu.enqueue_dma source(%arg8 : memref<128x128xf32, #tpu.memory_space<vmem>>) target(%dma_start3A_55 : memref<128x128xf32, #tpu.memory_space<vmem_shared>>) target_semaphore(%run_scoped3A : memref<!tpu.dma_semaphore, #tpu.memory_space<semaphore_mem>>)
      %dma_wait3A = arith.constant 0 : i32
      %dma_wait3A_56 = tpu.memref_slice %arg9[%add3A_12, %dma_wait3A] : memref<10240x128xf32, #tpu.memory_space<vmem_shared>> -> memref<128x128xf32, #tpu.memory_space<vmem_shared>>
      %dma_wait3A_57 = arith.constant 0 : i32
      %dma_wait3A_58 = tpu.memref_slice %arg9[%add3A_12, %dma_wait3A_57] : memref<10240x128xf32, #tpu.memory_space<vmem_shared>> -> memref<128x128xf32, #tpu.memory_space<vmem_shared>>
      tpu.wait_dma2 semaphore(%run_scoped3A : memref<!tpu.dma_semaphore, #tpu.memory_space<semaphore_mem>>) src(%arg8 : memref<128x128xf32, #tpu.memory_space<vmem>>) dst(%dma_wait3A_58 : memref<128x128xf32, #tpu.memory_space<vmem_shared>>)
      tpu.yield
    }) : () -> ()
    "tpu.region"() ({
      %run_scoped3A = tpu.sem_alloc : memref<!tpu.dma_semaphore, #tpu.memory_space<semaphore_mem>>
      tpu.enqueue_dma source(%arg3 : memref<128x128xf32, #tpu.memory_space<hbm>>) target(%arg7 : memref<128x128xf32, #tpu.memory_space<vmem>>) target_semaphore(%run_scoped3A : memref<!tpu.dma_semaphore, #tpu.memory_space<semaphore_mem>>)
      tpu.wait_dma2 semaphore(%run_scoped3A : memref<!tpu.dma_semaphore, #tpu.memory_space<semaphore_mem>>) src(%arg3 : memref<128x128xf32, #tpu.memory_space<hbm>>) dst(%arg7 : memref<128x128xf32, #tpu.memory_space<vmem>>)
      tpu.yield
    }) : () -> ()
    %barrier3A = arith.constant 0 : index
    tpu.barrier barrier_id(%barrier3A)
    %scan3A = arith.constant 0 : i32
    %scan3A_13 = arith.constant 79 : i32
    %scan3A_14 = arith.addi %scan3A, %scan3A_13 : i32
    %scan3A_15 = arith.constant 1 : i32
    scf.for %scan3A_53 = %scan3A to %scan3A_14 step %scan3A_15  : i32 {
      %mul3A_54 = arith.constant 1 : i32
      %mul3A_55 = arith.muli %scan3A_53, %mul3A_54 : i32
      %add3A_56 = arith.constant 0 : i32
      %add3A_57 = arith.addi %add3A_56, %mul3A_55 : i32
      %mul3A_58 = arith.constant 32 : i32
      %mul3A_59 = arith.muli %add3A_57, %mul3A_58 : i32
      %add3A_60 = arith.addi %add3A, %mul3A_59 : i32
      %mul3A_61 = arith.constant 128 : i32
      %mul3A_62 = arith.muli %add3A_60, %mul3A_61 : i32
      "tpu.region"() ({
        %run_scoped3A = tpu.sem_alloc : memref<!tpu.dma_semaphore, #tpu.memory_space<semaphore_mem>>
        %dma_start3A = tpu.memref_slice %arg2[%mul3A_62] : memref<323584xi32, #tpu.memory_space<hbm>> -> memref<128xi32, #tpu.memory_space<hbm>>
        %dma_start3A_63 = tpu.memref_slice %arg2[%mul3A_62] : memref<323584xi32, #tpu.memory_space<hbm>> -> memref<128xi32, #tpu.memory_space<hbm>>
        tpu.enqueue_dma source(%dma_start3A_63 : memref<128xi32, #tpu.memory_space<hbm>>) target(%arg6 : memref<128xi32, #tpu.memory_space<vmem>>) target_semaphore(%run_scoped3A : memref<!tpu.dma_semaphore, #tpu.memory_space<semaphore_mem>>)
        %dma_wait3A = tpu.memref_slice %arg2[%mul3A_62] : memref<323584xi32, #tpu.memory_space<hbm>> -> memref<128xi32, #tpu.memory_space<hbm>>
        %dma_wait3A_64 = tpu.memref_slice %arg2[%mul3A_62] : memref<323584xi32, #tpu.memory_space<hbm>> -> memref<128xi32, #tpu.memory_space<hbm>>
        tpu.wait_dma2 semaphore(%run_scoped3A : memref<!tpu.dma_semaphore, #tpu.memory_space<semaphore_mem>>) src(%dma_wait3A_64 : memref<128xi32, #tpu.memory_space<hbm>>) dst(%arg6 : memref<128xi32, #tpu.memory_space<vmem>>)
        tpu.yield
      }) : () -> ()
      "tpu.region"() ({
        %run_scoped3A = tpu.sem_alloc : memref<!tpu.dma_semaphore, #tpu.memory_space<semaphore_mem>>
        %dma_start3A = arith.constant 0 : i32
        %dma_start3A_63 = arith.constant 0 : i32
        %dma_start3A_64 = tpu.memref_slice %arg9[%dma_start3A, %dma_start3A_63] : memref<10240x128xf32, #tpu.memory_space<vmem_shared>> -> memref<10240x128xf32, #tpu.memory_space<vmem_shared>>
        tpu.enqueue_indirect_dma source(%arg7 : memref<128x128xf32, #tpu.memory_space<vmem>>) target(%dma_start3A_64 : memref<10240x128xf32, #tpu.memory_space<vmem_shared>>) offsets(%arg6 : memref<128xi32, #tpu.memory_space<vmem>>) semaphore(%run_scoped3A : memref<!tpu.dma_semaphore, #tpu.memory_space<semaphore_mem>>) {add = true}
        %dma_wait3A = arith.constant 0 : i32
        %dma_wait3A_65 = arith.constant 0 : i32
        %dma_wait3A_66 = tpu.memref_slice %arg9[%dma_wait3A, %dma_wait3A_65] : memref<10240x128xf32, #tpu.memory_space<vmem_shared>> -> memref<10240x128xf32, #tpu.memory_space<vmem_shared>>
        tpu.wait_indirect_dma semaphore(%run_scoped3A : memref<!tpu.dma_semaphore, #tpu.memory_space<semaphore_mem>>) src(%arg7 : memref<128x128xf32, #tpu.memory_space<vmem>>) dst(%dma_wait3A_66 : memref<10240x128xf32, #tpu.memory_space<vmem_shared>>)
        tpu.yield
      }) : () -> ()
    }
    %scan3A_16 = arith.constant 79 : i32
    %barrier3A_17 = arith.constant 0 : index
    tpu.barrier barrier_id(%barrier3A_17)
    %add3A_18 = arith.constant 0 : i32
    %add3A_19 = arith.addi %mul3A_2, %add3A_18 : i32
    "tpu.region"() ({
      %run_scoped3A = tpu.sem_alloc : memref<!tpu.dma_semaphore, #tpu.memory_space<semaphore_mem>>
      %dma_start3A = arith.constant 0 : i32
      %dma_start3A_53 = tpu.memref_slice %arg9[%add3A_19, %dma_start3A] : memref<10240x128xf32, #tpu.memory_space<vmem_shared>> -> memref<128x128xf32, #tpu.memory_space<vmem_shared>>
      %dma_start3A_54 = arith.constant 0 : i32
      %dma_start3A_55 = tpu.memref_slice %arg9[%add3A_19, %dma_start3A_54] : memref<10240x128xf32, #tpu.memory_space<vmem_shared>> -> memref<128x128xf32, #tpu.memory_space<vmem_shared>>
      tpu.enqueue_dma source(%dma_start3A_55 : memref<128x128xf32, #tpu.memory_space<vmem_shared>>) target(%arg8 : memref<128x128xf32, #tpu.memory_space<vmem>>) target_semaphore(%run_scoped3A : memref<!tpu.dma_semaphore, #tpu.memory_space<semaphore_mem>>)
      %dma_wait3A = arith.constant 0 : i32
      %dma_wait3A_56 = tpu.memref_slice %arg9[%add3A_19, %dma_wait3A] : memref<10240x128xf32, #tpu.memory_space<vmem_shared>> -> memref<128x128xf32, #tpu.memory_space<vmem_shared>>
      %dma_wait3A_57 = arith.constant 0 : i32
      %dma_wait3A_58 = tpu.memref_slice %arg9[%add3A_19, %dma_wait3A_57] : memref<10240x128xf32, #tpu.memory_space<vmem_shared>> -> memref<128x128xf32, #tpu.memory_space<vmem_shared>>
      tpu.wait_dma2 semaphore(%run_scoped3A : memref<!tpu.dma_semaphore, #tpu.memory_space<semaphore_mem>>) src(%dma_wait3A_58 : memref<128x128xf32, #tpu.memory_space<vmem_shared>>) dst(%arg8 : memref<128x128xf32, #tpu.memory_space<vmem>>)
      tpu.yield
    }) : () -> ()
    %mul3A_20 = arith.constant 10240 : i32
    %mul3A_21 = arith.muli %arg0, %mul3A_20 : i32
    %add3A_22 = arith.addi %mul3A_21, %mul3A_2 : i32
    %add3A_23 = arith.constant 0 : i32
    %add3A_24 = arith.addi %add3A_22, %add3A_23 : i32
    "tpu.region"() ({
      %run_scoped3A = tpu.sem_alloc : memref<!tpu.dma_semaphore, #tpu.memory_space<semaphore_mem>>
      %dma_start3A = arith.constant 0 : i32
      %dma_start3A_53 = tpu.memref_slice %arg5[%add3A_24, %dma_start3A] : memref<20480x128xf32, #tpu.memory_space<hbm>> -> memref<128x128xf32, #tpu.memory_space<hbm>>
      %dma_start3A_54 = arith.constant 0 : i32
      %dma_start3A_55 = tpu.memref_slice %arg5[%add3A_24, %dma_start3A_54] : memref<20480x128xf32, #tpu.memory_space<hbm>> -> memref<128x128xf32, #tpu.memory_space<hbm>>
      tpu.enqueue_dma source(%arg8 : memref<128x128xf32, #tpu.memory_space<vmem>>) target(%dma_start3A_55 : memref<128x128xf32, #tpu.memory_space<hbm>>) target_semaphore(%run_scoped3A : memref<!tpu.dma_semaphore, #tpu.memory_space<semaphore_mem>>)
      %dma_wait3A = arith.constant 0 : i32
      %dma_wait3A_56 = tpu.memref_slice %arg5[%add3A_24, %dma_wait3A] : memref<20480x128xf32, #tpu.memory_space<hbm>> -> memref<128x128xf32, #tpu.memory_space<hbm>>
      %dma_wait3A_57 = arith.constant 0 : i32
      %dma_wait3A_58 = tpu.memref_slice %arg5[%add3A_24, %dma_wait3A_57] : memref<20480x128xf32, #tpu.memory_space<hbm>> -> memref<128x128xf32, #tpu.memory_space<hbm>>
      tpu.wait_dma2 semaphore(%run_scoped3A : memref<!tpu.dma_semaphore, #tpu.memory_space<semaphore_mem>>) src(%arg8 : memref<128x128xf32, #tpu.memory_space<vmem>>) dst(%dma_wait3A_58 : memref<128x128xf32, #tpu.memory_space<hbm>>)
      tpu.yield
    }) : () -> ()
    %add3A_25 = arith.constant 128 : i32
    %add3A_26 = arith.addi %mul3A_2, %add3A_25 : i32
    "tpu.region"() ({
      %run_scoped3A = tpu.sem_alloc : memref<!tpu.dma_semaphore, #tpu.memory_space<semaphore_mem>>
      %dma_start3A = arith.constant 0 : i32
      %dma_start3A_53 = tpu.memref_slice %arg9[%add3A_26, %dma_start3A] : memref<10240x128xf32, #tpu.memory_space<vmem_shared>> -> memref<128x128xf32, #tpu.memory_space<vmem_shared>>
      %dma_start3A_54 = arith.constant 0 : i32
      %dma_start3A_55 = tpu.memref_slice %arg9[%add3A_26, %dma_start3A_54] : memref<10240x128xf32, #tpu.memory_space<vmem_shared>> -> memref<128x128xf32, #tpu.memory_space<vmem_shared>>
      tpu.enqueue_dma source(%dma_start3A_55 : memref<128x128xf32, #tpu.memory_space<vmem_shared>>) target(%arg8 : memref<128x128xf32, #tpu.memory_space<vmem>>) target_semaphore(%run_scoped3A : memref<!tpu.dma_semaphore, #tpu.memory_space<semaphore_mem>>)
      %dma_wait3A = arith.constant 0 : i32
      %dma_wait3A_56 = tpu.memref_slice %arg9[%add3A_26, %dma_wait3A] : memref<10240x128xf32, #tpu.memory_space<vmem_shared>> -> memref<128x128xf32, #tpu.memory_space<vmem_shared>>
      %dma_wait3A_57 = arith.constant 0 : i32
      %dma_wait3A_58 = tpu.memref_slice %arg9[%add3A_26, %dma_wait3A_57] : memref<10240x128xf32, #tpu.memory_space<vmem_shared>> -> memref<128x128xf32, #tpu.memory_space<vmem_shared>>
      tpu.wait_dma2 semaphore(%run_scoped3A : memref<!tpu.dma_semaphore, #tpu.memory_space<semaphore_mem>>) src(%dma_wait3A_58 : memref<128x128xf32, #tpu.memory_space<vmem_shared>>) dst(%arg8 : memref<128x128xf32, #tpu.memory_space<vmem>>)
      tpu.yield
    }) : () -> ()
    %mul3A_27 = arith.constant 10240 : i32
    %mul3A_28 = arith.muli %arg0, %mul3A_27 : i32
    %add3A_29 = arith.addi %mul3A_28, %mul3A_2 : i32
    %add3A_30 = arith.constant 128 : i32
    %add3A_31 = arith.addi %add3A_29, %add3A_30 : i32
    "tpu.region"() ({
      %run_scoped3A = tpu.sem_alloc : memref<!tpu.dma_semaphore, #tpu.memory_space<semaphore_mem>>
      %dma_start3A = arith.constant 0 : i32
      %dma_start3A_53 = tpu.memref_slice %arg5[%add3A_31, %dma_start3A] : memref<20480x128xf32, #tpu.memory_space<hbm>> -> memref<128x128xf32, #tpu.memory_space<hbm>>
      %dma_start3A_54 = arith.constant 0 : i32
      %dma_start3A_55 = tpu.memref_slice %arg5[%add3A_31, %dma_start3A_54] : memref<20480x128xf32, #tpu.memory_space<hbm>> -> memref<128x128xf32, #tpu.memory_space<hbm>>
      tpu.enqueue_dma source(%arg8 : memref<128x128xf32, #tpu.memory_space<vmem>>) target(%dma_start3A_55 : memref<128x128xf32, #tpu.memory_space<hbm>>) target_semaphore(%run_scoped3A : memref<!tpu.dma_semaphore, #tpu.memory_space<semaphore_mem>>)
      %dma_wait3A = arith.constant 0 : i32
      %dma_wait3A_56 = tpu.memref_slice %arg5[%add3A_31, %dma_wait3A] : memref<20480x128xf32, #tpu.memory_space<hbm>> -> memref<128x128xf32, #tpu.memory_space<hbm>>
      %dma_wait3A_57 = arith.constant 0 : i32
      %dma_wait3A_58 = tpu.memref_slice %arg5[%add3A_31, %dma_wait3A_57] : memref<20480x128xf32, #tpu.memory_space<hbm>> -> memref<128x128xf32, #tpu.memory_space<hbm>>
      tpu.wait_dma2 semaphore(%run_scoped3A : memref<!tpu.dma_semaphore, #tpu.memory_space<semaphore_mem>>) src(%arg8 : memref<128x128xf32, #tpu.memory_space<vmem>>) dst(%dma_wait3A_58 : memref<128x128xf32, #tpu.memory_space<hbm>>)
      tpu.yield
    }) : () -> ()
    %add3A_32 = arith.constant 256 : i32
    %add3A_33 = arith.addi %mul3A_2, %add3A_32 : i32
    "tpu.region"() ({
      %run_scoped3A = tpu.sem_alloc : memref<!tpu.dma_semaphore, #tpu.memory_space<semaphore_mem>>
      %dma_start3A = arith.constant 0 : i32
      %dma_start3A_53 = tpu.memref_slice %arg9[%add3A_33, %dma_start3A] : memref<10240x128xf32, #tpu.memory_space<vmem_shared>> -> memref<128x128xf32, #tpu.memory_space<vmem_shared>>
      %dma_start3A_54 = arith.constant 0 : i32
      %dma_start3A_55 = tpu.memref_slice %arg9[%add3A_33, %dma_start3A_54] : memref<10240x128xf32, #tpu.memory_space<vmem_shared>> -> memref<128x128xf32, #tpu.memory_space<vmem_shared>>
      tpu.enqueue_dma source(%dma_start3A_55 : memref<128x128xf32, #tpu.memory_space<vmem_shared>>) target(%arg8 : memref<128x128xf32, #tpu.memory_space<vmem>>) target_semaphore(%run_scoped3A : memref<!tpu.dma_semaphore, #tpu.memory_space<semaphore_mem>>)
      %dma_wait3A = arith.constant 0 : i32
      %dma_wait3A_56 = tpu.memref_slice %arg9[%add3A_33, %dma_wait3A] : memref<10240x128xf32, #tpu.memory_space<vmem_shared>> -> memref<128x128xf32, #tpu.memory_space<vmem_shared>>
      %dma_wait3A_57 = arith.constant 0 : i32
      %dma_wait3A_58 = tpu.memref_slice %arg9[%add3A_33, %dma_wait3A_57] : memref<10240x128xf32, #tpu.memory_space<vmem_shared>> -> memref<128x128xf32, #tpu.memory_space<vmem_shared>>
      tpu.wait_dma2 semaphore(%run_scoped3A : memref<!tpu.dma_semaphore, #tpu.memory_space<semaphore_mem>>) src(%dma_wait3A_58 : memref<128x128xf32, #tpu.memory_space<vmem_shared>>) dst(%arg8 : memref<128x128xf32, #tpu.memory_space<vmem>>)
      tpu.yield
    }) : () -> ()
    %mul3A_34 = arith.constant 10240 : i32
    %mul3A_35 = arith.muli %arg0, %mul3A_34 : i32
    %add3A_36 = arith.addi %mul3A_35, %mul3A_2 : i32
    %add3A_37 = arith.constant 256 : i32
    %add3A_38 = arith.addi %add3A_36, %add3A_37 : i32
    "tpu.region"() ({
      %run_scoped3A = tpu.sem_alloc : memref<!tpu.dma_semaphore, #tpu.memory_space<semaphore_mem>>
      %dma_start3A = arith.constant 0 : i32
      %dma_start3A_53 = tpu.memref_slice %arg5[%add3A_38, %dma_start3A] : memref<20480x128xf32, #tpu.memory_space<hbm>> -> memref<128x128xf32, #tpu.memory_space<hbm>>
      %dma_start3A_54 = arith.constant 0 : i32
      %dma_start3A_55 = tpu.memref_slice %arg5[%add3A_38, %dma_start3A_54] : memref<20480x128xf32, #tpu.memory_space<hbm>> -> memref<128x128xf32, #tpu.memory_space<hbm>>
      tpu.enqueue_dma source(%arg8 : memref<128x128xf32, #tpu.memory_space<vmem>>) target(%dma_start3A_55 : memref<128x128xf32, #tpu.memory_space<hbm>>) target_semaphore(%run_scoped3A : memref<!tpu.dma_semaphore, #tpu.memory_space<semaphore_mem>>)
      %dma_wait3A = arith.constant 0 : i32
      %dma_wait3A_56 = tpu.memref_slice %arg5[%add3A_38, %dma_wait3A] : memref<20480x128xf32, #tpu.memory_space<hbm>> -> memref<128x128xf32, #tpu.memory_space<hbm>>
      %dma_wait3A_57 = arith.constant 0 : i32
      %dma_wait3A_58 = tpu.memref_slice %arg5[%add3A_38, %dma_wait3A_57] : memref<20480x128xf32, #tpu.memory_space<hbm>> -> memref<128x128xf32, #tpu.memory_space<hbm>>
      tpu.wait_dma2 semaphore(%run_scoped3A : memref<!tpu.dma_semaphore, #tpu.memory_space<semaphore_mem>>) src(%arg8 : memref<128x128xf32, #tpu.memory_space<vmem>>) dst(%dma_wait3A_58 : memref<128x128xf32, #tpu.memory_space<hbm>>)
      tpu.yield
    }) : () -> ()
    %add3A_39 = arith.constant 384 : i32
    %add3A_40 = arith.addi %mul3A_2, %add3A_39 : i32
    "tpu.region"() ({
      %run_scoped3A = tpu.sem_alloc : memref<!tpu.dma_semaphore, #tpu.memory_space<semaphore_mem>>
      %dma_start3A = arith.constant 0 : i32
      %dma_start3A_53 = tpu.memref_slice %arg9[%add3A_40, %dma_start3A] : memref<10240x128xf32, #tpu.memory_space<vmem_shared>> -> memref<128x128xf32, #tpu.memory_space<vmem_shared>>
      %dma_start3A_54 = arith.constant 0 : i32
      %dma_start3A_55 = tpu.memref_slice %arg9[%add3A_40, %dma_start3A_54] : memref<10240x128xf32, #tpu.memory_space<vmem_shared>> -> memref<128x128xf32, #tpu.memory_space<vmem_shared>>
      tpu.enqueue_dma source(%dma_start3A_55 : memref<128x128xf32, #tpu.memory_space<vmem_shared>>) target(%arg8 : memref<128x128xf32, #tpu.memory_space<vmem>>) target_semaphore(%run_scoped3A : memref<!tpu.dma_semaphore, #tpu.memory_space<semaphore_mem>>)
      %dma_wait3A = arith.constant 0 : i32
      %dma_wait3A_56 = tpu.memref_slice %arg9[%add3A_40, %dma_wait3A] : memref<10240x128xf32, #tpu.memory_space<vmem_shared>> -> memref<128x128xf32, #tpu.memory_space<vmem_shared>>
      %dma_wait3A_57 = arith.constant 0 : i32
      %dma_wait3A_58 = tpu.memref_slice %arg9[%add3A_40, %dma_wait3A_57] : memref<10240x128xf32, #tpu.memory_space<vmem_shared>> -> memref<128x128xf32, #tpu.memory_space<vmem_shared>>
      tpu.wait_dma2 semaphore(%run_scoped3A : memref<!tpu.dma_semaphore, #tpu.memory_space<semaphore_mem>>) src(%dma_wait3A_58 : memref<128x128xf32, #tpu.memory_space<vmem_shared>>) dst(%arg8 : memref<128x128xf32, #tpu.memory_space<vmem>>)
      tpu.yield
    }) : () -> ()
    %mul3A_41 = arith.constant 10240 : i32
    %mul3A_42 = arith.muli %arg0, %mul3A_41 : i32
    %add3A_43 = arith.addi %mul3A_42, %mul3A_2 : i32
    %add3A_44 = arith.constant 384 : i32
    %add3A_45 = arith.addi %add3A_43, %add3A_44 : i32
    "tpu.region"() ({
      %run_scoped3A = tpu.sem_alloc : memref<!tpu.dma_semaphore, #tpu.memory_space<semaphore_mem>>
      %dma_start3A = arith.constant 0 : i32
      %dma_start3A_53 = tpu.memref_slice %arg5[%add3A_45, %dma_start3A] : memref<20480x128xf32, #tpu.memory_space<hbm>> -> memref<128x128xf32, #tpu.memory_space<hbm>>
      %dma_start3A_54 = arith.constant 0 : i32
      %dma_start3A_55 = tpu.memref_slice %arg5[%add3A_45, %dma_start3A_54] : memref<20480x128xf32, #tpu.memory_space<hbm>> -> memref<128x128xf32, #tpu.memory_space<hbm>>
      tpu.enqueue_dma source(%arg8 : memref<128x128xf32, #tpu.memory_space<vmem>>) target(%dma_start3A_55 : memref<128x128xf32, #tpu.memory_space<hbm>>) target_semaphore(%run_scoped3A : memref<!tpu.dma_semaphore, #tpu.memory_space<semaphore_mem>>)
      %dma_wait3A = arith.constant 0 : i32
      %dma_wait3A_56 = tpu.memref_slice %arg5[%add3A_45, %dma_wait3A] : memref<20480x128xf32, #tpu.memory_space<hbm>> -> memref<128x128xf32, #tpu.memory_space<hbm>>
      %dma_wait3A_57 = arith.constant 0 : i32
      %dma_wait3A_58 = tpu.memref_slice %arg5[%add3A_45, %dma_wait3A_57] : memref<20480x128xf32, #tpu.memory_space<hbm>> -> memref<128x128xf32, #tpu.memory_space<hbm>>
      tpu.wait_dma2 semaphore(%run_scoped3A : memref<!tpu.dma_semaphore, #tpu.memory_space<semaphore_mem>>) src(%arg8 : memref<128x128xf32, #tpu.memory_space<vmem>>) dst(%dma_wait3A_58 : memref<128x128xf32, #tpu.memory_space<hbm>>)
      tpu.yield
    }) : () -> ()
    %add3A_46 = arith.constant 512 : i32
    %add3A_47 = arith.addi %mul3A_2, %add3A_46 : i32
    "tpu.region"() ({
      %run_scoped3A = tpu.sem_alloc : memref<!tpu.dma_semaphore, #tpu.memory_space<semaphore_mem>>
      %dma_start3A = arith.constant 0 : i32
      %dma_start3A_53 = tpu.memref_slice %arg9[%add3A_47, %dma_start3A] : memref<10240x128xf32, #tpu.memory_space<vmem_shared>> -> memref<128x128xf32, #tpu.memory_space<vmem_shared>>
      %dma_start3A_54 = arith.constant 0 : i32
      %dma_start3A_55 = tpu.memref_slice %arg9[%add3A_47, %dma_start3A_54] : memref<10240x128xf32, #tpu.memory_space<vmem_shared>> -> memref<128x128xf32, #tpu.memory_space<vmem_shared>>
      tpu.enqueue_dma source(%dma_start3A_55 : memref<128x128xf32, #tpu.memory_space<vmem_shared>>) target(%arg8 : memref<128x128xf32, #tpu.memory_space<vmem>>) target_semaphore(%run_scoped3A : memref<!tpu.dma_semaphore, #tpu.memory_space<semaphore_mem>>)
      %dma_wait3A = arith.constant 0 : i32
      %dma_wait3A_56 = tpu.memref_slice %arg9[%add3A_47, %dma_wait3A] : memref<10240x128xf32, #tpu.memory_space<vmem_shared>> -> memref<128x128xf32, #tpu.memory_space<vmem_shared>>
      %dma_wait3A_57 = arith.constant 0 : i32
      %dma_wait3A_58 = tpu.memref_slice %arg9[%add3A_47, %dma_wait3A_57] : memref<10240x128xf32, #tpu.memory_space<vmem_shared>> -> memref<128x128xf32, #tpu.memory_space<vmem_shared>>
      tpu.wait_dma2 semaphore(%run_scoped3A : memref<!tpu.dma_semaphore, #tpu.memory_space<semaphore_mem>>) src(%dma_wait3A_58 : memref<128x128xf32, #tpu.memory_space<vmem_shared>>) dst(%arg8 : memref<128x128xf32, #tpu.memory_space<vmem>>)
      tpu.yield
    }) : () -> ()
    %mul3A_48 = arith.constant 10240 : i32
    %mul3A_49 = arith.muli %arg0, %mul3A_48 : i32
    %add3A_50 = arith.addi %mul3A_49, %mul3A_2 : i32
    %add3A_51 = arith.constant 512 : i32
    %add3A_52 = arith.addi %add3A_50, %add3A_51 : i32
    "tpu.region"() ({
      %run_scoped3A = tpu.sem_alloc : memref<!tpu.dma_semaphore, #tpu.memory_space<semaphore_mem>>
      %dma_start3A = arith.constant 0 : i32
      %dma_start3A_53 = tpu.memref_slice %arg5[%add3A_52, %dma_start3A] : memref<20480x128xf32, #tpu.memory_space<hbm>> -> memref<128x128xf32, #tpu.memory_space<hbm>>
      %dma_start3A_54 = arith.constant 0 : i32
      %dma_start3A_55 = tpu.memref_slice %arg5[%add3A_52, %dma_start3A_54] : memref<20480x128xf32, #tpu.memory_space<hbm>> -> memref<128x128xf32, #tpu.memory_space<hbm>>
      tpu.enqueue_dma source(%arg8 : memref<128x128xf32, #tpu.memory_space<vmem>>) target(%dma_start3A_55 : memref<128x128xf32, #tpu.memory_space<hbm>>) target_semaphore(%run_scoped3A : memref<!tpu.dma_semaphore, #tpu.memory_space<semaphore_mem>>)
      %dma_wait3A = arith.constant 0 : i32
      %dma_wait3A_56 = tpu.memref_slice %arg5[%add3A_52, %dma_wait3A] : memref<20480x128xf32, #tpu.memory_space<hbm>> -> memref<128x128xf32, #tpu.memory_space<hbm>>
      %dma_wait3A_57 = arith.constant 0 : i32
      %dma_wait3A_58 = tpu.memref_slice %arg5[%add3A_52, %dma_wait3A_57] : memref<20480x128xf32, #tpu.memory_space<hbm>> -> memref<128x128xf32, #tpu.memory_space<hbm>>
      tpu.wait_dma2 semaphore(%run_scoped3A : memref<!tpu.dma_semaphore, #tpu.memory_space<semaphore_mem>>) src(%arg8 : memref<128x128xf32, #tpu.memory_space<vmem>>) dst(%dma_wait3A_58 : memref<128x128xf32, #tpu.memory_space<hbm>>)
      tpu.yield
    }) : () -> ()
    return
  }
}

#map = affine_map<(d0, d1) -> (0)>
#map1 = affine_map<(d0, d1) -> (0, 0)>
module attributes {stable_mosaic.version = 14 : i64} {
  func.func @k(%arg0: i32, %arg1: i32, %arg2: memref<323584xi32, #tpu.memory_space<hbm>>, %arg3: memref<323584xi32, #tpu.memory_space<hbm>>, %arg4: memref<10000x128xf32, #tpu.memory_space<hbm>>, %arg5: memref<128x128xf32, #tpu.memory_space<hbm>>, %arg6: memref<20480x128xf32, #tpu.memory_space<hbm>>, %arg7: memref<128xi32, #tpu.memory_space<vmem>>, %arg8: memref<128xi32, #tpu.memory_space<vmem>>, %arg9: memref<128x128xf32, #tpu.memory_space<vmem>>, %arg10: memref<10240x128xf32, #tpu.memory_space<vmem_shared>>) attributes {dimension_semantics = [#tpu.dimension_semantics<core_parallel>, #tpu.dimension_semantics<subcore_parallel>], iteration_bounds = array<i64: 2, 16>, scalar_prefetch = 0 : i64, scratch_operands = 4 : i64, tpu.core_type = #tpu.core_type<sc_vector_subcore>, window_params = [{transform_indices = #map}, {transform_indices = #map}, {transform_indices = #map1}, {transform_indices = #map1}, {transform_indices = #map1}]} {
    %mul3A = arith.constant 2 : i32
    %mul3A_0 = arith.muli %arg1, %mul3A : i32
    %add3A = arith.addi %mul3A_0, %arg0 : i32
    %mul3A_1 = arith.constant 640 : i32
    %mul3A_2 = arith.muli %arg1, %mul3A_1 : i32
    "tpu.region"() ({
      %run_scoped3A = tpu.sem_alloc : memref<!tpu.dma_semaphore, #tpu.memory_space<semaphore_mem>>
      tpu.enqueue_dma source(%arg5 : memref<128x128xf32, #tpu.memory_space<hbm>>) target(%arg9 : memref<128x128xf32, #tpu.memory_space<vmem>>) target_semaphore(%run_scoped3A : memref<!tpu.dma_semaphore, #tpu.memory_space<semaphore_mem>>)
      tpu.wait_dma2 semaphore(%run_scoped3A : memref<!tpu.dma_semaphore, #tpu.memory_space<semaphore_mem>>) src(%arg5 : memref<128x128xf32, #tpu.memory_space<hbm>>) dst(%arg9 : memref<128x128xf32, #tpu.memory_space<vmem>>)
      tpu.yield
    }) : () -> ()
    %add3A_3 = arith.constant 0 : i32
    %add3A_4 = arith.addi %mul3A_2, %add3A_3 : i32
    "tpu.region"() ({
      %run_scoped3A = tpu.sem_alloc : memref<!tpu.dma_semaphore, #tpu.memory_space<semaphore_mem>>
      %dma_start3A = arith.constant 0 : i32
      %dma_start3A_53 = tpu.memref_slice %arg10[%add3A_4, %dma_start3A] : memref<10240x128xf32, #tpu.memory_space<vmem_shared>> -> memref<128x128xf32, #tpu.memory_space<vmem_shared>>
      %dma_start3A_54 = arith.constant 0 : i32
      %dma_start3A_55 = tpu.memref_slice %arg10[%add3A_4, %dma_start3A_54] : memref<10240x128xf32, #tpu.memory_space<vmem_shared>> -> memref<128x128xf32, #tpu.memory_space<vmem_shared>>
      tpu.enqueue_dma source(%arg9 : memref<128x128xf32, #tpu.memory_space<vmem>>) target(%dma_start3A_55 : memref<128x128xf32, #tpu.memory_space<vmem_shared>>) target_semaphore(%run_scoped3A : memref<!tpu.dma_semaphore, #tpu.memory_space<semaphore_mem>>)
      %dma_wait3A = arith.constant 0 : i32
      %dma_wait3A_56 = tpu.memref_slice %arg10[%add3A_4, %dma_wait3A] : memref<10240x128xf32, #tpu.memory_space<vmem_shared>> -> memref<128x128xf32, #tpu.memory_space<vmem_shared>>
      %dma_wait3A_57 = arith.constant 0 : i32
      %dma_wait3A_58 = tpu.memref_slice %arg10[%add3A_4, %dma_wait3A_57] : memref<10240x128xf32, #tpu.memory_space<vmem_shared>> -> memref<128x128xf32, #tpu.memory_space<vmem_shared>>
      tpu.wait_dma2 semaphore(%run_scoped3A : memref<!tpu.dma_semaphore, #tpu.memory_space<semaphore_mem>>) src(%arg9 : memref<128x128xf32, #tpu.memory_space<vmem>>) dst(%dma_wait3A_58 : memref<128x128xf32, #tpu.memory_space<vmem_shared>>)
      tpu.yield
    }) : () -> ()
    %add3A_5 = arith.constant 128 : i32
    %add3A_6 = arith.addi %mul3A_2, %add3A_5 : i32
    "tpu.region"() ({
      %run_scoped3A = tpu.sem_alloc : memref<!tpu.dma_semaphore, #tpu.memory_space<semaphore_mem>>
      %dma_start3A = arith.constant 0 : i32
      %dma_start3A_53 = tpu.memref_slice %arg10[%add3A_6, %dma_start3A] : memref<10240x128xf32, #tpu.memory_space<vmem_shared>> -> memref<128x128xf32, #tpu.memory_space<vmem_shared>>
      %dma_start3A_54 = arith.constant 0 : i32
      %dma_start3A_55 = tpu.memref_slice %arg10[%add3A_6, %dma_start3A_54] : memref<10240x128xf32, #tpu.memory_space<vmem_shared>> -> memref<128x128xf32, #tpu.memory_space<vmem_shared>>
      tpu.enqueue_dma source(%arg9 : memref<128x128xf32, #tpu.memory_space<vmem>>) target(%dma_start3A_55 : memref<128x128xf32, #tpu.memory_space<vmem_shared>>) target_semaphore(%run_scoped3A : memref<!tpu.dma_semaphore, #tpu.memory_space<semaphore_mem>>)
      %dma_wait3A = arith.constant 0 : i32
      %dma_wait3A_56 = tpu.memref_slice %arg10[%add3A_6, %dma_wait3A] : memref<10240x128xf32, #tpu.memory_space<vmem_shared>> -> memref<128x128xf32, #tpu.memory_space<vmem_shared>>
      %dma_wait3A_57 = arith.constant 0 : i32
      %dma_wait3A_58 = tpu.memref_slice %arg10[%add3A_6, %dma_wait3A_57] : memref<10240x128xf32, #tpu.memory_space<vmem_shared>> -> memref<128x128xf32, #tpu.memory_space<vmem_shared>>
      tpu.wait_dma2 semaphore(%run_scoped3A : memref<!tpu.dma_semaphore, #tpu.memory_space<semaphore_mem>>) src(%arg9 : memref<128x128xf32, #tpu.memory_space<vmem>>) dst(%dma_wait3A_58 : memref<128x128xf32, #tpu.memory_space<vmem_shared>>)
      tpu.yield
    }) : () -> ()
    %add3A_7 = arith.constant 256 : i32
    %add3A_8 = arith.addi %mul3A_2, %add3A_7 : i32
    "tpu.region"() ({
      %run_scoped3A = tpu.sem_alloc : memref<!tpu.dma_semaphore, #tpu.memory_space<semaphore_mem>>
      %dma_start3A = arith.constant 0 : i32
      %dma_start3A_53 = tpu.memref_slice %arg10[%add3A_8, %dma_start3A] : memref<10240x128xf32, #tpu.memory_space<vmem_shared>> -> memref<128x128xf32, #tpu.memory_space<vmem_shared>>
      %dma_start3A_54 = arith.constant 0 : i32
      %dma_start3A_55 = tpu.memref_slice %arg10[%add3A_8, %dma_start3A_54] : memref<10240x128xf32, #tpu.memory_space<vmem_shared>> -> memref<128x128xf32, #tpu.memory_space<vmem_shared>>
      tpu.enqueue_dma source(%arg9 : memref<128x128xf32, #tpu.memory_space<vmem>>) target(%dma_start3A_55 : memref<128x128xf32, #tpu.memory_space<vmem_shared>>) target_semaphore(%run_scoped3A : memref<!tpu.dma_semaphore, #tpu.memory_space<semaphore_mem>>)
      %dma_wait3A = arith.constant 0 : i32
      %dma_wait3A_56 = tpu.memref_slice %arg10[%add3A_8, %dma_wait3A] : memref<10240x128xf32, #tpu.memory_space<vmem_shared>> -> memref<128x128xf32, #tpu.memory_space<vmem_shared>>
      %dma_wait3A_57 = arith.constant 0 : i32
      %dma_wait3A_58 = tpu.memref_slice %arg10[%add3A_8, %dma_wait3A_57] : memref<10240x128xf32, #tpu.memory_space<vmem_shared>> -> memref<128x128xf32, #tpu.memory_space<vmem_shared>>
      tpu.wait_dma2 semaphore(%run_scoped3A : memref<!tpu.dma_semaphore, #tpu.memory_space<semaphore_mem>>) src(%arg9 : memref<128x128xf32, #tpu.memory_space<vmem>>) dst(%dma_wait3A_58 : memref<128x128xf32, #tpu.memory_space<vmem_shared>>)
      tpu.yield
    }) : () -> ()
    %add3A_9 = arith.constant 384 : i32
    %add3A_10 = arith.addi %mul3A_2, %add3A_9 : i32
    "tpu.region"() ({
      %run_scoped3A = tpu.sem_alloc : memref<!tpu.dma_semaphore, #tpu.memory_space<semaphore_mem>>
      %dma_start3A = arith.constant 0 : i32
      %dma_start3A_53 = tpu.memref_slice %arg10[%add3A_10, %dma_start3A] : memref<10240x128xf32, #tpu.memory_space<vmem_shared>> -> memref<128x128xf32, #tpu.memory_space<vmem_shared>>
      %dma_start3A_54 = arith.constant 0 : i32
      %dma_start3A_55 = tpu.memref_slice %arg10[%add3A_10, %dma_start3A_54] : memref<10240x128xf32, #tpu.memory_space<vmem_shared>> -> memref<128x128xf32, #tpu.memory_space<vmem_shared>>
      tpu.enqueue_dma source(%arg9 : memref<128x128xf32, #tpu.memory_space<vmem>>) target(%dma_start3A_55 : memref<128x128xf32, #tpu.memory_space<vmem_shared>>) target_semaphore(%run_scoped3A : memref<!tpu.dma_semaphore, #tpu.memory_space<semaphore_mem>>)
      %dma_wait3A = arith.constant 0 : i32
      %dma_wait3A_56 = tpu.memref_slice %arg10[%add3A_10, %dma_wait3A] : memref<10240x128xf32, #tpu.memory_space<vmem_shared>> -> memref<128x128xf32, #tpu.memory_space<vmem_shared>>
      %dma_wait3A_57 = arith.constant 0 : i32
      %dma_wait3A_58 = tpu.memref_slice %arg10[%add3A_10, %dma_wait3A_57] : memref<10240x128xf32, #tpu.memory_space<vmem_shared>> -> memref<128x128xf32, #tpu.memory_space<vmem_shared>>
      tpu.wait_dma2 semaphore(%run_scoped3A : memref<!tpu.dma_semaphore, #tpu.memory_space<semaphore_mem>>) src(%arg9 : memref<128x128xf32, #tpu.memory_space<vmem>>) dst(%dma_wait3A_58 : memref<128x128xf32, #tpu.memory_space<vmem_shared>>)
      tpu.yield
    }) : () -> ()
    %add3A_11 = arith.constant 512 : i32
    %add3A_12 = arith.addi %mul3A_2, %add3A_11 : i32
    "tpu.region"() ({
      %run_scoped3A = tpu.sem_alloc : memref<!tpu.dma_semaphore, #tpu.memory_space<semaphore_mem>>
      %dma_start3A = arith.constant 0 : i32
      %dma_start3A_53 = tpu.memref_slice %arg10[%add3A_12, %dma_start3A] : memref<10240x128xf32, #tpu.memory_space<vmem_shared>> -> memref<128x128xf32, #tpu.memory_space<vmem_shared>>
      %dma_start3A_54 = arith.constant 0 : i32
      %dma_start3A_55 = tpu.memref_slice %arg10[%add3A_12, %dma_start3A_54] : memref<10240x128xf32, #tpu.memory_space<vmem_shared>> -> memref<128x128xf32, #tpu.memory_space<vmem_shared>>
      tpu.enqueue_dma source(%arg9 : memref<128x128xf32, #tpu.memory_space<vmem>>) target(%dma_start3A_55 : memref<128x128xf32, #tpu.memory_space<vmem_shared>>) target_semaphore(%run_scoped3A : memref<!tpu.dma_semaphore, #tpu.memory_space<semaphore_mem>>)
      %dma_wait3A = arith.constant 0 : i32
      %dma_wait3A_56 = tpu.memref_slice %arg10[%add3A_12, %dma_wait3A] : memref<10240x128xf32, #tpu.memory_space<vmem_shared>> -> memref<128x128xf32, #tpu.memory_space<vmem_shared>>
      %dma_wait3A_57 = arith.constant 0 : i32
      %dma_wait3A_58 = tpu.memref_slice %arg10[%add3A_12, %dma_wait3A_57] : memref<10240x128xf32, #tpu.memory_space<vmem_shared>> -> memref<128x128xf32, #tpu.memory_space<vmem_shared>>
      tpu.wait_dma2 semaphore(%run_scoped3A : memref<!tpu.dma_semaphore, #tpu.memory_space<semaphore_mem>>) src(%arg9 : memref<128x128xf32, #tpu.memory_space<vmem>>) dst(%dma_wait3A_58 : memref<128x128xf32, #tpu.memory_space<vmem_shared>>)
      tpu.yield
    }) : () -> ()
    %barrier3A = arith.constant 0 : index
    tpu.barrier barrier_id(%barrier3A)
    %scan3A = arith.constant 0 : i32
    %scan3A_13 = arith.constant 79 : i32
    %scan3A_14 = arith.addi %scan3A, %scan3A_13 : i32
    %scan3A_15 = arith.constant 1 : i32
    scf.for %scan3A_53 = %scan3A to %scan3A_14 step %scan3A_15  : i32 {
      %mul3A_54 = arith.constant 1 : i32
      %mul3A_55 = arith.muli %scan3A_53, %mul3A_54 : i32
      %add3A_56 = arith.constant 0 : i32
      %add3A_57 = arith.addi %add3A_56, %mul3A_55 : i32
      %mul3A_58 = arith.constant 32 : i32
      %mul3A_59 = arith.muli %add3A_57, %mul3A_58 : i32
      %add3A_60 = arith.addi %add3A, %mul3A_59 : i32
      %mul3A_61 = arith.constant 128 : i32
      %mul3A_62 = arith.muli %add3A_60, %mul3A_61 : i32
      "tpu.region"() ({
        %run_scoped3A = tpu.sem_alloc : memref<!tpu.dma_semaphore, #tpu.memory_space<semaphore_mem>>
        %dma_start3A = tpu.memref_slice %arg2[%mul3A_62] : memref<323584xi32, #tpu.memory_space<hbm>> -> memref<128xi32, #tpu.memory_space<hbm>>
        %dma_start3A_63 = tpu.memref_slice %arg2[%mul3A_62] : memref<323584xi32, #tpu.memory_space<hbm>> -> memref<128xi32, #tpu.memory_space<hbm>>
        tpu.enqueue_dma source(%dma_start3A_63 : memref<128xi32, #tpu.memory_space<hbm>>) target(%arg7 : memref<128xi32, #tpu.memory_space<vmem>>) target_semaphore(%run_scoped3A : memref<!tpu.dma_semaphore, #tpu.memory_space<semaphore_mem>>)
        %dma_wait3A = tpu.memref_slice %arg2[%mul3A_62] : memref<323584xi32, #tpu.memory_space<hbm>> -> memref<128xi32, #tpu.memory_space<hbm>>
        %dma_wait3A_64 = tpu.memref_slice %arg2[%mul3A_62] : memref<323584xi32, #tpu.memory_space<hbm>> -> memref<128xi32, #tpu.memory_space<hbm>>
        tpu.wait_dma2 semaphore(%run_scoped3A : memref<!tpu.dma_semaphore, #tpu.memory_space<semaphore_mem>>) src(%dma_wait3A_64 : memref<128xi32, #tpu.memory_space<hbm>>) dst(%arg7 : memref<128xi32, #tpu.memory_space<vmem>>)
        tpu.yield
      }) : () -> ()
      "tpu.region"() ({
        %run_scoped3A = tpu.sem_alloc : memref<!tpu.dma_semaphore, #tpu.memory_space<semaphore_mem>>
        %dma_start3A = tpu.memref_slice %arg3[%mul3A_62] : memref<323584xi32, #tpu.memory_space<hbm>> -> memref<128xi32, #tpu.memory_space<hbm>>
        %dma_start3A_63 = tpu.memref_slice %arg3[%mul3A_62] : memref<323584xi32, #tpu.memory_space<hbm>> -> memref<128xi32, #tpu.memory_space<hbm>>
        tpu.enqueue_dma source(%dma_start3A_63 : memref<128xi32, #tpu.memory_space<hbm>>) target(%arg8 : memref<128xi32, #tpu.memory_space<vmem>>) target_semaphore(%run_scoped3A : memref<!tpu.dma_semaphore, #tpu.memory_space<semaphore_mem>>)
        %dma_wait3A = tpu.memref_slice %arg3[%mul3A_62] : memref<323584xi32, #tpu.memory_space<hbm>> -> memref<128xi32, #tpu.memory_space<hbm>>
        %dma_wait3A_64 = tpu.memref_slice %arg3[%mul3A_62] : memref<323584xi32, #tpu.memory_space<hbm>> -> memref<128xi32, #tpu.memory_space<hbm>>
        tpu.wait_dma2 semaphore(%run_scoped3A : memref<!tpu.dma_semaphore, #tpu.memory_space<semaphore_mem>>) src(%dma_wait3A_64 : memref<128xi32, #tpu.memory_space<hbm>>) dst(%arg8 : memref<128xi32, #tpu.memory_space<vmem>>)
        tpu.yield
      }) : () -> ()
      "tpu.region"() ({
        %run_scoped3A = tpu.sem_alloc : memref<!tpu.dma_semaphore, #tpu.memory_space<semaphore_mem>>
        %dma_start3A = arith.constant 0 : i32
        %dma_start3A_63 = arith.constant 0 : i32
        %dma_start3A_64 = tpu.memref_slice %arg4[%dma_start3A, %dma_start3A_63] : memref<10000x128xf32, #tpu.memory_space<hbm>> -> memref<10000x128xf32, #tpu.memory_space<hbm>>
        tpu.enqueue_indirect_dma source(%dma_start3A_64 : memref<10000x128xf32, #tpu.memory_space<hbm>>) target(%arg9 : memref<128x128xf32, #tpu.memory_space<vmem>>) offsets(%arg7 : memref<128xi32, #tpu.memory_space<vmem>>) semaphore(%run_scoped3A : memref<!tpu.dma_semaphore, #tpu.memory_space<semaphore_mem>>)
        %dma_wait3A = arith.constant 0 : i32
        %dma_wait3A_65 = arith.constant 0 : i32
        %dma_wait3A_66 = tpu.memref_slice %arg4[%dma_wait3A, %dma_wait3A_65] : memref<10000x128xf32, #tpu.memory_space<hbm>> -> memref<10000x128xf32, #tpu.memory_space<hbm>>
        tpu.wait_indirect_dma semaphore(%run_scoped3A : memref<!tpu.dma_semaphore, #tpu.memory_space<semaphore_mem>>) src(%dma_wait3A_66 : memref<10000x128xf32, #tpu.memory_space<hbm>>) dst(%arg9 : memref<128x128xf32, #tpu.memory_space<vmem>>)
        tpu.yield
      }) : () -> ()
      "tpu.region"() ({
        %run_scoped3A = tpu.sem_alloc : memref<!tpu.dma_semaphore, #tpu.memory_space<semaphore_mem>>
        %dma_start3A = arith.constant 0 : i32
        %dma_start3A_63 = arith.constant 0 : i32
        %dma_start3A_64 = tpu.memref_slice %arg10[%dma_start3A, %dma_start3A_63] : memref<10240x128xf32, #tpu.memory_space<vmem_shared>> -> memref<10240x128xf32, #tpu.memory_space<vmem_shared>>
        tpu.enqueue_indirect_dma source(%arg9 : memref<128x128xf32, #tpu.memory_space<vmem>>) target(%dma_start3A_64 : memref<10240x128xf32, #tpu.memory_space<vmem_shared>>) offsets(%arg8 : memref<128xi32, #tpu.memory_space<vmem>>) semaphore(%run_scoped3A : memref<!tpu.dma_semaphore, #tpu.memory_space<semaphore_mem>>) {add = true}
        %dma_wait3A = arith.constant 0 : i32
        %dma_wait3A_65 = arith.constant 0 : i32
        %dma_wait3A_66 = tpu.memref_slice %arg10[%dma_wait3A, %dma_wait3A_65] : memref<10240x128xf32, #tpu.memory_space<vmem_shared>> -> memref<10240x128xf32, #tpu.memory_space<vmem_shared>>
        tpu.wait_indirect_dma semaphore(%run_scoped3A : memref<!tpu.dma_semaphore, #tpu.memory_space<semaphore_mem>>) src(%arg9 : memref<128x128xf32, #tpu.memory_space<vmem>>) dst(%dma_wait3A_66 : memref<10240x128xf32, #tpu.memory_space<vmem_shared>>)
        tpu.yield
      }) : () -> ()
    }
    %scan3A_16 = arith.constant 79 : i32
    %barrier3A_17 = arith.constant 0 : index
    tpu.barrier barrier_id(%barrier3A_17)
    %add3A_18 = arith.constant 0 : i32
    %add3A_19 = arith.addi %mul3A_2, %add3A_18 : i32
    %mul3A_20 = arith.constant 10240 : i32
    %mul3A_21 = arith.muli %arg0, %mul3A_20 : i32
    %add3A_22 = arith.addi %mul3A_21, %mul3A_2 : i32
    %add3A_23 = arith.constant 0 : i32
    %add3A_24 = arith.addi %add3A_22, %add3A_23 : i32
    "tpu.region"() ({
      %run_scoped3A = tpu.sem_alloc : memref<!tpu.dma_semaphore, #tpu.memory_space<semaphore_mem>>
      %dma_start3A = arith.constant 0 : i32
      %dma_start3A_53 = tpu.memref_slice %arg10[%add3A_19, %dma_start3A] : memref<10240x128xf32, #tpu.memory_space<vmem_shared>> -> memref<128x128xf32, #tpu.memory_space<vmem_shared>>
      %dma_start3A_54 = arith.constant 0 : i32
      %dma_start3A_55 = tpu.memref_slice %arg10[%add3A_19, %dma_start3A_54] : memref<10240x128xf32, #tpu.memory_space<vmem_shared>> -> memref<128x128xf32, #tpu.memory_space<vmem_shared>>
      tpu.enqueue_dma source(%dma_start3A_55 : memref<128x128xf32, #tpu.memory_space<vmem_shared>>) target(%arg9 : memref<128x128xf32, #tpu.memory_space<vmem>>) target_semaphore(%run_scoped3A : memref<!tpu.dma_semaphore, #tpu.memory_space<semaphore_mem>>)
      %dma_wait3A = arith.constant 0 : i32
      %dma_wait3A_56 = tpu.memref_slice %arg10[%add3A_19, %dma_wait3A] : memref<10240x128xf32, #tpu.memory_space<vmem_shared>> -> memref<128x128xf32, #tpu.memory_space<vmem_shared>>
      %dma_wait3A_57 = arith.constant 0 : i32
      %dma_wait3A_58 = tpu.memref_slice %arg10[%add3A_19, %dma_wait3A_57] : memref<10240x128xf32, #tpu.memory_space<vmem_shared>> -> memref<128x128xf32, #tpu.memory_space<vmem_shared>>
      tpu.wait_dma2 semaphore(%run_scoped3A : memref<!tpu.dma_semaphore, #tpu.memory_space<semaphore_mem>>) src(%dma_wait3A_58 : memref<128x128xf32, #tpu.memory_space<vmem_shared>>) dst(%arg9 : memref<128x128xf32, #tpu.memory_space<vmem>>)
      tpu.yield
    }) : () -> ()
    "tpu.region"() ({
      %run_scoped3A = tpu.sem_alloc : memref<!tpu.dma_semaphore, #tpu.memory_space<semaphore_mem>>
      %dma_start3A = arith.constant 0 : i32
      %dma_start3A_53 = tpu.memref_slice %arg6[%add3A_24, %dma_start3A] : memref<20480x128xf32, #tpu.memory_space<hbm>> -> memref<128x128xf32, #tpu.memory_space<hbm>>
      %dma_start3A_54 = arith.constant 0 : i32
      %dma_start3A_55 = tpu.memref_slice %arg6[%add3A_24, %dma_start3A_54] : memref<20480x128xf32, #tpu.memory_space<hbm>> -> memref<128x128xf32, #tpu.memory_space<hbm>>
      tpu.enqueue_dma source(%arg9 : memref<128x128xf32, #tpu.memory_space<vmem>>) target(%dma_start3A_55 : memref<128x128xf32, #tpu.memory_space<hbm>>) target_semaphore(%run_scoped3A : memref<!tpu.dma_semaphore, #tpu.memory_space<semaphore_mem>>)
      %dma_wait3A = arith.constant 0 : i32
      %dma_wait3A_56 = tpu.memref_slice %arg6[%add3A_24, %dma_wait3A] : memref<20480x128xf32, #tpu.memory_space<hbm>> -> memref<128x128xf32, #tpu.memory_space<hbm>>
      %dma_wait3A_57 = arith.constant 0 : i32
      %dma_wait3A_58 = tpu.memref_slice %arg6[%add3A_24, %dma_wait3A_57] : memref<20480x128xf32, #tpu.memory_space<hbm>> -> memref<128x128xf32, #tpu.memory_space<hbm>>
      tpu.wait_dma2 semaphore(%run_scoped3A : memref<!tpu.dma_semaphore, #tpu.memory_space<semaphore_mem>>) src(%arg9 : memref<128x128xf32, #tpu.memory_space<vmem>>) dst(%dma_wait3A_58 : memref<128x128xf32, #tpu.memory_space<hbm>>)
      tpu.yield
    }) : () -> ()
    %add3A_25 = arith.constant 128 : i32
    %add3A_26 = arith.addi %mul3A_2, %add3A_25 : i32
    %mul3A_27 = arith.constant 10240 : i32
    %mul3A_28 = arith.muli %arg0, %mul3A_27 : i32
    %add3A_29 = arith.addi %mul3A_28, %mul3A_2 : i32
    %add3A_30 = arith.constant 128 : i32
    %add3A_31 = arith.addi %add3A_29, %add3A_30 : i32
    "tpu.region"() ({
      %run_scoped3A = tpu.sem_alloc : memref<!tpu.dma_semaphore, #tpu.memory_space<semaphore_mem>>
      %dma_start3A = arith.constant 0 : i32
      %dma_start3A_53 = tpu.memref_slice %arg10[%add3A_26, %dma_start3A] : memref<10240x128xf32, #tpu.memory_space<vmem_shared>> -> memref<128x128xf32, #tpu.memory_space<vmem_shared>>
      %dma_start3A_54 = arith.constant 0 : i32
      %dma_start3A_55 = tpu.memref_slice %arg10[%add3A_26, %dma_start3A_54] : memref<10240x128xf32, #tpu.memory_space<vmem_shared>> -> memref<128x128xf32, #tpu.memory_space<vmem_shared>>
      tpu.enqueue_dma source(%dma_start3A_55 : memref<128x128xf32, #tpu.memory_space<vmem_shared>>) target(%arg9 : memref<128x128xf32, #tpu.memory_space<vmem>>) target_semaphore(%run_scoped3A : memref<!tpu.dma_semaphore, #tpu.memory_space<semaphore_mem>>)
      %dma_wait3A = arith.constant 0 : i32
      %dma_wait3A_56 = tpu.memref_slice %arg10[%add3A_26, %dma_wait3A] : memref<10240x128xf32, #tpu.memory_space<vmem_shared>> -> memref<128x128xf32, #tpu.memory_space<vmem_shared>>
      %dma_wait3A_57 = arith.constant 0 : i32
      %dma_wait3A_58 = tpu.memref_slice %arg10[%add3A_26, %dma_wait3A_57] : memref<10240x128xf32, #tpu.memory_space<vmem_shared>> -> memref<128x128xf32, #tpu.memory_space<vmem_shared>>
      tpu.wait_dma2 semaphore(%run_scoped3A : memref<!tpu.dma_semaphore, #tpu.memory_space<semaphore_mem>>) src(%dma_wait3A_58 : memref<128x128xf32, #tpu.memory_space<vmem_shared>>) dst(%arg9 : memref<128x128xf32, #tpu.memory_space<vmem>>)
      tpu.yield
    }) : () -> ()
    "tpu.region"() ({
      %run_scoped3A = tpu.sem_alloc : memref<!tpu.dma_semaphore, #tpu.memory_space<semaphore_mem>>
      %dma_start3A = arith.constant 0 : i32
      %dma_start3A_53 = tpu.memref_slice %arg6[%add3A_31, %dma_start3A] : memref<20480x128xf32, #tpu.memory_space<hbm>> -> memref<128x128xf32, #tpu.memory_space<hbm>>
      %dma_start3A_54 = arith.constant 0 : i32
      %dma_start3A_55 = tpu.memref_slice %arg6[%add3A_31, %dma_start3A_54] : memref<20480x128xf32, #tpu.memory_space<hbm>> -> memref<128x128xf32, #tpu.memory_space<hbm>>
      tpu.enqueue_dma source(%arg9 : memref<128x128xf32, #tpu.memory_space<vmem>>) target(%dma_start3A_55 : memref<128x128xf32, #tpu.memory_space<hbm>>) target_semaphore(%run_scoped3A : memref<!tpu.dma_semaphore, #tpu.memory_space<semaphore_mem>>)
      %dma_wait3A = arith.constant 0 : i32
      %dma_wait3A_56 = tpu.memref_slice %arg6[%add3A_31, %dma_wait3A] : memref<20480x128xf32, #tpu.memory_space<hbm>> -> memref<128x128xf32, #tpu.memory_space<hbm>>
      %dma_wait3A_57 = arith.constant 0 : i32
      %dma_wait3A_58 = tpu.memref_slice %arg6[%add3A_31, %dma_wait3A_57] : memref<20480x128xf32, #tpu.memory_space<hbm>> -> memref<128x128xf32, #tpu.memory_space<hbm>>
      tpu.wait_dma2 semaphore(%run_scoped3A : memref<!tpu.dma_semaphore, #tpu.memory_space<semaphore_mem>>) src(%arg9 : memref<128x128xf32, #tpu.memory_space<vmem>>) dst(%dma_wait3A_58 : memref<128x128xf32, #tpu.memory_space<hbm>>)
      tpu.yield
    }) : () -> ()
    %add3A_32 = arith.constant 256 : i32
    %add3A_33 = arith.addi %mul3A_2, %add3A_32 : i32
    %mul3A_34 = arith.constant 10240 : i32
    %mul3A_35 = arith.muli %arg0, %mul3A_34 : i32
    %add3A_36 = arith.addi %mul3A_35, %mul3A_2 : i32
    %add3A_37 = arith.constant 256 : i32
    %add3A_38 = arith.addi %add3A_36, %add3A_37 : i32
    "tpu.region"() ({
      %run_scoped3A = tpu.sem_alloc : memref<!tpu.dma_semaphore, #tpu.memory_space<semaphore_mem>>
      %dma_start3A = arith.constant 0 : i32
      %dma_start3A_53 = tpu.memref_slice %arg10[%add3A_33, %dma_start3A] : memref<10240x128xf32, #tpu.memory_space<vmem_shared>> -> memref<128x128xf32, #tpu.memory_space<vmem_shared>>
      %dma_start3A_54 = arith.constant 0 : i32
      %dma_start3A_55 = tpu.memref_slice %arg10[%add3A_33, %dma_start3A_54] : memref<10240x128xf32, #tpu.memory_space<vmem_shared>> -> memref<128x128xf32, #tpu.memory_space<vmem_shared>>
      tpu.enqueue_dma source(%dma_start3A_55 : memref<128x128xf32, #tpu.memory_space<vmem_shared>>) target(%arg9 : memref<128x128xf32, #tpu.memory_space<vmem>>) target_semaphore(%run_scoped3A : memref<!tpu.dma_semaphore, #tpu.memory_space<semaphore_mem>>)
      %dma_wait3A = arith.constant 0 : i32
      %dma_wait3A_56 = tpu.memref_slice %arg10[%add3A_33, %dma_wait3A] : memref<10240x128xf32, #tpu.memory_space<vmem_shared>> -> memref<128x128xf32, #tpu.memory_space<vmem_shared>>
      %dma_wait3A_57 = arith.constant 0 : i32
      %dma_wait3A_58 = tpu.memref_slice %arg10[%add3A_33, %dma_wait3A_57] : memref<10240x128xf32, #tpu.memory_space<vmem_shared>> -> memref<128x128xf32, #tpu.memory_space<vmem_shared>>
      tpu.wait_dma2 semaphore(%run_scoped3A : memref<!tpu.dma_semaphore, #tpu.memory_space<semaphore_mem>>) src(%dma_wait3A_58 : memref<128x128xf32, #tpu.memory_space<vmem_shared>>) dst(%arg9 : memref<128x128xf32, #tpu.memory_space<vmem>>)
      tpu.yield
    }) : () -> ()
    "tpu.region"() ({
      %run_scoped3A = tpu.sem_alloc : memref<!tpu.dma_semaphore, #tpu.memory_space<semaphore_mem>>
      %dma_start3A = arith.constant 0 : i32
      %dma_start3A_53 = tpu.memref_slice %arg6[%add3A_38, %dma_start3A] : memref<20480x128xf32, #tpu.memory_space<hbm>> -> memref<128x128xf32, #tpu.memory_space<hbm>>
      %dma_start3A_54 = arith.constant 0 : i32
      %dma_start3A_55 = tpu.memref_slice %arg6[%add3A_38, %dma_start3A_54] : memref<20480x128xf32, #tpu.memory_space<hbm>> -> memref<128x128xf32, #tpu.memory_space<hbm>>
      tpu.enqueue_dma source(%arg9 : memref<128x128xf32, #tpu.memory_space<vmem>>) target(%dma_start3A_55 : memref<128x128xf32, #tpu.memory_space<hbm>>) target_semaphore(%run_scoped3A : memref<!tpu.dma_semaphore, #tpu.memory_space<semaphore_mem>>)
      %dma_wait3A = arith.constant 0 : i32
      %dma_wait3A_56 = tpu.memref_slice %arg6[%add3A_38, %dma_wait3A] : memref<20480x128xf32, #tpu.memory_space<hbm>> -> memref<128x128xf32, #tpu.memory_space<hbm>>
      %dma_wait3A_57 = arith.constant 0 : i32
      %dma_wait3A_58 = tpu.memref_slice %arg6[%add3A_38, %dma_wait3A_57] : memref<20480x128xf32, #tpu.memory_space<hbm>> -> memref<128x128xf32, #tpu.memory_space<hbm>>
      tpu.wait_dma2 semaphore(%run_scoped3A : memref<!tpu.dma_semaphore, #tpu.memory_space<semaphore_mem>>) src(%arg9 : memref<128x128xf32, #tpu.memory_space<vmem>>) dst(%dma_wait3A_58 : memref<128x128xf32, #tpu.memory_space<hbm>>)
      tpu.yield
    }) : () -> ()
    %add3A_39 = arith.constant 384 : i32
    %add3A_40 = arith.addi %mul3A_2, %add3A_39 : i32
    %mul3A_41 = arith.constant 10240 : i32
    %mul3A_42 = arith.muli %arg0, %mul3A_41 : i32
    %add3A_43 = arith.addi %mul3A_42, %mul3A_2 : i32
    %add3A_44 = arith.constant 384 : i32
    %add3A_45 = arith.addi %add3A_43, %add3A_44 : i32
    "tpu.region"() ({
      %run_scoped3A = tpu.sem_alloc : memref<!tpu.dma_semaphore, #tpu.memory_space<semaphore_mem>>
      %dma_start3A = arith.constant 0 : i32
      %dma_start3A_53 = tpu.memref_slice %arg10[%add3A_40, %dma_start3A] : memref<10240x128xf32, #tpu.memory_space<vmem_shared>> -> memref<128x128xf32, #tpu.memory_space<vmem_shared>>
      %dma_start3A_54 = arith.constant 0 : i32
      %dma_start3A_55 = tpu.memref_slice %arg10[%add3A_40, %dma_start3A_54] : memref<10240x128xf32, #tpu.memory_space<vmem_shared>> -> memref<128x128xf32, #tpu.memory_space<vmem_shared>>
      tpu.enqueue_dma source(%dma_start3A_55 : memref<128x128xf32, #tpu.memory_space<vmem_shared>>) target(%arg9 : memref<128x128xf32, #tpu.memory_space<vmem>>) target_semaphore(%run_scoped3A : memref<!tpu.dma_semaphore, #tpu.memory_space<semaphore_mem>>)
      %dma_wait3A = arith.constant 0 : i32
      %dma_wait3A_56 = tpu.memref_slice %arg10[%add3A_40, %dma_wait3A] : memref<10240x128xf32, #tpu.memory_space<vmem_shared>> -> memref<128x128xf32, #tpu.memory_space<vmem_shared>>
      %dma_wait3A_57 = arith.constant 0 : i32
      %dma_wait3A_58 = tpu.memref_slice %arg10[%add3A_40, %dma_wait3A_57] : memref<10240x128xf32, #tpu.memory_space<vmem_shared>> -> memref<128x128xf32, #tpu.memory_space<vmem_shared>>
      tpu.wait_dma2 semaphore(%run_scoped3A : memref<!tpu.dma_semaphore, #tpu.memory_space<semaphore_mem>>) src(%dma_wait3A_58 : memref<128x128xf32, #tpu.memory_space<vmem_shared>>) dst(%arg9 : memref<128x128xf32, #tpu.memory_space<vmem>>)
      tpu.yield
    }) : () -> ()
    "tpu.region"() ({
      %run_scoped3A = tpu.sem_alloc : memref<!tpu.dma_semaphore, #tpu.memory_space<semaphore_mem>>
      %dma_start3A = arith.constant 0 : i32
      %dma_start3A_53 = tpu.memref_slice %arg6[%add3A_45, %dma_start3A] : memref<20480x128xf32, #tpu.memory_space<hbm>> -> memref<128x128xf32, #tpu.memory_space<hbm>>
      %dma_start3A_54 = arith.constant 0 : i32
      %dma_start3A_55 = tpu.memref_slice %arg6[%add3A_45, %dma_start3A_54] : memref<20480x128xf32, #tpu.memory_space<hbm>> -> memref<128x128xf32, #tpu.memory_space<hbm>>
      tpu.enqueue_dma source(%arg9 : memref<128x128xf32, #tpu.memory_space<vmem>>) target(%dma_start3A_55 : memref<128x128xf32, #tpu.memory_space<hbm>>) target_semaphore(%run_scoped3A : memref<!tpu.dma_semaphore, #tpu.memory_space<semaphore_mem>>)
      %dma_wait3A = arith.constant 0 : i32
      %dma_wait3A_56 = tpu.memref_slice %arg6[%add3A_45, %dma_wait3A] : memref<20480x128xf32, #tpu.memory_space<hbm>> -> memref<128x128xf32, #tpu.memory_space<hbm>>
      %dma_wait3A_57 = arith.constant 0 : i32
      %dma_wait3A_58 = tpu.memref_slice %arg6[%add3A_45, %dma_wait3A_57] : memref<20480x128xf32, #tpu.memory_space<hbm>> -> memref<128x128xf32, #tpu.memory_space<hbm>>
      tpu.wait_dma2 semaphore(%run_scoped3A : memref<!tpu.dma_semaphore, #tpu.memory_space<semaphore_mem>>) src(%arg9 : memref<128x128xf32, #tpu.memory_space<vmem>>) dst(%dma_wait3A_58 : memref<128x128xf32, #tpu.memory_space<hbm>>)
      tpu.yield
    }) : () -> ()
    %add3A_46 = arith.constant 512 : i32
    %add3A_47 = arith.addi %mul3A_2, %add3A_46 : i32
    %mul3A_48 = arith.constant 10240 : i32
    %mul3A_49 = arith.muli %arg0, %mul3A_48 : i32
    %add3A_50 = arith.addi %mul3A_49, %mul3A_2 : i32
    %add3A_51 = arith.constant 512 : i32
    %add3A_52 = arith.addi %add3A_50, %add3A_51 : i32
    "tpu.region"() ({
      %run_scoped3A = tpu.sem_alloc : memref<!tpu.dma_semaphore, #tpu.memory_space<semaphore_mem>>
      %dma_start3A = arith.constant 0 : i32
      %dma_start3A_53 = tpu.memref_slice %arg10[%add3A_47, %dma_start3A] : memref<10240x128xf32, #tpu.memory_space<vmem_shared>> -> memref<128x128xf32, #tpu.memory_space<vmem_shared>>
      %dma_start3A_54 = arith.constant 0 : i32
      %dma_start3A_55 = tpu.memref_slice %arg10[%add3A_47, %dma_start3A_54] : memref<10240x128xf32, #tpu.memory_space<vmem_shared>> -> memref<128x128xf32, #tpu.memory_space<vmem_shared>>
      tpu.enqueue_dma source(%dma_start3A_55 : memref<128x128xf32, #tpu.memory_space<vmem_shared>>) target(%arg9 : memref<128x128xf32, #tpu.memory_space<vmem>>) target_semaphore(%run_scoped3A : memref<!tpu.dma_semaphore, #tpu.memory_space<semaphore_mem>>)
      %dma_wait3A = arith.constant 0 : i32
      %dma_wait3A_56 = tpu.memref_slice %arg10[%add3A_47, %dma_wait3A] : memref<10240x128xf32, #tpu.memory_space<vmem_shared>> -> memref<128x128xf32, #tpu.memory_space<vmem_shared>>
      %dma_wait3A_57 = arith.constant 0 : i32
      %dma_wait3A_58 = tpu.memref_slice %arg10[%add3A_47, %dma_wait3A_57] : memref<10240x128xf32, #tpu.memory_space<vmem_shared>> -> memref<128x128xf32, #tpu.memory_space<vmem_shared>>
      tpu.wait_dma2 semaphore(%run_scoped3A : memref<!tpu.dma_semaphore, #tpu.memory_space<semaphore_mem>>) src(%dma_wait3A_58 : memref<128x128xf32, #tpu.memory_space<vmem_shared>>) dst(%arg9 : memref<128x128xf32, #tpu.memory_space<vmem>>)
      tpu.yield
    }) : () -> ()
    "tpu.region"() ({
      %run_scoped3A = tpu.sem_alloc : memref<!tpu.dma_semaphore, #tpu.memory_space<semaphore_mem>>
      %dma_start3A = arith.constant 0 : i32
      %dma_start3A_53 = tpu.memref_slice %arg6[%add3A_52, %dma_start3A] : memref<20480x128xf32, #tpu.memory_space<hbm>> -> memref<128x128xf32, #tpu.memory_space<hbm>>
      %dma_start3A_54 = arith.constant 0 : i32
      %dma_start3A_55 = tpu.memref_slice %arg6[%add3A_52, %dma_start3A_54] : memref<20480x128xf32, #tpu.memory_space<hbm>> -> memref<128x128xf32, #tpu.memory_space<hbm>>
      tpu.enqueue_dma source(%arg9 : memref<128x128xf32, #tpu.memory_space<vmem>>) target(%dma_start3A_55 : memref<128x128xf32, #tpu.memory_space<hbm>>) target_semaphore(%run_scoped3A : memref<!tpu.dma_semaphore, #tpu.memory_space<semaphore_mem>>)
      %dma_wait3A = arith.constant 0 : i32
      %dma_wait3A_56 = tpu.memref_slice %arg6[%add3A_52, %dma_wait3A] : memref<20480x128xf32, #tpu.memory_space<hbm>> -> memref<128x128xf32, #tpu.memory_space<hbm>>
      %dma_wait3A_57 = arith.constant 0 : i32
      %dma_wait3A_58 = tpu.memref_slice %arg6[%add3A_52, %dma_wait3A_57] : memref<20480x128xf32, #tpu.memory_space<hbm>> -> memref<128x128xf32, #tpu.memory_space<hbm>>
      tpu.wait_dma2 semaphore(%run_scoped3A : memref<!tpu.dma_semaphore, #tpu.memory_space<semaphore_mem>>) src(%arg9 : memref<128x128xf32, #tpu.memory_space<vmem>>) dst(%dma_wait3A_58 : memref<128x128xf32, #tpu.memory_space<hbm>>)
      tpu.yield
    }) : () -> ()
    return
  }
}

#map = affine_map<(d0, d1) -> (0)>
#map1 = affine_map<(d0, d1) -> (0, 0)>
module attributes {stable_mosaic.version = 14 : i64} {
  func.func @k(%arg0: i32, %arg1: i32, %arg2: memref<323584xi32, #tpu.memory_space<hbm>>, %arg3: memref<323584xi32, #tpu.memory_space<hbm>>, %arg4: memref<10000x128xf32, #tpu.memory_space<hbm>>, %arg5: memref<128x128xf32, #tpu.memory_space<hbm>>, %arg6: memref<20480x128xf32, #tpu.memory_space<hbm>>, %arg7: memref<128xi32, #tpu.memory_space<vmem>>, %arg8: memref<128xi32, #tpu.memory_space<vmem>>, %arg9: memref<128x128xf32, #tpu.memory_space<vmem>>, %arg10: memref<10240x128xf32, #tpu.memory_space<vmem_shared>>) attributes {dimension_semantics = [#tpu.dimension_semantics<core_parallel>, #tpu.dimension_semantics<subcore_parallel>], iteration_bounds = array<i64: 2, 16>, scalar_prefetch = 0 : i64, scratch_operands = 4 : i64, tpu.core_type = #tpu.core_type<sc_vector_subcore>, window_params = [{transform_indices = #map}, {transform_indices = #map}, {transform_indices = #map1}, {transform_indices = #map1}, {transform_indices = #map1}]} {
    %mul3A = arith.constant 2 : i32
    %mul3A_0 = arith.muli %arg1, %mul3A : i32
    %add3A = arith.addi %mul3A_0, %arg0 : i32
    %mul3A_1 = arith.constant 640 : i32
    %mul3A_2 = arith.muli %arg1, %mul3A_1 : i32
    "tpu.region"() ({
      %run_scoped3A = tpu.sem_alloc : memref<!tpu.dma_semaphore, #tpu.memory_space<semaphore_mem>>
      tpu.enqueue_dma source(%arg5 : memref<128x128xf32, #tpu.memory_space<hbm>>) target(%arg9 : memref<128x128xf32, #tpu.memory_space<vmem>>) target_semaphore(%run_scoped3A : memref<!tpu.dma_semaphore, #tpu.memory_space<semaphore_mem>>)
      tpu.wait_dma2 semaphore(%run_scoped3A : memref<!tpu.dma_semaphore, #tpu.memory_space<semaphore_mem>>) src(%arg5 : memref<128x128xf32, #tpu.memory_space<hbm>>) dst(%arg9 : memref<128x128xf32, #tpu.memory_space<vmem>>)
      tpu.yield
    }) : () -> ()
    %add3A_3 = arith.constant 0 : i32
    %add3A_4 = arith.addi %mul3A_2, %add3A_3 : i32
    "tpu.region"() ({
      %run_scoped3A = tpu.sem_alloc : memref<!tpu.dma_semaphore, #tpu.memory_space<semaphore_mem>>
      %dma_start3A = arith.constant 0 : i32
      %dma_start3A_53 = tpu.memref_slice %arg10[%add3A_4, %dma_start3A] : memref<10240x128xf32, #tpu.memory_space<vmem_shared>> -> memref<128x128xf32, #tpu.memory_space<vmem_shared>>
      %dma_start3A_54 = arith.constant 0 : i32
      %dma_start3A_55 = tpu.memref_slice %arg10[%add3A_4, %dma_start3A_54] : memref<10240x128xf32, #tpu.memory_space<vmem_shared>> -> memref<128x128xf32, #tpu.memory_space<vmem_shared>>
      tpu.enqueue_dma source(%arg9 : memref<128x128xf32, #tpu.memory_space<vmem>>) target(%dma_start3A_55 : memref<128x128xf32, #tpu.memory_space<vmem_shared>>) target_semaphore(%run_scoped3A : memref<!tpu.dma_semaphore, #tpu.memory_space<semaphore_mem>>)
      %dma_wait3A = arith.constant 0 : i32
      %dma_wait3A_56 = tpu.memref_slice %arg10[%add3A_4, %dma_wait3A] : memref<10240x128xf32, #tpu.memory_space<vmem_shared>> -> memref<128x128xf32, #tpu.memory_space<vmem_shared>>
      %dma_wait3A_57 = arith.constant 0 : i32
      %dma_wait3A_58 = tpu.memref_slice %arg10[%add3A_4, %dma_wait3A_57] : memref<10240x128xf32, #tpu.memory_space<vmem_shared>> -> memref<128x128xf32, #tpu.memory_space<vmem_shared>>
      tpu.wait_dma2 semaphore(%run_scoped3A : memref<!tpu.dma_semaphore, #tpu.memory_space<semaphore_mem>>) src(%arg9 : memref<128x128xf32, #tpu.memory_space<vmem>>) dst(%dma_wait3A_58 : memref<128x128xf32, #tpu.memory_space<vmem_shared>>)
      tpu.yield
    }) : () -> ()
    %add3A_5 = arith.constant 128 : i32
    %add3A_6 = arith.addi %mul3A_2, %add3A_5 : i32
    "tpu.region"() ({
      %run_scoped3A = tpu.sem_alloc : memref<!tpu.dma_semaphore, #tpu.memory_space<semaphore_mem>>
      %dma_start3A = arith.constant 0 : i32
      %dma_start3A_53 = tpu.memref_slice %arg10[%add3A_6, %dma_start3A] : memref<10240x128xf32, #tpu.memory_space<vmem_shared>> -> memref<128x128xf32, #tpu.memory_space<vmem_shared>>
      %dma_start3A_54 = arith.constant 0 : i32
      %dma_start3A_55 = tpu.memref_slice %arg10[%add3A_6, %dma_start3A_54] : memref<10240x128xf32, #tpu.memory_space<vmem_shared>> -> memref<128x128xf32, #tpu.memory_space<vmem_shared>>
      tpu.enqueue_dma source(%arg9 : memref<128x128xf32, #tpu.memory_space<vmem>>) target(%dma_start3A_55 : memref<128x128xf32, #tpu.memory_space<vmem_shared>>) target_semaphore(%run_scoped3A : memref<!tpu.dma_semaphore, #tpu.memory_space<semaphore_mem>>)
      %dma_wait3A = arith.constant 0 : i32
      %dma_wait3A_56 = tpu.memref_slice %arg10[%add3A_6, %dma_wait3A] : memref<10240x128xf32, #tpu.memory_space<vmem_shared>> -> memref<128x128xf32, #tpu.memory_space<vmem_shared>>
      %dma_wait3A_57 = arith.constant 0 : i32
      %dma_wait3A_58 = tpu.memref_slice %arg10[%add3A_6, %dma_wait3A_57] : memref<10240x128xf32, #tpu.memory_space<vmem_shared>> -> memref<128x128xf32, #tpu.memory_space<vmem_shared>>
      tpu.wait_dma2 semaphore(%run_scoped3A : memref<!tpu.dma_semaphore, #tpu.memory_space<semaphore_mem>>) src(%arg9 : memref<128x128xf32, #tpu.memory_space<vmem>>) dst(%dma_wait3A_58 : memref<128x128xf32, #tpu.memory_space<vmem_shared>>)
      tpu.yield
    }) : () -> ()
    %add3A_7 = arith.constant 256 : i32
    %add3A_8 = arith.addi %mul3A_2, %add3A_7 : i32
    "tpu.region"() ({
      %run_scoped3A = tpu.sem_alloc : memref<!tpu.dma_semaphore, #tpu.memory_space<semaphore_mem>>
      %dma_start3A = arith.constant 0 : i32
      %dma_start3A_53 = tpu.memref_slice %arg10[%add3A_8, %dma_start3A] : memref<10240x128xf32, #tpu.memory_space<vmem_shared>> -> memref<128x128xf32, #tpu.memory_space<vmem_shared>>
      %dma_start3A_54 = arith.constant 0 : i32
      %dma_start3A_55 = tpu.memref_slice %arg10[%add3A_8, %dma_start3A_54] : memref<10240x128xf32, #tpu.memory_space<vmem_shared>> -> memref<128x128xf32, #tpu.memory_space<vmem_shared>>
      tpu.enqueue_dma source(%arg9 : memref<128x128xf32, #tpu.memory_space<vmem>>) target(%dma_start3A_55 : memref<128x128xf32, #tpu.memory_space<vmem_shared>>) target_semaphore(%run_scoped3A : memref<!tpu.dma_semaphore, #tpu.memory_space<semaphore_mem>>)
      %dma_wait3A = arith.constant 0 : i32
      %dma_wait3A_56 = tpu.memref_slice %arg10[%add3A_8, %dma_wait3A] : memref<10240x128xf32, #tpu.memory_space<vmem_shared>> -> memref<128x128xf32, #tpu.memory_space<vmem_shared>>
      %dma_wait3A_57 = arith.constant 0 : i32
      %dma_wait3A_58 = tpu.memref_slice %arg10[%add3A_8, %dma_wait3A_57] : memref<10240x128xf32, #tpu.memory_space<vmem_shared>> -> memref<128x128xf32, #tpu.memory_space<vmem_shared>>
      tpu.wait_dma2 semaphore(%run_scoped3A : memref<!tpu.dma_semaphore, #tpu.memory_space<semaphore_mem>>) src(%arg9 : memref<128x128xf32, #tpu.memory_space<vmem>>) dst(%dma_wait3A_58 : memref<128x128xf32, #tpu.memory_space<vmem_shared>>)
      tpu.yield
    }) : () -> ()
    %add3A_9 = arith.constant 384 : i32
    %add3A_10 = arith.addi %mul3A_2, %add3A_9 : i32
    "tpu.region"() ({
      %run_scoped3A = tpu.sem_alloc : memref<!tpu.dma_semaphore, #tpu.memory_space<semaphore_mem>>
      %dma_start3A = arith.constant 0 : i32
      %dma_start3A_53 = tpu.memref_slice %arg10[%add3A_10, %dma_start3A] : memref<10240x128xf32, #tpu.memory_space<vmem_shared>> -> memref<128x128xf32, #tpu.memory_space<vmem_shared>>
      %dma_start3A_54 = arith.constant 0 : i32
      %dma_start3A_55 = tpu.memref_slice %arg10[%add3A_10, %dma_start3A_54] : memref<10240x128xf32, #tpu.memory_space<vmem_shared>> -> memref<128x128xf32, #tpu.memory_space<vmem_shared>>
      tpu.enqueue_dma source(%arg9 : memref<128x128xf32, #tpu.memory_space<vmem>>) target(%dma_start3A_55 : memref<128x128xf32, #tpu.memory_space<vmem_shared>>) target_semaphore(%run_scoped3A : memref<!tpu.dma_semaphore, #tpu.memory_space<semaphore_mem>>)
      %dma_wait3A = arith.constant 0 : i32
      %dma_wait3A_56 = tpu.memref_slice %arg10[%add3A_10, %dma_wait3A] : memref<10240x128xf32, #tpu.memory_space<vmem_shared>> -> memref<128x128xf32, #tpu.memory_space<vmem_shared>>
      %dma_wait3A_57 = arith.constant 0 : i32
      %dma_wait3A_58 = tpu.memref_slice %arg10[%add3A_10, %dma_wait3A_57] : memref<10240x128xf32, #tpu.memory_space<vmem_shared>> -> memref<128x128xf32, #tpu.memory_space<vmem_shared>>
      tpu.wait_dma2 semaphore(%run_scoped3A : memref<!tpu.dma_semaphore, #tpu.memory_space<semaphore_mem>>) src(%arg9 : memref<128x128xf32, #tpu.memory_space<vmem>>) dst(%dma_wait3A_58 : memref<128x128xf32, #tpu.memory_space<vmem_shared>>)
      tpu.yield
    }) : () -> ()
    %add3A_11 = arith.constant 512 : i32
    %add3A_12 = arith.addi %mul3A_2, %add3A_11 : i32
    "tpu.region"() ({
      %run_scoped3A = tpu.sem_alloc : memref<!tpu.dma_semaphore, #tpu.memory_space<semaphore_mem>>
      %dma_start3A = arith.constant 0 : i32
      %dma_start3A_53 = tpu.memref_slice %arg10[%add3A_12, %dma_start3A] : memref<10240x128xf32, #tpu.memory_space<vmem_shared>> -> memref<128x128xf32, #tpu.memory_space<vmem_shared>>
      %dma_start3A_54 = arith.constant 0 : i32
      %dma_start3A_55 = tpu.memref_slice %arg10[%add3A_12, %dma_start3A_54] : memref<10240x128xf32, #tpu.memory_space<vmem_shared>> -> memref<128x128xf32, #tpu.memory_space<vmem_shared>>
      tpu.enqueue_dma source(%arg9 : memref<128x128xf32, #tpu.memory_space<vmem>>) target(%dma_start3A_55 : memref<128x128xf32, #tpu.memory_space<vmem_shared>>) target_semaphore(%run_scoped3A : memref<!tpu.dma_semaphore, #tpu.memory_space<semaphore_mem>>)
      %dma_wait3A = arith.constant 0 : i32
      %dma_wait3A_56 = tpu.memref_slice %arg10[%add3A_12, %dma_wait3A] : memref<10240x128xf32, #tpu.memory_space<vmem_shared>> -> memref<128x128xf32, #tpu.memory_space<vmem_shared>>
      %dma_wait3A_57 = arith.constant 0 : i32
      %dma_wait3A_58 = tpu.memref_slice %arg10[%add3A_12, %dma_wait3A_57] : memref<10240x128xf32, #tpu.memory_space<vmem_shared>> -> memref<128x128xf32, #tpu.memory_space<vmem_shared>>
      tpu.wait_dma2 semaphore(%run_scoped3A : memref<!tpu.dma_semaphore, #tpu.memory_space<semaphore_mem>>) src(%arg9 : memref<128x128xf32, #tpu.memory_space<vmem>>) dst(%dma_wait3A_58 : memref<128x128xf32, #tpu.memory_space<vmem_shared>>)
      tpu.yield
    }) : () -> ()
    %barrier3A = arith.constant 0 : index
    tpu.barrier barrier_id(%barrier3A)
    %scan3A = arith.constant 0 : i32
    %scan3A_13 = arith.constant 79 : i32
    %scan3A_14 = arith.addi %scan3A, %scan3A_13 : i32
    %scan3A_15 = arith.constant 1 : i32
    scf.for %scan3A_53 = %scan3A to %scan3A_14 step %scan3A_15  : i32 {
      %mul3A_54 = arith.constant 1 : i32
      %mul3A_55 = arith.muli %scan3A_53, %mul3A_54 : i32
      %add3A_56 = arith.constant 0 : i32
      %add3A_57 = arith.addi %add3A_56, %mul3A_55 : i32
      %mul3A_58 = arith.constant 32 : i32
      %mul3A_59 = arith.muli %add3A_57, %mul3A_58 : i32
      %add3A_60 = arith.addi %add3A, %mul3A_59 : i32
      %mul3A_61 = arith.constant 128 : i32
      %mul3A_62 = arith.muli %add3A_60, %mul3A_61 : i32
      "tpu.region"() ({
        %run_scoped3A = tpu.sem_alloc : memref<!tpu.dma_semaphore, #tpu.memory_space<semaphore_mem>>
        %dma_start3A = tpu.memref_slice %arg2[%mul3A_62] : memref<323584xi32, #tpu.memory_space<hbm>> -> memref<128xi32, #tpu.memory_space<hbm>>
        %dma_start3A_63 = tpu.memref_slice %arg2[%mul3A_62] : memref<323584xi32, #tpu.memory_space<hbm>> -> memref<128xi32, #tpu.memory_space<hbm>>
        tpu.enqueue_dma source(%dma_start3A_63 : memref<128xi32, #tpu.memory_space<hbm>>) target(%arg7 : memref<128xi32, #tpu.memory_space<vmem>>) target_semaphore(%run_scoped3A : memref<!tpu.dma_semaphore, #tpu.memory_space<semaphore_mem>>)
        %dma_wait3A = tpu.memref_slice %arg2[%mul3A_62] : memref<323584xi32, #tpu.memory_space<hbm>> -> memref<128xi32, #tpu.memory_space<hbm>>
        %dma_wait3A_64 = tpu.memref_slice %arg2[%mul3A_62] : memref<323584xi32, #tpu.memory_space<hbm>> -> memref<128xi32, #tpu.memory_space<hbm>>
        tpu.wait_dma2 semaphore(%run_scoped3A : memref<!tpu.dma_semaphore, #tpu.memory_space<semaphore_mem>>) src(%dma_wait3A_64 : memref<128xi32, #tpu.memory_space<hbm>>) dst(%arg7 : memref<128xi32, #tpu.memory_space<vmem>>)
        tpu.yield
      }) : () -> ()
      "tpu.region"() ({
        %run_scoped3A = tpu.sem_alloc : memref<!tpu.dma_semaphore, #tpu.memory_space<semaphore_mem>>
        %dma_start3A = tpu.memref_slice %arg3[%mul3A_62] : memref<323584xi32, #tpu.memory_space<hbm>> -> memref<128xi32, #tpu.memory_space<hbm>>
        %dma_start3A_63 = tpu.memref_slice %arg3[%mul3A_62] : memref<323584xi32, #tpu.memory_space<hbm>> -> memref<128xi32, #tpu.memory_space<hbm>>
        tpu.enqueue_dma source(%dma_start3A_63 : memref<128xi32, #tpu.memory_space<hbm>>) target(%arg8 : memref<128xi32, #tpu.memory_space<vmem>>) target_semaphore(%run_scoped3A : memref<!tpu.dma_semaphore, #tpu.memory_space<semaphore_mem>>)
        %dma_wait3A = tpu.memref_slice %arg3[%mul3A_62] : memref<323584xi32, #tpu.memory_space<hbm>> -> memref<128xi32, #tpu.memory_space<hbm>>
        %dma_wait3A_64 = tpu.memref_slice %arg3[%mul3A_62] : memref<323584xi32, #tpu.memory_space<hbm>> -> memref<128xi32, #tpu.memory_space<hbm>>
        tpu.wait_dma2 semaphore(%run_scoped3A : memref<!tpu.dma_semaphore, #tpu.memory_space<semaphore_mem>>) src(%dma_wait3A_64 : memref<128xi32, #tpu.memory_space<hbm>>) dst(%arg8 : memref<128xi32, #tpu.memory_space<vmem>>)
        tpu.yield
      }) : () -> ()
      "tpu.region"() ({
        %run_scoped3A = tpu.sem_alloc : memref<!tpu.dma_semaphore, #tpu.memory_space<semaphore_mem>>
        %dma_start3A = arith.constant 0 : i32
        %dma_start3A_63 = arith.constant 0 : i32
        %dma_start3A_64 = tpu.memref_slice %arg4[%dma_start3A, %dma_start3A_63] : memref<10000x128xf32, #tpu.memory_space<hbm>> -> memref<10000x128xf32, #tpu.memory_space<hbm>>
        tpu.enqueue_indirect_dma source(%dma_start3A_64 : memref<10000x128xf32, #tpu.memory_space<hbm>>) target(%arg9 : memref<128x128xf32, #tpu.memory_space<vmem>>) offsets(%arg7 : memref<128xi32, #tpu.memory_space<vmem>>) semaphore(%run_scoped3A : memref<!tpu.dma_semaphore, #tpu.memory_space<semaphore_mem>>)
        %dma_wait3A = arith.constant 0 : i32
        %dma_wait3A_65 = arith.constant 0 : i32
        %dma_wait3A_66 = tpu.memref_slice %arg4[%dma_wait3A, %dma_wait3A_65] : memref<10000x128xf32, #tpu.memory_space<hbm>> -> memref<10000x128xf32, #tpu.memory_space<hbm>>
        tpu.wait_indirect_dma semaphore(%run_scoped3A : memref<!tpu.dma_semaphore, #tpu.memory_space<semaphore_mem>>) src(%dma_wait3A_66 : memref<10000x128xf32, #tpu.memory_space<hbm>>) dst(%arg9 : memref<128x128xf32, #tpu.memory_space<vmem>>)
        tpu.yield
      }) : () -> ()
      "tpu.region"() ({
        %run_scoped3A = tpu.sem_alloc : memref<!tpu.dma_semaphore, #tpu.memory_space<semaphore_mem>>
        %dma_start3A = arith.constant 0 : i32
        %dma_start3A_63 = arith.constant 0 : i32
        %dma_start3A_64 = tpu.memref_slice %arg10[%dma_start3A, %dma_start3A_63] : memref<10240x128xf32, #tpu.memory_space<vmem_shared>> -> memref<10240x128xf32, #tpu.memory_space<vmem_shared>>
        tpu.enqueue_indirect_dma source(%arg9 : memref<128x128xf32, #tpu.memory_space<vmem>>) target(%dma_start3A_64 : memref<10240x128xf32, #tpu.memory_space<vmem_shared>>) offsets(%arg8 : memref<128xi32, #tpu.memory_space<vmem>>) semaphore(%run_scoped3A : memref<!tpu.dma_semaphore, #tpu.memory_space<semaphore_mem>>) {add = true}
        %dma_wait3A = arith.constant 0 : i32
        %dma_wait3A_65 = arith.constant 0 : i32
        %dma_wait3A_66 = tpu.memref_slice %arg10[%dma_wait3A, %dma_wait3A_65] : memref<10240x128xf32, #tpu.memory_space<vmem_shared>> -> memref<10240x128xf32, #tpu.memory_space<vmem_shared>>
        tpu.wait_indirect_dma semaphore(%run_scoped3A : memref<!tpu.dma_semaphore, #tpu.memory_space<semaphore_mem>>) src(%arg9 : memref<128x128xf32, #tpu.memory_space<vmem>>) dst(%dma_wait3A_66 : memref<10240x128xf32, #tpu.memory_space<vmem_shared>>)
        tpu.yield
      }) : () -> ()
    }
    %scan3A_16 = arith.constant 79 : i32
    %barrier3A_17 = arith.constant 0 : index
    tpu.barrier barrier_id(%barrier3A_17)
    %add3A_18 = arith.constant 0 : i32
    %add3A_19 = arith.addi %mul3A_2, %add3A_18 : i32
    %mul3A_20 = arith.constant 10240 : i32
    %mul3A_21 = arith.muli %arg0, %mul3A_20 : i32
    %add3A_22 = arith.addi %mul3A_21, %mul3A_2 : i32
    %add3A_23 = arith.constant 0 : i32
    %add3A_24 = arith.addi %add3A_22, %add3A_23 : i32
    "tpu.region"() ({
      %run_scoped3A = tpu.sem_alloc : memref<!tpu.dma_semaphore, #tpu.memory_space<semaphore_mem>>
      %dma_start3A = arith.constant 0 : i32
      %dma_start3A_53 = tpu.memref_slice %arg10[%add3A_19, %dma_start3A] : memref<10240x128xf32, #tpu.memory_space<vmem_shared>> -> memref<128x128xf32, #tpu.memory_space<vmem_shared>>
      %dma_start3A_54 = arith.constant 0 : i32
      %dma_start3A_55 = tpu.memref_slice %arg10[%add3A_19, %dma_start3A_54] : memref<10240x128xf32, #tpu.memory_space<vmem_shared>> -> memref<128x128xf32, #tpu.memory_space<vmem_shared>>
      tpu.enqueue_dma source(%dma_start3A_55 : memref<128x128xf32, #tpu.memory_space<vmem_shared>>) target(%arg9 : memref<128x128xf32, #tpu.memory_space<vmem>>) target_semaphore(%run_scoped3A : memref<!tpu.dma_semaphore, #tpu.memory_space<semaphore_mem>>)
      %dma_wait3A = arith.constant 0 : i32
      %dma_wait3A_56 = tpu.memref_slice %arg10[%add3A_19, %dma_wait3A] : memref<10240x128xf32, #tpu.memory_space<vmem_shared>> -> memref<128x128xf32, #tpu.memory_space<vmem_shared>>
      %dma_wait3A_57 = arith.constant 0 : i32
      %dma_wait3A_58 = tpu.memref_slice %arg10[%add3A_19, %dma_wait3A_57] : memref<10240x128xf32, #tpu.memory_space<vmem_shared>> -> memref<128x128xf32, #tpu.memory_space<vmem_shared>>
      tpu.wait_dma2 semaphore(%run_scoped3A : memref<!tpu.dma_semaphore, #tpu.memory_space<semaphore_mem>>) src(%dma_wait3A_58 : memref<128x128xf32, #tpu.memory_space<vmem_shared>>) dst(%arg9 : memref<128x128xf32, #tpu.memory_space<vmem>>)
      tpu.yield
    }) : () -> ()
    "tpu.region"() ({
      %run_scoped3A = tpu.sem_alloc : memref<!tpu.dma_semaphore, #tpu.memory_space<semaphore_mem>>
      %dma_start3A = arith.constant 0 : i32
      %dma_start3A_53 = tpu.memref_slice %arg6[%add3A_24, %dma_start3A] : memref<20480x128xf32, #tpu.memory_space<hbm>> -> memref<128x128xf32, #tpu.memory_space<hbm>>
      %dma_start3A_54 = arith.constant 0 : i32
      %dma_start3A_55 = tpu.memref_slice %arg6[%add3A_24, %dma_start3A_54] : memref<20480x128xf32, #tpu.memory_space<hbm>> -> memref<128x128xf32, #tpu.memory_space<hbm>>
      tpu.enqueue_dma source(%arg9 : memref<128x128xf32, #tpu.memory_space<vmem>>) target(%dma_start3A_55 : memref<128x128xf32, #tpu.memory_space<hbm>>) target_semaphore(%run_scoped3A : memref<!tpu.dma_semaphore, #tpu.memory_space<semaphore_mem>>)
      %dma_wait3A = arith.constant 0 : i32
      %dma_wait3A_56 = tpu.memref_slice %arg6[%add3A_24, %dma_wait3A] : memref<20480x128xf32, #tpu.memory_space<hbm>> -> memref<128x128xf32, #tpu.memory_space<hbm>>
      %dma_wait3A_57 = arith.constant 0 : i32
      %dma_wait3A_58 = tpu.memref_slice %arg6[%add3A_24, %dma_wait3A_57] : memref<20480x128xf32, #tpu.memory_space<hbm>> -> memref<128x128xf32, #tpu.memory_space<hbm>>
      tpu.wait_dma2 semaphore(%run_scoped3A : memref<!tpu.dma_semaphore, #tpu.memory_space<semaphore_mem>>) src(%arg9 : memref<128x128xf32, #tpu.memory_space<vmem>>) dst(%dma_wait3A_58 : memref<128x128xf32, #tpu.memory_space<hbm>>)
      tpu.yield
    }) : () -> ()
    %add3A_25 = arith.constant 128 : i32
    %add3A_26 = arith.addi %mul3A_2, %add3A_25 : i32
    %mul3A_27 = arith.constant 10240 : i32
    %mul3A_28 = arith.muli %arg0, %mul3A_27 : i32
    %add3A_29 = arith.addi %mul3A_28, %mul3A_2 : i32
    %add3A_30 = arith.constant 128 : i32
    %add3A_31 = arith.addi %add3A_29, %add3A_30 : i32
    "tpu.region"() ({
      %run_scoped3A = tpu.sem_alloc : memref<!tpu.dma_semaphore, #tpu.memory_space<semaphore_mem>>
      %dma_start3A = arith.constant 0 : i32
      %dma_start3A_53 = tpu.memref_slice %arg10[%add3A_26, %dma_start3A] : memref<10240x128xf32, #tpu.memory_space<vmem_shared>> -> memref<128x128xf32, #tpu.memory_space<vmem_shared>>
      %dma_start3A_54 = arith.constant 0 : i32
      %dma_start3A_55 = tpu.memref_slice %arg10[%add3A_26, %dma_start3A_54] : memref<10240x128xf32, #tpu.memory_space<vmem_shared>> -> memref<128x128xf32, #tpu.memory_space<vmem_shared>>
      tpu.enqueue_dma source(%dma_start3A_55 : memref<128x128xf32, #tpu.memory_space<vmem_shared>>) target(%arg9 : memref<128x128xf32, #tpu.memory_space<vmem>>) target_semaphore(%run_scoped3A : memref<!tpu.dma_semaphore, #tpu.memory_space<semaphore_mem>>)
      %dma_wait3A = arith.constant 0 : i32
      %dma_wait3A_56 = tpu.memref_slice %arg10[%add3A_26, %dma_wait3A] : memref<10240x128xf32, #tpu.memory_space<vmem_shared>> -> memref<128x128xf32, #tpu.memory_space<vmem_shared>>
      %dma_wait3A_57 = arith.constant 0 : i32
      %dma_wait3A_58 = tpu.memref_slice %arg10[%add3A_26, %dma_wait3A_57] : memref<10240x128xf32, #tpu.memory_space<vmem_shared>> -> memref<128x128xf32, #tpu.memory_space<vmem_shared>>
      tpu.wait_dma2 semaphore(%run_scoped3A : memref<!tpu.dma_semaphore, #tpu.memory_space<semaphore_mem>>) src(%dma_wait3A_58 : memref<128x128xf32, #tpu.memory_space<vmem_shared>>) dst(%arg9 : memref<128x128xf32, #tpu.memory_space<vmem>>)
      tpu.yield
    }) : () -> ()
    "tpu.region"() ({
      %run_scoped3A = tpu.sem_alloc : memref<!tpu.dma_semaphore, #tpu.memory_space<semaphore_mem>>
      %dma_start3A = arith.constant 0 : i32
      %dma_start3A_53 = tpu.memref_slice %arg6[%add3A_31, %dma_start3A] : memref<20480x128xf32, #tpu.memory_space<hbm>> -> memref<128x128xf32, #tpu.memory_space<hbm>>
      %dma_start3A_54 = arith.constant 0 : i32
      %dma_start3A_55 = tpu.memref_slice %arg6[%add3A_31, %dma_start3A_54] : memref<20480x128xf32, #tpu.memory_space<hbm>> -> memref<128x128xf32, #tpu.memory_space<hbm>>
      tpu.enqueue_dma source(%arg9 : memref<128x128xf32, #tpu.memory_space<vmem>>) target(%dma_start3A_55 : memref<128x128xf32, #tpu.memory_space<hbm>>) target_semaphore(%run_scoped3A : memref<!tpu.dma_semaphore, #tpu.memory_space<semaphore_mem>>)
      %dma_wait3A = arith.constant 0 : i32
      %dma_wait3A_56 = tpu.memref_slice %arg6[%add3A_31, %dma_wait3A] : memref<20480x128xf32, #tpu.memory_space<hbm>> -> memref<128x128xf32, #tpu.memory_space<hbm>>
      %dma_wait3A_57 = arith.constant 0 : i32
      %dma_wait3A_58 = tpu.memref_slice %arg6[%add3A_31, %dma_wait3A_57] : memref<20480x128xf32, #tpu.memory_space<hbm>> -> memref<128x128xf32, #tpu.memory_space<hbm>>
      tpu.wait_dma2 semaphore(%run_scoped3A : memref<!tpu.dma_semaphore, #tpu.memory_space<semaphore_mem>>) src(%arg9 : memref<128x128xf32, #tpu.memory_space<vmem>>) dst(%dma_wait3A_58 : memref<128x128xf32, #tpu.memory_space<hbm>>)
      tpu.yield
    }) : () -> ()
    %add3A_32 = arith.constant 256 : i32
    %add3A_33 = arith.addi %mul3A_2, %add3A_32 : i32
    %mul3A_34 = arith.constant 10240 : i32
    %mul3A_35 = arith.muli %arg0, %mul3A_34 : i32
    %add3A_36 = arith.addi %mul3A_35, %mul3A_2 : i32
    %add3A_37 = arith.constant 256 : i32
    %add3A_38 = arith.addi %add3A_36, %add3A_37 : i32
    "tpu.region"() ({
      %run_scoped3A = tpu.sem_alloc : memref<!tpu.dma_semaphore, #tpu.memory_space<semaphore_mem>>
      %dma_start3A = arith.constant 0 : i32
      %dma_start3A_53 = tpu.memref_slice %arg10[%add3A_33, %dma_start3A] : memref<10240x128xf32, #tpu.memory_space<vmem_shared>> -> memref<128x128xf32, #tpu.memory_space<vmem_shared>>
      %dma_start3A_54 = arith.constant 0 : i32
      %dma_start3A_55 = tpu.memref_slice %arg10[%add3A_33, %dma_start3A_54] : memref<10240x128xf32, #tpu.memory_space<vmem_shared>> -> memref<128x128xf32, #tpu.memory_space<vmem_shared>>
      tpu.enqueue_dma source(%dma_start3A_55 : memref<128x128xf32, #tpu.memory_space<vmem_shared>>) target(%arg9 : memref<128x128xf32, #tpu.memory_space<vmem>>) target_semaphore(%run_scoped3A : memref<!tpu.dma_semaphore, #tpu.memory_space<semaphore_mem>>)
      %dma_wait3A = arith.constant 0 : i32
      %dma_wait3A_56 = tpu.memref_slice %arg10[%add3A_33, %dma_wait3A] : memref<10240x128xf32, #tpu.memory_space<vmem_shared>> -> memref<128x128xf32, #tpu.memory_space<vmem_shared>>
      %dma_wait3A_57 = arith.constant 0 : i32
      %dma_wait3A_58 = tpu.memref_slice %arg10[%add3A_33, %dma_wait3A_57] : memref<10240x128xf32, #tpu.memory_space<vmem_shared>> -> memref<128x128xf32, #tpu.memory_space<vmem_shared>>
      tpu.wait_dma2 semaphore(%run_scoped3A : memref<!tpu.dma_semaphore, #tpu.memory_space<semaphore_mem>>) src(%dma_wait3A_58 : memref<128x128xf32, #tpu.memory_space<vmem_shared>>) dst(%arg9 : memref<128x128xf32, #tpu.memory_space<vmem>>)
      tpu.yield
    }) : () -> ()
    "tpu.region"() ({
      %run_scoped3A = tpu.sem_alloc : memref<!tpu.dma_semaphore, #tpu.memory_space<semaphore_mem>>
      %dma_start3A = arith.constant 0 : i32
      %dma_start3A_53 = tpu.memref_slice %arg6[%add3A_38, %dma_start3A] : memref<20480x128xf32, #tpu.memory_space<hbm>> -> memref<128x128xf32, #tpu.memory_space<hbm>>
      %dma_start3A_54 = arith.constant 0 : i32
      %dma_start3A_55 = tpu.memref_slice %arg6[%add3A_38, %dma_start3A_54] : memref<20480x128xf32, #tpu.memory_space<hbm>> -> memref<128x128xf32, #tpu.memory_space<hbm>>
      tpu.enqueue_dma source(%arg9 : memref<128x128xf32, #tpu.memory_space<vmem>>) target(%dma_start3A_55 : memref<128x128xf32, #tpu.memory_space<hbm>>) target_semaphore(%run_scoped3A : memref<!tpu.dma_semaphore, #tpu.memory_space<semaphore_mem>>)
      %dma_wait3A = arith.constant 0 : i32
      %dma_wait3A_56 = tpu.memref_slice %arg6[%add3A_38, %dma_wait3A] : memref<20480x128xf32, #tpu.memory_space<hbm>> -> memref<128x128xf32, #tpu.memory_space<hbm>>
      %dma_wait3A_57 = arith.constant 0 : i32
      %dma_wait3A_58 = tpu.memref_slice %arg6[%add3A_38, %dma_wait3A_57] : memref<20480x128xf32, #tpu.memory_space<hbm>> -> memref<128x128xf32, #tpu.memory_space<hbm>>
      tpu.wait_dma2 semaphore(%run_scoped3A : memref<!tpu.dma_semaphore, #tpu.memory_space<semaphore_mem>>) src(%arg9 : memref<128x128xf32, #tpu.memory_space<vmem>>) dst(%dma_wait3A_58 : memref<128x128xf32, #tpu.memory_space<hbm>>)
      tpu.yield
    }) : () -> ()
    %add3A_39 = arith.constant 384 : i32
    %add3A_40 = arith.addi %mul3A_2, %add3A_39 : i32
    %mul3A_41 = arith.constant 10240 : i32
    %mul3A_42 = arith.muli %arg0, %mul3A_41 : i32
    %add3A_43 = arith.addi %mul3A_42, %mul3A_2 : i32
    %add3A_44 = arith.constant 384 : i32
    %add3A_45 = arith.addi %add3A_43, %add3A_44 : i32
    "tpu.region"() ({
      %run_scoped3A = tpu.sem_alloc : memref<!tpu.dma_semaphore, #tpu.memory_space<semaphore_mem>>
      %dma_start3A = arith.constant 0 : i32
      %dma_start3A_53 = tpu.memref_slice %arg10[%add3A_40, %dma_start3A] : memref<10240x128xf32, #tpu.memory_space<vmem_shared>> -> memref<128x128xf32, #tpu.memory_space<vmem_shared>>
      %dma_start3A_54 = arith.constant 0 : i32
      %dma_start3A_55 = tpu.memref_slice %arg10[%add3A_40, %dma_start3A_54] : memref<10240x128xf32, #tpu.memory_space<vmem_shared>> -> memref<128x128xf32, #tpu.memory_space<vmem_shared>>
      tpu.enqueue_dma source(%dma_start3A_55 : memref<128x128xf32, #tpu.memory_space<vmem_shared>>) target(%arg9 : memref<128x128xf32, #tpu.memory_space<vmem>>) target_semaphore(%run_scoped3A : memref<!tpu.dma_semaphore, #tpu.memory_space<semaphore_mem>>)
      %dma_wait3A = arith.constant 0 : i32
      %dma_wait3A_56 = tpu.memref_slice %arg10[%add3A_40, %dma_wait3A] : memref<10240x128xf32, #tpu.memory_space<vmem_shared>> -> memref<128x128xf32, #tpu.memory_space<vmem_shared>>
      %dma_wait3A_57 = arith.constant 0 : i32
      %dma_wait3A_58 = tpu.memref_slice %arg10[%add3A_40, %dma_wait3A_57] : memref<10240x128xf32, #tpu.memory_space<vmem_shared>> -> memref<128x128xf32, #tpu.memory_space<vmem_shared>>
      tpu.wait_dma2 semaphore(%run_scoped3A : memref<!tpu.dma_semaphore, #tpu.memory_space<semaphore_mem>>) src(%dma_wait3A_58 : memref<128x128xf32, #tpu.memory_space<vmem_shared>>) dst(%arg9 : memref<128x128xf32, #tpu.memory_space<vmem>>)
      tpu.yield
    }) : () -> ()
    "tpu.region"() ({
      %run_scoped3A = tpu.sem_alloc : memref<!tpu.dma_semaphore, #tpu.memory_space<semaphore_mem>>
      %dma_start3A = arith.constant 0 : i32
      %dma_start3A_53 = tpu.memref_slice %arg6[%add3A_45, %dma_start3A] : memref<20480x128xf32, #tpu.memory_space<hbm>> -> memref<128x128xf32, #tpu.memory_space<hbm>>
      %dma_start3A_54 = arith.constant 0 : i32
      %dma_start3A_55 = tpu.memref_slice %arg6[%add3A_45, %dma_start3A_54] : memref<20480x128xf32, #tpu.memory_space<hbm>> -> memref<128x128xf32, #tpu.memory_space<hbm>>
      tpu.enqueue_dma source(%arg9 : memref<128x128xf32, #tpu.memory_space<vmem>>) target(%dma_start3A_55 : memref<128x128xf32, #tpu.memory_space<hbm>>) target_semaphore(%run_scoped3A : memref<!tpu.dma_semaphore, #tpu.memory_space<semaphore_mem>>)
      %dma_wait3A = arith.constant 0 : i32
      %dma_wait3A_56 = tpu.memref_slice %arg6[%add3A_45, %dma_wait3A] : memref<20480x128xf32, #tpu.memory_space<hbm>> -> memref<128x128xf32, #tpu.memory_space<hbm>>
      %dma_wait3A_57 = arith.constant 0 : i32
      %dma_wait3A_58 = tpu.memref_slice %arg6[%add3A_45, %dma_wait3A_57] : memref<20480x128xf32, #tpu.memory_space<hbm>> -> memref<128x128xf32, #tpu.memory_space<hbm>>
      tpu.wait_dma2 semaphore(%run_scoped3A : memref<!tpu.dma_semaphore, #tpu.memory_space<semaphore_mem>>) src(%arg9 : memref<128x128xf32, #tpu.memory_space<vmem>>) dst(%dma_wait3A_58 : memref<128x128xf32, #tpu.memory_space<hbm>>)
      tpu.yield
    }) : () -> ()
    %add3A_46 = arith.constant 512 : i32
    %add3A_47 = arith.addi %mul3A_2, %add3A_46 : i32
    %mul3A_48 = arith.constant 10240 : i32
    %mul3A_49 = arith.muli %arg0, %mul3A_48 : i32
    %add3A_50 = arith.addi %mul3A_49, %mul3A_2 : i32
    %add3A_51 = arith.constant 512 : i32
    %add3A_52 = arith.addi %add3A_50, %add3A_51 : i32
    "tpu.region"() ({
      %run_scoped3A = tpu.sem_alloc : memref<!tpu.dma_semaphore, #tpu.memory_space<semaphore_mem>>
      %dma_start3A = arith.constant 0 : i32
      %dma_start3A_53 = tpu.memref_slice %arg10[%add3A_47, %dma_start3A] : memref<10240x128xf32, #tpu.memory_space<vmem_shared>> -> memref<128x128xf32, #tpu.memory_space<vmem_shared>>
      %dma_start3A_54 = arith.constant 0 : i32
      %dma_start3A_55 = tpu.memref_slice %arg10[%add3A_47, %dma_start3A_54] : memref<10240x128xf32, #tpu.memory_space<vmem_shared>> -> memref<128x128xf32, #tpu.memory_space<vmem_shared>>
      tpu.enqueue_dma source(%dma_start3A_55 : memref<128x128xf32, #tpu.memory_space<vmem_shared>>) target(%arg9 : memref<128x128xf32, #tpu.memory_space<vmem>>) target_semaphore(%run_scoped3A : memref<!tpu.dma_semaphore, #tpu.memory_space<semaphore_mem>>)
      %dma_wait3A = arith.constant 0 : i32
      %dma_wait3A_56 = tpu.memref_slice %arg10[%add3A_47, %dma_wait3A] : memref<10240x128xf32, #tpu.memory_space<vmem_shared>> -> memref<128x128xf32, #tpu.memory_space<vmem_shared>>
      %dma_wait3A_57 = arith.constant 0 : i32
      %dma_wait3A_58 = tpu.memref_slice %arg10[%add3A_47, %dma_wait3A_57] : memref<10240x128xf32, #tpu.memory_space<vmem_shared>> -> memref<128x128xf32, #tpu.memory_space<vmem_shared>>
      tpu.wait_dma2 semaphore(%run_scoped3A : memref<!tpu.dma_semaphore, #tpu.memory_space<semaphore_mem>>) src(%dma_wait3A_58 : memref<128x128xf32, #tpu.memory_space<vmem_shared>>) dst(%arg9 : memref<128x128xf32, #tpu.memory_space<vmem>>)
      tpu.yield
    }) : () -> ()
    "tpu.region"() ({
      %run_scoped3A = tpu.sem_alloc : memref<!tpu.dma_semaphore, #tpu.memory_space<semaphore_mem>>
      %dma_start3A = arith.constant 0 : i32
      %dma_start3A_53 = tpu.memref_slice %arg6[%add3A_52, %dma_start3A] : memref<20480x128xf32, #tpu.memory_space<hbm>> -> memref<128x128xf32, #tpu.memory_space<hbm>>
      %dma_start3A_54 = arith.constant 0 : i32
      %dma_start3A_55 = tpu.memref_slice %arg6[%add3A_52, %dma_start3A_54] : memref<20480x128xf32, #tpu.memory_space<hbm>> -> memref<128x128xf32, #tpu.memory_space<hbm>>
      tpu.enqueue_dma source(%arg9 : memref<128x128xf32, #tpu.memory_space<vmem>>) target(%dma_start3A_55 : memref<128x128xf32, #tpu.memory_space<hbm>>) target_semaphore(%run_scoped3A : memref<!tpu.dma_semaphore, #tpu.memory_space<semaphore_mem>>)
      %dma_wait3A = arith.constant 0 : i32
      %dma_wait3A_56 = tpu.memref_slice %arg6[%add3A_52, %dma_wait3A] : memref<20480x128xf32, #tpu.memory_space<hbm>> -> memref<128x128xf32, #tpu.memory_space<hbm>>
      %dma_wait3A_57 = arith.constant 0 : i32
      %dma_wait3A_58 = tpu.memref_slice %arg6[%add3A_52, %dma_wait3A_57] : memref<20480x128xf32, #tpu.memory_space<hbm>> -> memref<128x128xf32, #tpu.memory_space<hbm>>
      tpu.wait_dma2 semaphore(%run_scoped3A : memref<!tpu.dma_semaphore, #tpu.memory_space<semaphore_mem>>) src(%arg9 : memref<128x128xf32, #tpu.memory_space<vmem>>) dst(%dma_wait3A_58 : memref<128x128xf32, #tpu.memory_space<hbm>>)
      tpu.yield
    }) : () -> ()
    return
  }
}

#map = affine_map<(d0, d1) -> (0)>
#map1 = affine_map<(d0, d1) -> (0, 0)>
module attributes {stable_mosaic.version = 14 : i64} {
  func.func @k(%arg0: i32, %arg1: i32, %arg2: memref<323584xi32, #tpu.memory_space<hbm>>, %arg3: memref<323584xi32, #tpu.memory_space<hbm>>, %arg4: memref<10000x128xf32, #tpu.memory_space<hbm>>, %arg5: memref<128x128xf32, #tpu.memory_space<hbm>>, %arg6: memref<20480x128xf32, #tpu.memory_space<hbm>>, %arg7: memref<128xi32, #tpu.memory_space<vmem>>, %arg8: memref<128xi32, #tpu.memory_space<vmem>>, %arg9: memref<128x128xf32, #tpu.memory_space<vmem>>, %arg10: memref<10240x128xf32, #tpu.memory_space<vmem_shared>>) attributes {dimension_semantics = [#tpu.dimension_semantics<core_parallel>, #tpu.dimension_semantics<subcore_parallel>], iteration_bounds = array<i64: 2, 16>, scalar_prefetch = 0 : i64, scratch_operands = 4 : i64, tpu.core_type = #tpu.core_type<sc_vector_subcore>, window_params = [{transform_indices = #map}, {transform_indices = #map}, {transform_indices = #map1}, {transform_indices = #map1}, {transform_indices = #map1}]} {
    %mul3A = arith.constant 2 : i32
    %mul3A_0 = arith.muli %arg1, %mul3A : i32
    %add3A = arith.addi %mul3A_0, %arg0 : i32
    %mul3A_1 = arith.constant 640 : i32
    %mul3A_2 = arith.muli %arg1, %mul3A_1 : i32
    "tpu.region"() ({
      %run_scoped3A = tpu.sem_alloc : memref<!tpu.dma_semaphore, #tpu.memory_space<semaphore_mem>>
      tpu.enqueue_dma source(%arg5 : memref<128x128xf32, #tpu.memory_space<hbm>>) target(%arg9 : memref<128x128xf32, #tpu.memory_space<vmem>>) target_semaphore(%run_scoped3A : memref<!tpu.dma_semaphore, #tpu.memory_space<semaphore_mem>>)
      tpu.wait_dma2 semaphore(%run_scoped3A : memref<!tpu.dma_semaphore, #tpu.memory_space<semaphore_mem>>) src(%arg5 : memref<128x128xf32, #tpu.memory_space<hbm>>) dst(%arg9 : memref<128x128xf32, #tpu.memory_space<vmem>>)
      tpu.yield
    }) : () -> ()
    %add3A_3 = arith.constant 0 : i32
    %add3A_4 = arith.addi %mul3A_2, %add3A_3 : i32
    "tpu.region"() ({
      %run_scoped3A = tpu.sem_alloc : memref<!tpu.dma_semaphore, #tpu.memory_space<semaphore_mem>>
      %dma_start3A = arith.constant 0 : i32
      %dma_start3A_53 = tpu.memref_slice %arg10[%add3A_4, %dma_start3A] : memref<10240x128xf32, #tpu.memory_space<vmem_shared>> -> memref<128x128xf32, #tpu.memory_space<vmem_shared>>
      %dma_start3A_54 = arith.constant 0 : i32
      %dma_start3A_55 = tpu.memref_slice %arg10[%add3A_4, %dma_start3A_54] : memref<10240x128xf32, #tpu.memory_space<vmem_shared>> -> memref<128x128xf32, #tpu.memory_space<vmem_shared>>
      tpu.enqueue_dma source(%arg9 : memref<128x128xf32, #tpu.memory_space<vmem>>) target(%dma_start3A_55 : memref<128x128xf32, #tpu.memory_space<vmem_shared>>) target_semaphore(%run_scoped3A : memref<!tpu.dma_semaphore, #tpu.memory_space<semaphore_mem>>)
      %dma_wait3A = arith.constant 0 : i32
      %dma_wait3A_56 = tpu.memref_slice %arg10[%add3A_4, %dma_wait3A] : memref<10240x128xf32, #tpu.memory_space<vmem_shared>> -> memref<128x128xf32, #tpu.memory_space<vmem_shared>>
      %dma_wait3A_57 = arith.constant 0 : i32
      %dma_wait3A_58 = tpu.memref_slice %arg10[%add3A_4, %dma_wait3A_57] : memref<10240x128xf32, #tpu.memory_space<vmem_shared>> -> memref<128x128xf32, #tpu.memory_space<vmem_shared>>
      tpu.wait_dma2 semaphore(%run_scoped3A : memref<!tpu.dma_semaphore, #tpu.memory_space<semaphore_mem>>) src(%arg9 : memref<128x128xf32, #tpu.memory_space<vmem>>) dst(%dma_wait3A_58 : memref<128x128xf32, #tpu.memory_space<vmem_shared>>)
      tpu.yield
    }) : () -> ()
    %add3A_5 = arith.constant 128 : i32
    %add3A_6 = arith.addi %mul3A_2, %add3A_5 : i32
    "tpu.region"() ({
      %run_scoped3A = tpu.sem_alloc : memref<!tpu.dma_semaphore, #tpu.memory_space<semaphore_mem>>
      %dma_start3A = arith.constant 0 : i32
      %dma_start3A_53 = tpu.memref_slice %arg10[%add3A_6, %dma_start3A] : memref<10240x128xf32, #tpu.memory_space<vmem_shared>> -> memref<128x128xf32, #tpu.memory_space<vmem_shared>>
      %dma_start3A_54 = arith.constant 0 : i32
      %dma_start3A_55 = tpu.memref_slice %arg10[%add3A_6, %dma_start3A_54] : memref<10240x128xf32, #tpu.memory_space<vmem_shared>> -> memref<128x128xf32, #tpu.memory_space<vmem_shared>>
      tpu.enqueue_dma source(%arg9 : memref<128x128xf32, #tpu.memory_space<vmem>>) target(%dma_start3A_55 : memref<128x128xf32, #tpu.memory_space<vmem_shared>>) target_semaphore(%run_scoped3A : memref<!tpu.dma_semaphore, #tpu.memory_space<semaphore_mem>>)
      %dma_wait3A = arith.constant 0 : i32
      %dma_wait3A_56 = tpu.memref_slice %arg10[%add3A_6, %dma_wait3A] : memref<10240x128xf32, #tpu.memory_space<vmem_shared>> -> memref<128x128xf32, #tpu.memory_space<vmem_shared>>
      %dma_wait3A_57 = arith.constant 0 : i32
      %dma_wait3A_58 = tpu.memref_slice %arg10[%add3A_6, %dma_wait3A_57] : memref<10240x128xf32, #tpu.memory_space<vmem_shared>> -> memref<128x128xf32, #tpu.memory_space<vmem_shared>>
      tpu.wait_dma2 semaphore(%run_scoped3A : memref<!tpu.dma_semaphore, #tpu.memory_space<semaphore_mem>>) src(%arg9 : memref<128x128xf32, #tpu.memory_space<vmem>>) dst(%dma_wait3A_58 : memref<128x128xf32, #tpu.memory_space<vmem_shared>>)
      tpu.yield
    }) : () -> ()
    %add3A_7 = arith.constant 256 : i32
    %add3A_8 = arith.addi %mul3A_2, %add3A_7 : i32
    "tpu.region"() ({
      %run_scoped3A = tpu.sem_alloc : memref<!tpu.dma_semaphore, #tpu.memory_space<semaphore_mem>>
      %dma_start3A = arith.constant 0 : i32
      %dma_start3A_53 = tpu.memref_slice %arg10[%add3A_8, %dma_start3A] : memref<10240x128xf32, #tpu.memory_space<vmem_shared>> -> memref<128x128xf32, #tpu.memory_space<vmem_shared>>
      %dma_start3A_54 = arith.constant 0 : i32
      %dma_start3A_55 = tpu.memref_slice %arg10[%add3A_8, %dma_start3A_54] : memref<10240x128xf32, #tpu.memory_space<vmem_shared>> -> memref<128x128xf32, #tpu.memory_space<vmem_shared>>
      tpu.enqueue_dma source(%arg9 : memref<128x128xf32, #tpu.memory_space<vmem>>) target(%dma_start3A_55 : memref<128x128xf32, #tpu.memory_space<vmem_shared>>) target_semaphore(%run_scoped3A : memref<!tpu.dma_semaphore, #tpu.memory_space<semaphore_mem>>)
      %dma_wait3A = arith.constant 0 : i32
      %dma_wait3A_56 = tpu.memref_slice %arg10[%add3A_8, %dma_wait3A] : memref<10240x128xf32, #tpu.memory_space<vmem_shared>> -> memref<128x128xf32, #tpu.memory_space<vmem_shared>>
      %dma_wait3A_57 = arith.constant 0 : i32
      %dma_wait3A_58 = tpu.memref_slice %arg10[%add3A_8, %dma_wait3A_57] : memref<10240x128xf32, #tpu.memory_space<vmem_shared>> -> memref<128x128xf32, #tpu.memory_space<vmem_shared>>
      tpu.wait_dma2 semaphore(%run_scoped3A : memref<!tpu.dma_semaphore, #tpu.memory_space<semaphore_mem>>) src(%arg9 : memref<128x128xf32, #tpu.memory_space<vmem>>) dst(%dma_wait3A_58 : memref<128x128xf32, #tpu.memory_space<vmem_shared>>)
      tpu.yield
    }) : () -> ()
    %add3A_9 = arith.constant 384 : i32
    %add3A_10 = arith.addi %mul3A_2, %add3A_9 : i32
    "tpu.region"() ({
      %run_scoped3A = tpu.sem_alloc : memref<!tpu.dma_semaphore, #tpu.memory_space<semaphore_mem>>
      %dma_start3A = arith.constant 0 : i32
      %dma_start3A_53 = tpu.memref_slice %arg10[%add3A_10, %dma_start3A] : memref<10240x128xf32, #tpu.memory_space<vmem_shared>> -> memref<128x128xf32, #tpu.memory_space<vmem_shared>>
      %dma_start3A_54 = arith.constant 0 : i32
      %dma_start3A_55 = tpu.memref_slice %arg10[%add3A_10, %dma_start3A_54] : memref<10240x128xf32, #tpu.memory_space<vmem_shared>> -> memref<128x128xf32, #tpu.memory_space<vmem_shared>>
      tpu.enqueue_dma source(%arg9 : memref<128x128xf32, #tpu.memory_space<vmem>>) target(%dma_start3A_55 : memref<128x128xf32, #tpu.memory_space<vmem_shared>>) target_semaphore(%run_scoped3A : memref<!tpu.dma_semaphore, #tpu.memory_space<semaphore_mem>>)
      %dma_wait3A = arith.constant 0 : i32
      %dma_wait3A_56 = tpu.memref_slice %arg10[%add3A_10, %dma_wait3A] : memref<10240x128xf32, #tpu.memory_space<vmem_shared>> -> memref<128x128xf32, #tpu.memory_space<vmem_shared>>
      %dma_wait3A_57 = arith.constant 0 : i32
      %dma_wait3A_58 = tpu.memref_slice %arg10[%add3A_10, %dma_wait3A_57] : memref<10240x128xf32, #tpu.memory_space<vmem_shared>> -> memref<128x128xf32, #tpu.memory_space<vmem_shared>>
      tpu.wait_dma2 semaphore(%run_scoped3A : memref<!tpu.dma_semaphore, #tpu.memory_space<semaphore_mem>>) src(%arg9 : memref<128x128xf32, #tpu.memory_space<vmem>>) dst(%dma_wait3A_58 : memref<128x128xf32, #tpu.memory_space<vmem_shared>>)
      tpu.yield
    }) : () -> ()
    %add3A_11 = arith.constant 512 : i32
    %add3A_12 = arith.addi %mul3A_2, %add3A_11 : i32
    "tpu.region"() ({
      %run_scoped3A = tpu.sem_alloc : memref<!tpu.dma_semaphore, #tpu.memory_space<semaphore_mem>>
      %dma_start3A = arith.constant 0 : i32
      %dma_start3A_53 = tpu.memref_slice %arg10[%add3A_12, %dma_start3A] : memref<10240x128xf32, #tpu.memory_space<vmem_shared>> -> memref<128x128xf32, #tpu.memory_space<vmem_shared>>
      %dma_start3A_54 = arith.constant 0 : i32
      %dma_start3A_55 = tpu.memref_slice %arg10[%add3A_12, %dma_start3A_54] : memref<10240x128xf32, #tpu.memory_space<vmem_shared>> -> memref<128x128xf32, #tpu.memory_space<vmem_shared>>
      tpu.enqueue_dma source(%arg9 : memref<128x128xf32, #tpu.memory_space<vmem>>) target(%dma_start3A_55 : memref<128x128xf32, #tpu.memory_space<vmem_shared>>) target_semaphore(%run_scoped3A : memref<!tpu.dma_semaphore, #tpu.memory_space<semaphore_mem>>)
      %dma_wait3A = arith.constant 0 : i32
      %dma_wait3A_56 = tpu.memref_slice %arg10[%add3A_12, %dma_wait3A] : memref<10240x128xf32, #tpu.memory_space<vmem_shared>> -> memref<128x128xf32, #tpu.memory_space<vmem_shared>>
      %dma_wait3A_57 = arith.constant 0 : i32
      %dma_wait3A_58 = tpu.memref_slice %arg10[%add3A_12, %dma_wait3A_57] : memref<10240x128xf32, #tpu.memory_space<vmem_shared>> -> memref<128x128xf32, #tpu.memory_space<vmem_shared>>
      tpu.wait_dma2 semaphore(%run_scoped3A : memref<!tpu.dma_semaphore, #tpu.memory_space<semaphore_mem>>) src(%arg9 : memref<128x128xf32, #tpu.memory_space<vmem>>) dst(%dma_wait3A_58 : memref<128x128xf32, #tpu.memory_space<vmem_shared>>)
      tpu.yield
    }) : () -> ()
    %barrier3A = arith.constant 0 : index
    tpu.barrier barrier_id(%barrier3A)
    %scan3A = arith.constant 0 : i32
    %scan3A_13 = arith.constant 79 : i32
    %scan3A_14 = arith.addi %scan3A, %scan3A_13 : i32
    %scan3A_15 = arith.constant 1 : i32
    scf.for %scan3A_53 = %scan3A to %scan3A_14 step %scan3A_15  : i32 {
      %mul3A_54 = arith.constant 1 : i32
      %mul3A_55 = arith.muli %scan3A_53, %mul3A_54 : i32
      %add3A_56 = arith.constant 0 : i32
      %add3A_57 = arith.addi %add3A_56, %mul3A_55 : i32
      %mul3A_58 = arith.constant 32 : i32
      %mul3A_59 = arith.muli %add3A_57, %mul3A_58 : i32
      %add3A_60 = arith.addi %add3A, %mul3A_59 : i32
      %mul3A_61 = arith.constant 128 : i32
      %mul3A_62 = arith.muli %add3A_60, %mul3A_61 : i32
      "tpu.region"() ({
        %run_scoped3A = tpu.sem_alloc : memref<!tpu.dma_semaphore, #tpu.memory_space<semaphore_mem>>
        %dma_start3A = tpu.memref_slice %arg2[%mul3A_62] : memref<323584xi32, #tpu.memory_space<hbm>> -> memref<128xi32, #tpu.memory_space<hbm>>
        %dma_start3A_63 = tpu.memref_slice %arg2[%mul3A_62] : memref<323584xi32, #tpu.memory_space<hbm>> -> memref<128xi32, #tpu.memory_space<hbm>>
        tpu.enqueue_dma source(%dma_start3A_63 : memref<128xi32, #tpu.memory_space<hbm>>) target(%arg7 : memref<128xi32, #tpu.memory_space<vmem>>) target_semaphore(%run_scoped3A : memref<!tpu.dma_semaphore, #tpu.memory_space<semaphore_mem>>)
        %dma_wait3A = tpu.memref_slice %arg2[%mul3A_62] : memref<323584xi32, #tpu.memory_space<hbm>> -> memref<128xi32, #tpu.memory_space<hbm>>
        %dma_wait3A_64 = tpu.memref_slice %arg2[%mul3A_62] : memref<323584xi32, #tpu.memory_space<hbm>> -> memref<128xi32, #tpu.memory_space<hbm>>
        tpu.wait_dma2 semaphore(%run_scoped3A : memref<!tpu.dma_semaphore, #tpu.memory_space<semaphore_mem>>) src(%dma_wait3A_64 : memref<128xi32, #tpu.memory_space<hbm>>) dst(%arg7 : memref<128xi32, #tpu.memory_space<vmem>>)
        tpu.yield
      }) : () -> ()
      "tpu.region"() ({
        %run_scoped3A = tpu.sem_alloc : memref<!tpu.dma_semaphore, #tpu.memory_space<semaphore_mem>>
        %dma_start3A = tpu.memref_slice %arg3[%mul3A_62] : memref<323584xi32, #tpu.memory_space<hbm>> -> memref<128xi32, #tpu.memory_space<hbm>>
        %dma_start3A_63 = tpu.memref_slice %arg3[%mul3A_62] : memref<323584xi32, #tpu.memory_space<hbm>> -> memref<128xi32, #tpu.memory_space<hbm>>
        tpu.enqueue_dma source(%dma_start3A_63 : memref<128xi32, #tpu.memory_space<hbm>>) target(%arg8 : memref<128xi32, #tpu.memory_space<vmem>>) target_semaphore(%run_scoped3A : memref<!tpu.dma_semaphore, #tpu.memory_space<semaphore_mem>>)
        %dma_wait3A = tpu.memref_slice %arg3[%mul3A_62] : memref<323584xi32, #tpu.memory_space<hbm>> -> memref<128xi32, #tpu.memory_space<hbm>>
        %dma_wait3A_64 = tpu.memref_slice %arg3[%mul3A_62] : memref<323584xi32, #tpu.memory_space<hbm>> -> memref<128xi32, #tpu.memory_space<hbm>>
        tpu.wait_dma2 semaphore(%run_scoped3A : memref<!tpu.dma_semaphore, #tpu.memory_space<semaphore_mem>>) src(%dma_wait3A_64 : memref<128xi32, #tpu.memory_space<hbm>>) dst(%arg8 : memref<128xi32, #tpu.memory_space<vmem>>)
        tpu.yield
      }) : () -> ()
      "tpu.region"() ({
        %run_scoped3A = tpu.sem_alloc : memref<!tpu.dma_semaphore, #tpu.memory_space<semaphore_mem>>
        %dma_start3A = arith.constant 0 : i32
        %dma_start3A_63 = arith.constant 0 : i32
        %dma_start3A_64 = tpu.memref_slice %arg4[%dma_start3A, %dma_start3A_63] : memref<10000x128xf32, #tpu.memory_space<hbm>> -> memref<10000x128xf32, #tpu.memory_space<hbm>>
        tpu.enqueue_indirect_dma source(%dma_start3A_64 : memref<10000x128xf32, #tpu.memory_space<hbm>>) target(%arg9 : memref<128x128xf32, #tpu.memory_space<vmem>>) offsets(%arg7 : memref<128xi32, #tpu.memory_space<vmem>>) semaphore(%run_scoped3A : memref<!tpu.dma_semaphore, #tpu.memory_space<semaphore_mem>>)
        %dma_wait3A = arith.constant 0 : i32
        %dma_wait3A_65 = arith.constant 0 : i32
        %dma_wait3A_66 = tpu.memref_slice %arg4[%dma_wait3A, %dma_wait3A_65] : memref<10000x128xf32, #tpu.memory_space<hbm>> -> memref<10000x128xf32, #tpu.memory_space<hbm>>
        tpu.wait_indirect_dma semaphore(%run_scoped3A : memref<!tpu.dma_semaphore, #tpu.memory_space<semaphore_mem>>) src(%dma_wait3A_66 : memref<10000x128xf32, #tpu.memory_space<hbm>>) dst(%arg9 : memref<128x128xf32, #tpu.memory_space<vmem>>)
        tpu.yield
      }) : () -> ()
      "tpu.region"() ({
        %run_scoped3A = tpu.sem_alloc : memref<!tpu.dma_semaphore, #tpu.memory_space<semaphore_mem>>
        %dma_start3A = arith.constant 0 : i32
        %dma_start3A_63 = arith.constant 0 : i32
        %dma_start3A_64 = tpu.memref_slice %arg10[%dma_start3A, %dma_start3A_63] : memref<10240x128xf32, #tpu.memory_space<vmem_shared>> -> memref<10240x128xf32, #tpu.memory_space<vmem_shared>>
        tpu.enqueue_indirect_dma source(%arg9 : memref<128x128xf32, #tpu.memory_space<vmem>>) target(%dma_start3A_64 : memref<10240x128xf32, #tpu.memory_space<vmem_shared>>) offsets(%arg8 : memref<128xi32, #tpu.memory_space<vmem>>) semaphore(%run_scoped3A : memref<!tpu.dma_semaphore, #tpu.memory_space<semaphore_mem>>) {add = true}
        %dma_wait3A = arith.constant 0 : i32
        %dma_wait3A_65 = arith.constant 0 : i32
        %dma_wait3A_66 = tpu.memref_slice %arg10[%dma_wait3A, %dma_wait3A_65] : memref<10240x128xf32, #tpu.memory_space<vmem_shared>> -> memref<10240x128xf32, #tpu.memory_space<vmem_shared>>
        tpu.wait_indirect_dma semaphore(%run_scoped3A : memref<!tpu.dma_semaphore, #tpu.memory_space<semaphore_mem>>) src(%arg9 : memref<128x128xf32, #tpu.memory_space<vmem>>) dst(%dma_wait3A_66 : memref<10240x128xf32, #tpu.memory_space<vmem_shared>>)
        tpu.yield
      }) : () -> ()
    }
    %scan3A_16 = arith.constant 79 : i32
    %barrier3A_17 = arith.constant 0 : index
    tpu.barrier barrier_id(%barrier3A_17)
    %add3A_18 = arith.constant 0 : i32
    %add3A_19 = arith.addi %mul3A_2, %add3A_18 : i32
    %mul3A_20 = arith.constant 10240 : i32
    %mul3A_21 = arith.muli %arg0, %mul3A_20 : i32
    %add3A_22 = arith.addi %mul3A_21, %mul3A_2 : i32
    %add3A_23 = arith.constant 0 : i32
    %add3A_24 = arith.addi %add3A_22, %add3A_23 : i32
    "tpu.region"() ({
      %run_scoped3A = tpu.sem_alloc : memref<!tpu.dma_semaphore, #tpu.memory_space<semaphore_mem>>
      %dma_start3A = arith.constant 0 : i32
      %dma_start3A_53 = tpu.memref_slice %arg10[%add3A_19, %dma_start3A] : memref<10240x128xf32, #tpu.memory_space<vmem_shared>> -> memref<128x128xf32, #tpu.memory_space<vmem_shared>>
      %dma_start3A_54 = arith.constant 0 : i32
      %dma_start3A_55 = tpu.memref_slice %arg10[%add3A_19, %dma_start3A_54] : memref<10240x128xf32, #tpu.memory_space<vmem_shared>> -> memref<128x128xf32, #tpu.memory_space<vmem_shared>>
      tpu.enqueue_dma source(%dma_start3A_55 : memref<128x128xf32, #tpu.memory_space<vmem_shared>>) target(%arg9 : memref<128x128xf32, #tpu.memory_space<vmem>>) target_semaphore(%run_scoped3A : memref<!tpu.dma_semaphore, #tpu.memory_space<semaphore_mem>>)
      %dma_wait3A = arith.constant 0 : i32
      %dma_wait3A_56 = tpu.memref_slice %arg10[%add3A_19, %dma_wait3A] : memref<10240x128xf32, #tpu.memory_space<vmem_shared>> -> memref<128x128xf32, #tpu.memory_space<vmem_shared>>
      %dma_wait3A_57 = arith.constant 0 : i32
      %dma_wait3A_58 = tpu.memref_slice %arg10[%add3A_19, %dma_wait3A_57] : memref<10240x128xf32, #tpu.memory_space<vmem_shared>> -> memref<128x128xf32, #tpu.memory_space<vmem_shared>>
      tpu.wait_dma2 semaphore(%run_scoped3A : memref<!tpu.dma_semaphore, #tpu.memory_space<semaphore_mem>>) src(%dma_wait3A_58 : memref<128x128xf32, #tpu.memory_space<vmem_shared>>) dst(%arg9 : memref<128x128xf32, #tpu.memory_space<vmem>>)
      tpu.yield
    }) : () -> ()
    "tpu.region"() ({
      %run_scoped3A = tpu.sem_alloc : memref<!tpu.dma_semaphore, #tpu.memory_space<semaphore_mem>>
      %dma_start3A = arith.constant 0 : i32
      %dma_start3A_53 = tpu.memref_slice %arg6[%add3A_24, %dma_start3A] : memref<20480x128xf32, #tpu.memory_space<hbm>> -> memref<128x128xf32, #tpu.memory_space<hbm>>
      %dma_start3A_54 = arith.constant 0 : i32
      %dma_start3A_55 = tpu.memref_slice %arg6[%add3A_24, %dma_start3A_54] : memref<20480x128xf32, #tpu.memory_space<hbm>> -> memref<128x128xf32, #tpu.memory_space<hbm>>
      tpu.enqueue_dma source(%arg9 : memref<128x128xf32, #tpu.memory_space<vmem>>) target(%dma_start3A_55 : memref<128x128xf32, #tpu.memory_space<hbm>>) target_semaphore(%run_scoped3A : memref<!tpu.dma_semaphore, #tpu.memory_space<semaphore_mem>>)
      %dma_wait3A = arith.constant 0 : i32
      %dma_wait3A_56 = tpu.memref_slice %arg6[%add3A_24, %dma_wait3A] : memref<20480x128xf32, #tpu.memory_space<hbm>> -> memref<128x128xf32, #tpu.memory_space<hbm>>
      %dma_wait3A_57 = arith.constant 0 : i32
      %dma_wait3A_58 = tpu.memref_slice %arg6[%add3A_24, %dma_wait3A_57] : memref<20480x128xf32, #tpu.memory_space<hbm>> -> memref<128x128xf32, #tpu.memory_space<hbm>>
      tpu.wait_dma2 semaphore(%run_scoped3A : memref<!tpu.dma_semaphore, #tpu.memory_space<semaphore_mem>>) src(%arg9 : memref<128x128xf32, #tpu.memory_space<vmem>>) dst(%dma_wait3A_58 : memref<128x128xf32, #tpu.memory_space<hbm>>)
      tpu.yield
    }) : () -> ()
    %add3A_25 = arith.constant 128 : i32
    %add3A_26 = arith.addi %mul3A_2, %add3A_25 : i32
    %mul3A_27 = arith.constant 10240 : i32
    %mul3A_28 = arith.muli %arg0, %mul3A_27 : i32
    %add3A_29 = arith.addi %mul3A_28, %mul3A_2 : i32
    %add3A_30 = arith.constant 128 : i32
    %add3A_31 = arith.addi %add3A_29, %add3A_30 : i32
    "tpu.region"() ({
      %run_scoped3A = tpu.sem_alloc : memref<!tpu.dma_semaphore, #tpu.memory_space<semaphore_mem>>
      %dma_start3A = arith.constant 0 : i32
      %dma_start3A_53 = tpu.memref_slice %arg10[%add3A_26, %dma_start3A] : memref<10240x128xf32, #tpu.memory_space<vmem_shared>> -> memref<128x128xf32, #tpu.memory_space<vmem_shared>>
      %dma_start3A_54 = arith.constant 0 : i32
      %dma_start3A_55 = tpu.memref_slice %arg10[%add3A_26, %dma_start3A_54] : memref<10240x128xf32, #tpu.memory_space<vmem_shared>> -> memref<128x128xf32, #tpu.memory_space<vmem_shared>>
      tpu.enqueue_dma source(%dma_start3A_55 : memref<128x128xf32, #tpu.memory_space<vmem_shared>>) target(%arg9 : memref<128x128xf32, #tpu.memory_space<vmem>>) target_semaphore(%run_scoped3A : memref<!tpu.dma_semaphore, #tpu.memory_space<semaphore_mem>>)
      %dma_wait3A = arith.constant 0 : i32
      %dma_wait3A_56 = tpu.memref_slice %arg10[%add3A_26, %dma_wait3A] : memref<10240x128xf32, #tpu.memory_space<vmem_shared>> -> memref<128x128xf32, #tpu.memory_space<vmem_shared>>
      %dma_wait3A_57 = arith.constant 0 : i32
      %dma_wait3A_58 = tpu.memref_slice %arg10[%add3A_26, %dma_wait3A_57] : memref<10240x128xf32, #tpu.memory_space<vmem_shared>> -> memref<128x128xf32, #tpu.memory_space<vmem_shared>>
      tpu.wait_dma2 semaphore(%run_scoped3A : memref<!tpu.dma_semaphore, #tpu.memory_space<semaphore_mem>>) src(%dma_wait3A_58 : memref<128x128xf32, #tpu.memory_space<vmem_shared>>) dst(%arg9 : memref<128x128xf32, #tpu.memory_space<vmem>>)
      tpu.yield
    }) : () -> ()
    "tpu.region"() ({
      %run_scoped3A = tpu.sem_alloc : memref<!tpu.dma_semaphore, #tpu.memory_space<semaphore_mem>>
      %dma_start3A = arith.constant 0 : i32
      %dma_start3A_53 = tpu.memref_slice %arg6[%add3A_31, %dma_start3A] : memref<20480x128xf32, #tpu.memory_space<hbm>> -> memref<128x128xf32, #tpu.memory_space<hbm>>
      %dma_start3A_54 = arith.constant 0 : i32
      %dma_start3A_55 = tpu.memref_slice %arg6[%add3A_31, %dma_start3A_54] : memref<20480x128xf32, #tpu.memory_space<hbm>> -> memref<128x128xf32, #tpu.memory_space<hbm>>
      tpu.enqueue_dma source(%arg9 : memref<128x128xf32, #tpu.memory_space<vmem>>) target(%dma_start3A_55 : memref<128x128xf32, #tpu.memory_space<hbm>>) target_semaphore(%run_scoped3A : memref<!tpu.dma_semaphore, #tpu.memory_space<semaphore_mem>>)
      %dma_wait3A = arith.constant 0 : i32
      %dma_wait3A_56 = tpu.memref_slice %arg6[%add3A_31, %dma_wait3A] : memref<20480x128xf32, #tpu.memory_space<hbm>> -> memref<128x128xf32, #tpu.memory_space<hbm>>
      %dma_wait3A_57 = arith.constant 0 : i32
      %dma_wait3A_58 = tpu.memref_slice %arg6[%add3A_31, %dma_wait3A_57] : memref<20480x128xf32, #tpu.memory_space<hbm>> -> memref<128x128xf32, #tpu.memory_space<hbm>>
      tpu.wait_dma2 semaphore(%run_scoped3A : memref<!tpu.dma_semaphore, #tpu.memory_space<semaphore_mem>>) src(%arg9 : memref<128x128xf32, #tpu.memory_space<vmem>>) dst(%dma_wait3A_58 : memref<128x128xf32, #tpu.memory_space<hbm>>)
      tpu.yield
    }) : () -> ()
    %add3A_32 = arith.constant 256 : i32
    %add3A_33 = arith.addi %mul3A_2, %add3A_32 : i32
    %mul3A_34 = arith.constant 10240 : i32
    %mul3A_35 = arith.muli %arg0, %mul3A_34 : i32
    %add3A_36 = arith.addi %mul3A_35, %mul3A_2 : i32
    %add3A_37 = arith.constant 256 : i32
    %add3A_38 = arith.addi %add3A_36, %add3A_37 : i32
    "tpu.region"() ({
      %run_scoped3A = tpu.sem_alloc : memref<!tpu.dma_semaphore, #tpu.memory_space<semaphore_mem>>
      %dma_start3A = arith.constant 0 : i32
      %dma_start3A_53 = tpu.memref_slice %arg10[%add3A_33, %dma_start3A] : memref<10240x128xf32, #tpu.memory_space<vmem_shared>> -> memref<128x128xf32, #tpu.memory_space<vmem_shared>>
      %dma_start3A_54 = arith.constant 0 : i32
      %dma_start3A_55 = tpu.memref_slice %arg10[%add3A_33, %dma_start3A_54] : memref<10240x128xf32, #tpu.memory_space<vmem_shared>> -> memref<128x128xf32, #tpu.memory_space<vmem_shared>>
      tpu.enqueue_dma source(%dma_start3A_55 : memref<128x128xf32, #tpu.memory_space<vmem_shared>>) target(%arg9 : memref<128x128xf32, #tpu.memory_space<vmem>>) target_semaphore(%run_scoped3A : memref<!tpu.dma_semaphore, #tpu.memory_space<semaphore_mem>>)
      %dma_wait3A = arith.constant 0 : i32
      %dma_wait3A_56 = tpu.memref_slice %arg10[%add3A_33, %dma_wait3A] : memref<10240x128xf32, #tpu.memory_space<vmem_shared>> -> memref<128x128xf32, #tpu.memory_space<vmem_shared>>
      %dma_wait3A_57 = arith.constant 0 : i32
      %dma_wait3A_58 = tpu.memref_slice %arg10[%add3A_33, %dma_wait3A_57] : memref<10240x128xf32, #tpu.memory_space<vmem_shared>> -> memref<128x128xf32, #tpu.memory_space<vmem_shared>>
      tpu.wait_dma2 semaphore(%run_scoped3A : memref<!tpu.dma_semaphore, #tpu.memory_space<semaphore_mem>>) src(%dma_wait3A_58 : memref<128x128xf32, #tpu.memory_space<vmem_shared>>) dst(%arg9 : memref<128x128xf32, #tpu.memory_space<vmem>>)
      tpu.yield
    }) : () -> ()
    "tpu.region"() ({
      %run_scoped3A = tpu.sem_alloc : memref<!tpu.dma_semaphore, #tpu.memory_space<semaphore_mem>>
      %dma_start3A = arith.constant 0 : i32
      %dma_start3A_53 = tpu.memref_slice %arg6[%add3A_38, %dma_start3A] : memref<20480x128xf32, #tpu.memory_space<hbm>> -> memref<128x128xf32, #tpu.memory_space<hbm>>
      %dma_start3A_54 = arith.constant 0 : i32
      %dma_start3A_55 = tpu.memref_slice %arg6[%add3A_38, %dma_start3A_54] : memref<20480x128xf32, #tpu.memory_space<hbm>> -> memref<128x128xf32, #tpu.memory_space<hbm>>
      tpu.enqueue_dma source(%arg9 : memref<128x128xf32, #tpu.memory_space<vmem>>) target(%dma_start3A_55 : memref<128x128xf32, #tpu.memory_space<hbm>>) target_semaphore(%run_scoped3A : memref<!tpu.dma_semaphore, #tpu.memory_space<semaphore_mem>>)
      %dma_wait3A = arith.constant 0 : i32
      %dma_wait3A_56 = tpu.memref_slice %arg6[%add3A_38, %dma_wait3A] : memref<20480x128xf32, #tpu.memory_space<hbm>> -> memref<128x128xf32, #tpu.memory_space<hbm>>
      %dma_wait3A_57 = arith.constant 0 : i32
      %dma_wait3A_58 = tpu.memref_slice %arg6[%add3A_38, %dma_wait3A_57] : memref<20480x128xf32, #tpu.memory_space<hbm>> -> memref<128x128xf32, #tpu.memory_space<hbm>>
      tpu.wait_dma2 semaphore(%run_scoped3A : memref<!tpu.dma_semaphore, #tpu.memory_space<semaphore_mem>>) src(%arg9 : memref<128x128xf32, #tpu.memory_space<vmem>>) dst(%dma_wait3A_58 : memref<128x128xf32, #tpu.memory_space<hbm>>)
      tpu.yield
    }) : () -> ()
    %add3A_39 = arith.constant 384 : i32
    %add3A_40 = arith.addi %mul3A_2, %add3A_39 : i32
    %mul3A_41 = arith.constant 10240 : i32
    %mul3A_42 = arith.muli %arg0, %mul3A_41 : i32
    %add3A_43 = arith.addi %mul3A_42, %mul3A_2 : i32
    %add3A_44 = arith.constant 384 : i32
    %add3A_45 = arith.addi %add3A_43, %add3A_44 : i32
    "tpu.region"() ({
      %run_scoped3A = tpu.sem_alloc : memref<!tpu.dma_semaphore, #tpu.memory_space<semaphore_mem>>
      %dma_start3A = arith.constant 0 : i32
      %dma_start3A_53 = tpu.memref_slice %arg10[%add3A_40, %dma_start3A] : memref<10240x128xf32, #tpu.memory_space<vmem_shared>> -> memref<128x128xf32, #tpu.memory_space<vmem_shared>>
      %dma_start3A_54 = arith.constant 0 : i32
      %dma_start3A_55 = tpu.memref_slice %arg10[%add3A_40, %dma_start3A_54] : memref<10240x128xf32, #tpu.memory_space<vmem_shared>> -> memref<128x128xf32, #tpu.memory_space<vmem_shared>>
      tpu.enqueue_dma source(%dma_start3A_55 : memref<128x128xf32, #tpu.memory_space<vmem_shared>>) target(%arg9 : memref<128x128xf32, #tpu.memory_space<vmem>>) target_semaphore(%run_scoped3A : memref<!tpu.dma_semaphore, #tpu.memory_space<semaphore_mem>>)
      %dma_wait3A = arith.constant 0 : i32
      %dma_wait3A_56 = tpu.memref_slice %arg10[%add3A_40, %dma_wait3A] : memref<10240x128xf32, #tpu.memory_space<vmem_shared>> -> memref<128x128xf32, #tpu.memory_space<vmem_shared>>
      %dma_wait3A_57 = arith.constant 0 : i32
      %dma_wait3A_58 = tpu.memref_slice %arg10[%add3A_40, %dma_wait3A_57] : memref<10240x128xf32, #tpu.memory_space<vmem_shared>> -> memref<128x128xf32, #tpu.memory_space<vmem_shared>>
      tpu.wait_dma2 semaphore(%run_scoped3A : memref<!tpu.dma_semaphore, #tpu.memory_space<semaphore_mem>>) src(%dma_wait3A_58 : memref<128x128xf32, #tpu.memory_space<vmem_shared>>) dst(%arg9 : memref<128x128xf32, #tpu.memory_space<vmem>>)
      tpu.yield
    }) : () -> ()
    "tpu.region"() ({
      %run_scoped3A = tpu.sem_alloc : memref<!tpu.dma_semaphore, #tpu.memory_space<semaphore_mem>>
      %dma_start3A = arith.constant 0 : i32
      %dma_start3A_53 = tpu.memref_slice %arg6[%add3A_45, %dma_start3A] : memref<20480x128xf32, #tpu.memory_space<hbm>> -> memref<128x128xf32, #tpu.memory_space<hbm>>
      %dma_start3A_54 = arith.constant 0 : i32
      %dma_start3A_55 = tpu.memref_slice %arg6[%add3A_45, %dma_start3A_54] : memref<20480x128xf32, #tpu.memory_space<hbm>> -> memref<128x128xf32, #tpu.memory_space<hbm>>
      tpu.enqueue_dma source(%arg9 : memref<128x128xf32, #tpu.memory_space<vmem>>) target(%dma_start3A_55 : memref<128x128xf32, #tpu.memory_space<hbm>>) target_semaphore(%run_scoped3A : memref<!tpu.dma_semaphore, #tpu.memory_space<semaphore_mem>>)
      %dma_wait3A = arith.constant 0 : i32
      %dma_wait3A_56 = tpu.memref_slice %arg6[%add3A_45, %dma_wait3A] : memref<20480x128xf32, #tpu.memory_space<hbm>> -> memref<128x128xf32, #tpu.memory_space<hbm>>
      %dma_wait3A_57 = arith.constant 0 : i32
      %dma_wait3A_58 = tpu.memref_slice %arg6[%add3A_45, %dma_wait3A_57] : memref<20480x128xf32, #tpu.memory_space<hbm>> -> memref<128x128xf32, #tpu.memory_space<hbm>>
      tpu.wait_dma2 semaphore(%run_scoped3A : memref<!tpu.dma_semaphore, #tpu.memory_space<semaphore_mem>>) src(%arg9 : memref<128x128xf32, #tpu.memory_space<vmem>>) dst(%dma_wait3A_58 : memref<128x128xf32, #tpu.memory_space<hbm>>)
      tpu.yield
    }) : () -> ()
    %add3A_46 = arith.constant 512 : i32
    %add3A_47 = arith.addi %mul3A_2, %add3A_46 : i32
    %mul3A_48 = arith.constant 10240 : i32
    %mul3A_49 = arith.muli %arg0, %mul3A_48 : i32
    %add3A_50 = arith.addi %mul3A_49, %mul3A_2 : i32
    %add3A_51 = arith.constant 512 : i32
    %add3A_52 = arith.addi %add3A_50, %add3A_51 : i32
    "tpu.region"() ({
      %run_scoped3A = tpu.sem_alloc : memref<!tpu.dma_semaphore, #tpu.memory_space<semaphore_mem>>
      %dma_start3A = arith.constant 0 : i32
      %dma_start3A_53 = tpu.memref_slice %arg10[%add3A_47, %dma_start3A] : memref<10240x128xf32, #tpu.memory_space<vmem_shared>> -> memref<128x128xf32, #tpu.memory_space<vmem_shared>>
      %dma_start3A_54 = arith.constant 0 : i32
      %dma_start3A_55 = tpu.memref_slice %arg10[%add3A_47, %dma_start3A_54] : memref<10240x128xf32, #tpu.memory_space<vmem_shared>> -> memref<128x128xf32, #tpu.memory_space<vmem_shared>>
      tpu.enqueue_dma source(%dma_start3A_55 : memref<128x128xf32, #tpu.memory_space<vmem_shared>>) target(%arg9 : memref<128x128xf32, #tpu.memory_space<vmem>>) target_semaphore(%run_scoped3A : memref<!tpu.dma_semaphore, #tpu.memory_space<semaphore_mem>>)
      %dma_wait3A = arith.constant 0 : i32
      %dma_wait3A_56 = tpu.memref_slice %arg10[%add3A_47, %dma_wait3A] : memref<10240x128xf32, #tpu.memory_space<vmem_shared>> -> memref<128x128xf32, #tpu.memory_space<vmem_shared>>
      %dma_wait3A_57 = arith.constant 0 : i32
      %dma_wait3A_58 = tpu.memref_slice %arg10[%add3A_47, %dma_wait3A_57] : memref<10240x128xf32, #tpu.memory_space<vmem_shared>> -> memref<128x128xf32, #tpu.memory_space<vmem_shared>>
      tpu.wait_dma2 semaphore(%run_scoped3A : memref<!tpu.dma_semaphore, #tpu.memory_space<semaphore_mem>>) src(%dma_wait3A_58 : memref<128x128xf32, #tpu.memory_space<vmem_shared>>) dst(%arg9 : memref<128x128xf32, #tpu.memory_space<vmem>>)
      tpu.yield
    }) : () -> ()
    "tpu.region"() ({
      %run_scoped3A = tpu.sem_alloc : memref<!tpu.dma_semaphore, #tpu.memory_space<semaphore_mem>>
      %dma_start3A = arith.constant 0 : i32
      %dma_start3A_53 = tpu.memref_slice %arg6[%add3A_52, %dma_start3A] : memref<20480x128xf32, #tpu.memory_space<hbm>> -> memref<128x128xf32, #tpu.memory_space<hbm>>
      %dma_start3A_54 = arith.constant 0 : i32
      %dma_start3A_55 = tpu.memref_slice %arg6[%add3A_52, %dma_start3A_54] : memref<20480x128xf32, #tpu.memory_space<hbm>> -> memref<128x128xf32, #tpu.memory_space<hbm>>
      tpu.enqueue_dma source(%arg9 : memref<128x128xf32, #tpu.memory_space<vmem>>) target(%dma_start3A_55 : memref<128x128xf32, #tpu.memory_space<hbm>>) target_semaphore(%run_scoped3A : memref<!tpu.dma_semaphore, #tpu.memory_space<semaphore_mem>>)
      %dma_wait3A = arith.constant 0 : i32
      %dma_wait3A_56 = tpu.memref_slice %arg6[%add3A_52, %dma_wait3A] : memref<20480x128xf32, #tpu.memory_space<hbm>> -> memref<128x128xf32, #tpu.memory_space<hbm>>
      %dma_wait3A_57 = arith.constant 0 : i32
      %dma_wait3A_58 = tpu.memref_slice %arg6[%add3A_52, %dma_wait3A_57] : memref<20480x128xf32, #tpu.memory_space<hbm>> -> memref<128x128xf32, #tpu.memory_space<hbm>>
      tpu.wait_dma2 semaphore(%run_scoped3A : memref<!tpu.dma_semaphore, #tpu.memory_space<semaphore_mem>>) src(%arg9 : memref<128x128xf32, #tpu.memory_space<vmem>>) dst(%dma_wait3A_58 : memref<128x128xf32, #tpu.memory_space<hbm>>)
      tpu.yield
    }) : () -> ()
    return
  }
}

module attributes {stable_mosaic.version = 14 : i64} {
  func.func @body(%arg0: i32, %arg1: memref<2000x128xf32, #tpu.memory_space<vmem>>, %arg2: memref<128x128xf32, #tpu.memory_space<vmem>>, %arg3: memref<1x128xf32, #tpu.memory_space<vmem>>, %arg4: memref<2000x128xf32, #tpu.memory_space<vmem>>) attributes {dimension_semantics = [#tpu.dimension_semantics<arbitrary>], iteration_bounds = array<i64: 5>, scalar_prefetch = 0 : i64, scratch_operands = 0 : i64, tpu.core_type = #tpu.core_type<tc>, window_params = [{transform_indices = @transform_0, window_bounds = array<i64: 2000, 128>}, {pipeline_mode = #tpu.pipeline_mode<synchronous>, transform_indices = @transform_1, window_bounds = array<i64: 128, 128>}, {pipeline_mode = #tpu.pipeline_mode<synchronous>, transform_indices = @transform_2, window_bounds = array<i64: 1, 128>}, {transform_indices = @transform_3, window_bounds = array<i64: 2000, 128>}]} {
    %get3A = arith.constant 0 : index
    %get3A_0 = arith.constant 0 : index
    %get3A_1 = vector.load %arg1[%get3A, %get3A_0] : memref<2000x128xf32, #tpu.memory_space<vmem>>, vector<2000x128xf32>
    %get3A_2 = arith.constant 0 : index
    %get3A_3 = arith.constant 0 : index
    %get3A_4 = vector.load %arg2[%get3A_2, %get3A_3] : memref<128x128xf32, #tpu.memory_space<vmem>>, vector<128x128xf32>
    %dot_general3A = arith.constant dense<0.000000e+00> : vector<2000x128xf32>
    %dot_general3A_5 = tpu.matmul %get3A_1, %get3A_4, %dot_general3A {dimension_numbers = #tpu.dot_dimension_numbers<[1], [0], [0], [1], [0, 0, 1, 1], [], []>, precision = #tpu.contract_precision<fp32>, transpose_lhs_hint = false} : vector<2000x128xf32>, vector<128x128xf32>, vector<2000x128xf32> -> vector<2000x128xf32>
    %get3A_6 = arith.constant 0 : index
    %get3A_7 = arith.constant 0 : index
    %get3A_8 = vector.load %arg3[%get3A_6, %get3A_7] : memref<1x128xf32, #tpu.memory_space<vmem>>, vector<1x128xf32>
    %add3A = vector.broadcast %get3A_8 : vector<1x128xf32> to vector<2000x128xf32>
    %add3A_9 = arith.addf %dot_general3A_5, %add3A : vector<2000x128xf32>
    %swap3A = arith.constant 0 : index
    %swap3A_10 = arith.constant 0 : index
    %swap3A_11 = vector.load %arg4[%swap3A, %swap3A_10] : memref<2000x128xf32, #tpu.memory_space<vmem>>, vector<2000x128xf32>
    tpu.vector_store %arg4[%swap3A, %swap3A_10], %add3A_9 {strides = array<i32>} : memref<2000x128xf32, #tpu.memory_space<vmem>>, vector<2000x128xf32>,
    return
  }
  func.func @transform_0(%arg0: i32) -> (i32, i32) {
    %c0_i32 = arith.constant 0 : i32
    %c0_i32_0 = arith.constant 0 : i32
    return %arg0, %c0_i32 : i32, i32
  }
  func.func @transform_1(%arg0: i32) -> (i32, i32) {
    %c0_i32 = arith.constant 0 : i32
    %c0_i32_0 = arith.constant 0 : i32
    %c0_i32_1 = arith.constant 0 : i32
    return %c0_i32, %c0_i32_0 : i32, i32
  }
  func.func @transform_2(%arg0: i32) -> (i32, i32) {
    %c0_i32 = arith.constant 0 : i32
    %c0_i32_0 = arith.constant 0 : i32
    %c0_i32_1 = arith.constant 0 : i32
    return %c0_i32, %c0_i32_0 : i32, i32
  }
  func.func @transform_3(%arg0: i32) -> (i32, i32) {
    %c0_i32 = arith.constant 0 : i32
    %c0_i32_0 = arith.constant 0 : i32
    return %arg0, %c0_i32 : i32, i32
  }
}

module attributes {stable_mosaic.version = 14 : i64} {
  func.func @body(%arg0: i32, %arg1: memref<2000x128xf32, #tpu.memory_space<vmem>>, %arg2: memref<2000x128xf32, #tpu.memory_space<vmem>>, %arg3: memref<2000x16xf32, #tpu.memory_space<vmem>>, %arg4: memref<2000x16xf32, #tpu.memory_space<vmem>>, %arg5: memref<2000x128xf32, #tpu.memory_space<vmem>>, %arg6: memref<128x128xf32, #tpu.memory_space<vmem>>, %arg7: memref<2000x128xf32, #tpu.memory_space<vmem>>) attributes {dimension_semantics = [#tpu.dimension_semantics<arbitrary>], iteration_bounds = array<i64: 5>, scalar_prefetch = 0 : i64, scratch_operands = 0 : i64, tpu.core_type = #tpu.core_type<tc>, window_params = [{transform_indices = @transform_0, window_bounds = array<i64: 2000, 128>}, {transform_indices = @transform_1, window_bounds = array<i64: 2000, 128>}, {transform_indices = @transform_2, window_bounds = array<i64: 2000, 16>}, {transform_indices = @transform_3, window_bounds = array<i64: 2000, 16>}, {transform_indices = @transform_4, window_bounds = array<i64: 2000, 128>}, {pipeline_mode = #tpu.pipeline_mode<synchronous>, transform_indices = @transform_5, window_bounds = array<i64: 128, 128>}, {transform_indices = @transform_6, window_bounds = array<i64: 2000, 128>}]} {
    %get3A = arith.constant 0 : index
    %get3A_0 = arith.constant 0 : index
    %get3A_1 = vector.load %arg3[%get3A, %get3A_0] : memref<2000x16xf32, #tpu.memory_space<vmem>>, vector<2000x1xf32>
    %get3A_2 = arith.constant 0 : index
    %get3A_3 = arith.constant 0 : index
    %get3A_4 = vector.load %arg4[%get3A_2, %get3A_3] : memref<2000x16xf32, #tpu.memory_space<vmem>>, vector<2000x1xf32>
    %add3A = arith.addf %get3A_1, %get3A_4 : vector<2000x1xf32>
    %max3A = arith.constant 1.000000e+00 : f32
    %max3A_5 = vector.broadcast %max3A : f32 to vector<2000x1xf32>
    %max3A_6 = arith.maximumf %add3A, %max3A_5 : vector<2000x1xf32>
    %get3A_7 = arith.constant 0 : index
    %get3A_8 = arith.constant 0 : index
    %get3A_9 = vector.load %arg1[%get3A_7, %get3A_8] : memref<2000x128xf32, #tpu.memory_space<vmem>>, vector<2000x128xf32>
    %get3A_10 = arith.constant 0 : index
    %get3A_11 = arith.constant 0 : index
    %get3A_12 = vector.load %arg2[%get3A_10, %get3A_11] : memref<2000x128xf32, #tpu.memory_space<vmem>>, vector<2000x128xf32>
    %add3A_13 = arith.addf %get3A_9, %get3A_12 : vector<2000x128xf32>
    %div3A = vector.broadcast %max3A_6 : vector<2000x1xf32> to vector<2000x128xf32>
    %div3A_14 = arith.divf %add3A_13, %div3A : vector<2000x128xf32>
    %get3A_15 = arith.constant 0 : index
    %get3A_16 = arith.constant 0 : index
    %get3A_17 = vector.load %arg6[%get3A_15, %get3A_16] : memref<128x128xf32, #tpu.memory_space<vmem>>, vector<128x128xf32>
    %dot_general3A = arith.constant dense<0.000000e+00> : vector<2000x128xf32>
    %dot_general3A_18 = tpu.matmul %div3A_14, %get3A_17, %dot_general3A {dimension_numbers = #tpu.dot_dimension_numbers<[1], [0], [0], [1], [0, 0, 1, 1], [], []>, precision = #tpu.contract_precision<fp32>, transpose_lhs_hint = false} : vector<2000x128xf32>, vector<128x128xf32>, vector<2000x128xf32> -> vector<2000x128xf32>
    %get3A_19 = arith.constant 0 : index
    %get3A_20 = arith.constant 0 : index
    %get3A_21 = vector.load %arg5[%get3A_19, %get3A_20] : memref<2000x128xf32, #tpu.memory_space<vmem>>, vector<2000x128xf32>
    %add3A_22 = arith.addf %dot_general3A_18, %get3A_21 : vector<2000x128xf32>
    %max3A_23 = arith.constant 0.000000e+00 : f32
    %max3A_24 = vector.broadcast %max3A_23 : f32 to vector<2000x128xf32>
    %max3A_25 = arith.maximumf %add3A_22, %max3A_24 : vector<2000x128xf32>
    %swap3A = arith.constant 0 : index
    %swap3A_26 = arith.constant 0 : index
    %swap3A_27 = vector.load %arg7[%swap3A, %swap3A_26] : memref<2000x128xf32, #tpu.memory_space<vmem>>, vector<2000x128xf32>
    tpu.vector_store %arg7[%swap3A, %swap3A_26], %max3A_25 {strides = array<i32>} : memref<2000x128xf32, #tpu.memory_space<vmem>>, vector<2000x128xf32>,
    return
  }
  func.func @transform_0(%arg0: i32) -> (i32, i32) {
    %c0_i32 = arith.constant 0 : i32
    %c0_i32_0 = arith.constant 0 : i32
    return %arg0, %c0_i32 : i32, i32
  }
  func.func @transform_1(%arg0: i32) -> (i32, i32) {
    %c0_i32 = arith.constant 0 : i32
    %c0_i32_0 = arith.constant 0 : i32
    return %arg0, %c0_i32 : i32, i32
  }
  func.func @transform_2(%arg0: i32) -> (i32, i32) {
    %c0_i32 = arith.constant 0 : i32
    %c0_i32_0 = arith.constant 0 : i32
    return %arg0, %c0_i32 : i32, i32
  }
  func.func @transform_3(%arg0: i32) -> (i32, i32) {
    %c0_i32 = arith.constant 0 : i32
    %c0_i32_0 = arith.constant 0 : i32
    return %arg0, %c0_i32 : i32, i32
  }
  func.func @transform_4(%arg0: i32) -> (i32, i32) {
    %c0_i32 = arith.constant 0 : i32
    %c0_i32_0 = arith.constant 0 : i32
    return %arg0, %c0_i32 : i32, i32
  }
  func.func @transform_5(%arg0: i32) -> (i32, i32) {
    %c0_i32 = arith.constant 0 : i32
    %c0_i32_0 = arith.constant 0 : i32
    %c0_i32_1 = arith.constant 0 : i32
    return %c0_i32, %c0_i32_0 : i32, i32
  }
  func.func @transform_6(%arg0: i32) -> (i32, i32) {
    %c0_i32 = arith.constant 0 : i32
    %c0_i32_0 = arith.constant 0 : i32
    return %arg0, %c0_i32 : i32, i32
  }
}

module attributes {stable_mosaic.version = 14 : i64} {
  func.func @body(%arg0: i32, %arg1: memref<2000x128xf32, #tpu.memory_space<vmem>>, %arg2: memref<2000x128xf32, #tpu.memory_space<vmem>>, %arg3: memref<2000x16xf32, #tpu.memory_space<vmem>>, %arg4: memref<2000x16xf32, #tpu.memory_space<vmem>>, %arg5: memref<2000x128xf32, #tpu.memory_space<vmem>>, %arg6: memref<128x128xf32, #tpu.memory_space<vmem>>, %arg7: memref<2000x128xf32, #tpu.memory_space<vmem>>) attributes {dimension_semantics = [#tpu.dimension_semantics<arbitrary>], iteration_bounds = array<i64: 5>, scalar_prefetch = 0 : i64, scratch_operands = 0 : i64, tpu.core_type = #tpu.core_type<tc>, window_params = [{transform_indices = @transform_0, window_bounds = array<i64: 2000, 128>}, {transform_indices = @transform_1, window_bounds = array<i64: 2000, 128>}, {transform_indices = @transform_2, window_bounds = array<i64: 2000, 16>}, {transform_indices = @transform_3, window_bounds = array<i64: 2000, 16>}, {transform_indices = @transform_4, window_bounds = array<i64: 2000, 128>}, {pipeline_mode = #tpu.pipeline_mode<synchronous>, transform_indices = @transform_5, window_bounds = array<i64: 128, 128>}, {transform_indices = @transform_6, window_bounds = array<i64: 2000, 128>}]} {
    %get3A = arith.constant 0 : index
    %get3A_0 = arith.constant 0 : index
    %get3A_1 = vector.load %arg3[%get3A, %get3A_0] : memref<2000x16xf32, #tpu.memory_space<vmem>>, vector<2000x1xf32>
    %get3A_2 = arith.constant 0 : index
    %get3A_3 = arith.constant 0 : index
    %get3A_4 = vector.load %arg4[%get3A_2, %get3A_3] : memref<2000x16xf32, #tpu.memory_space<vmem>>, vector<2000x1xf32>
    %add3A = arith.addf %get3A_1, %get3A_4 : vector<2000x1xf32>
    %max3A = arith.constant 1.000000e+00 : f32
    %max3A_5 = vector.broadcast %max3A : f32 to vector<2000x1xf32>
    %max3A_6 = arith.maximumf %add3A, %max3A_5 : vector<2000x1xf32>
    %get3A_7 = arith.constant 0 : index
    %get3A_8 = arith.constant 0 : index
    %get3A_9 = vector.load %arg1[%get3A_7, %get3A_8] : memref<2000x128xf32, #tpu.memory_space<vmem>>, vector<2000x128xf32>
    %get3A_10 = arith.constant 0 : index
    %get3A_11 = arith.constant 0 : index
    %get3A_12 = vector.load %arg2[%get3A_10, %get3A_11] : memref<2000x128xf32, #tpu.memory_space<vmem>>, vector<2000x128xf32>
    %add3A_13 = arith.addf %get3A_9, %get3A_12 : vector<2000x128xf32>
    %div3A = vector.broadcast %max3A_6 : vector<2000x1xf32> to vector<2000x128xf32>
    %div3A_14 = arith.divf %add3A_13, %div3A : vector<2000x128xf32>
    %get3A_15 = arith.constant 0 : index
    %get3A_16 = arith.constant 0 : index
    %get3A_17 = vector.load %arg6[%get3A_15, %get3A_16] : memref<128x128xf32, #tpu.memory_space<vmem>>, vector<128x128xf32>
    %dot_general3A = arith.constant dense<0.000000e+00> : vector<2000x128xf32>
    %dot_general3A_18 = tpu.matmul %div3A_14, %get3A_17, %dot_general3A {dimension_numbers = #tpu.dot_dimension_numbers<[1], [0], [0], [1], [0, 0, 1, 1], [], []>, precision = #tpu.contract_precision<fp32>, transpose_lhs_hint = false} : vector<2000x128xf32>, vector<128x128xf32>, vector<2000x128xf32> -> vector<2000x128xf32>
    %get3A_19 = arith.constant 0 : index
    %get3A_20 = arith.constant 0 : index
    %get3A_21 = vector.load %arg5[%get3A_19, %get3A_20] : memref<2000x128xf32, #tpu.memory_space<vmem>>, vector<2000x128xf32>
    %add3A_22 = arith.addf %dot_general3A_18, %get3A_21 : vector<2000x128xf32>
    %swap3A = arith.constant 0 : index
    %swap3A_23 = arith.constant 0 : index
    %swap3A_24 = vector.load %arg7[%swap3A, %swap3A_23] : memref<2000x128xf32, #tpu.memory_space<vmem>>, vector<2000x128xf32>
    tpu.vector_store %arg7[%swap3A, %swap3A_23], %add3A_22 {strides = array<i32>} : memref<2000x128xf32, #tpu.memory_space<vmem>>, vector<2000x128xf32>,
    return
  }
  func.func @transform_0(%arg0: i32) -> (i32, i32) {
    %c0_i32 = arith.constant 0 : i32
    %c0_i32_0 = arith.constant 0 : i32
    return %arg0, %c0_i32 : i32, i32
  }
  func.func @transform_1(%arg0: i32) -> (i32, i32) {
    %c0_i32 = arith.constant 0 : i32
    %c0_i32_0 = arith.constant 0 : i32
    return %arg0, %c0_i32 : i32, i32
  }
  func.func @transform_2(%arg0: i32) -> (i32, i32) {
    %c0_i32 = arith.constant 0 : i32
    %c0_i32_0 = arith.constant 0 : i32
    return %arg0, %c0_i32 : i32, i32
  }
  func.func @transform_3(%arg0: i32) -> (i32, i32) {
    %c0_i32 = arith.constant 0 : i32
    %c0_i32_0 = arith.constant 0 : i32
    return %arg0, %c0_i32 : i32, i32
  }
  func.func @transform_4(%arg0: i32) -> (i32, i32) {
    %c0_i32 = arith.constant 0 : i32
    %c0_i32_0 = arith.constant 0 : i32
    return %arg0, %c0_i32 : i32, i32
  }
  func.func @transform_5(%arg0: i32) -> (i32, i32) {
    %c0_i32 = arith.constant 0 : i32
    %c0_i32_0 = arith.constant 0 : i32
    %c0_i32_1 = arith.constant 0 : i32
    return %c0_i32, %c0_i32_0 : i32, i32
  }
  func.func @transform_6(%arg0: i32) -> (i32, i32) {
    %c0_i32 = arith.constant 0 : i32
    %c0_i32_0 = arith.constant 0 : i32
    return %arg0, %c0_i32 : i32, i32
  }
}

</mosaic_0001>

<sc_bundles>
// kernel: kernel.12.cloned.1.call-start
scs
__scs_entry_jumppad:
0x0: {  	(pc) =	sbr.rel $0x88, $3  }
0x1: {  	(tag) =	ssettag $0x0;
	lr =	simm.s32 $0x1  }
0x2: {  	[smem:$0x3F96] =	sst lr;
	_ =	strace $0xD0000000  }
0x3: {  	_ = 	snop  }
0x4: {  	_ = 	snop  }
0x5: {  	_ = 	snop  }
0x6: {  	_ = 	snop  }
0x7: {  	_ = 	snop  }
__scs_overlays_trampoline_lowered:
0x8: {  	[smem:$0x3FA5] =	sst s0  }
0x9: {  	[smem:$0x3FA6] =	sst s1  }
0xa: {  	[smem:$0x3FA7] =	sst s2  }
0xb: {  	[smem:$0x3FA8] =	sst s3  }
0xc: {  	[smem:$0x3FA9] =	sst s4  }
0xd: {  	[smem:$0x3FAA] =	sst s5  }
0xe: {  	[smem:$0x3FAB] =	sst s6  }
0xf: {  	[smem:$0x3FAC] =	sst s7  }
0x10: {  	[smem:$0x3FAD] =	sst s8  }
0x11: {  	[smem:$0x3FAE] =	sst s9;
	s0 =	simm.s32 @!p0 $0x0  }
0x12: {  	s1 =	sld [smem:$0x3F94];
	s0 =	simm.s32 @p0 $0x1  }
0x13: {  	[smem:$0x3FAF] =	sst s0;
	s0 =	simm.s32 @!p1 $0x0  }
0x14: {  	s2 =	sld [smem:$0x3F93];
	s0 =	simm.s32 @p1 $0x1  }
0x15: {  	[smem:$0x3FB0] =	sst s0;
	s0 =	simm.s32 @!p2 $0x0  }
0x16: {  	s3 =	sld [smem:$0x3FDB];
	s0 =	simm.s32 @p2 $0x1  }
0x17: {  	s4 =	simm.s32 $0x1BF5;
	[smem:$0x3FB2] =	sst s0  }
0x18: {  	s0 =	sld [smem:$0x3F95];
	_ =	swait.ge [sflag:s4], $0x0  }
0x19: {  	s7 =	sld [smem:$0x3F96]  }
0x1a: {  	s8 =	sadd.s32 $0xFFFFE003, lr  }
0x1b: {  	s9 =	sadd.s32 $0xFFFFFEF7, lr;
	s5 =	simm.s32 $0xFFFFFFFF;
	p2 =	slt.u32 s8, $0xFFFFF086  }
0x1c: {  	p1 =	slt.u32 s9, $0xF7A;
	s5 =	simm.s32 @!p2 $0x0  }
0x1d: {  	s5 =	simm.s32 @p1 $0x1;
	p0 =	seq.s32 s7, s2  }
0x1e: {  	s7 =	smul.u32 @!p0 $0xF7A, s2;
	p2 =	seq.s32 @!p0 s5, $0x0  }
0x1f: {  	s9 =	smul.u32 $0xF7A, s1;
	s8 =	simm.s32 @!p0 $0x1BF5;
	p2 =	por !p2, p0  }
0x20: {  	[sflag:s8] =	ssyncset.s32 @!p0 $0xFFFFF086;
	s6 =	sadd.s32 @!p0 s3, s7;
	s7 =	simm.s32 @!p0 $0x108  }
0x21: {  	s3 =	sadd.s32 s3, s9;
	s6 =	sadd.s32 @!p0 $0x88, s6;
	s7 =	simm.s32 @p2 $0x1082  }
0x22: {  	[simem:s7], [sflag:s8] =	dma.local @!p0 [hbm:s6], $0xF7A  }
0x23: {  	s9 =	sor.u32 $0xD0000000, s2;
	s6 =	simm.s32 $0x108;
	_ =	swait.ge @!p0 [sflag:s8], $0x0  }
0x24: {  	s3 =	sadd.s32 $0x88, s3;
	s6 =	simm.s32 @!p1 $0x1082;
	[sflag:s4] =	ssyncset.s32 $0xFFFFF086  }
0x25: {  	[simem:s6], [sflag:s4] =	dma.local [hbm:s3], $0xF7A  }
0x26: {  	[smem:$0x3F96] =	sst s1;
	(tag) =	ssettag s2;
	_ =	strace s9  }
0x27: {  	s1 =	sld [smem:$0x3FA6]  }
0x28: {  	s2 =	sld [smem:$0x3FA7]  }
0x29: {  	s4 =	sld [smem:$0x3FA9]  }
0x2a: {  	p0 =	seq.s32 s5, $0x0;
	s5 =	sld [smem:$0x3FAA]  }
0x2b: {  	s6 =	sld [smem:$0x3FAB]  }
0x2c: {  	s7 =	sld [smem:$0x3FAC]  }
0x2d: {  	s3 =	simm.s32 $0x108;
	s8 =	sld [smem:$0x3FAD]  }
0x2e: {  	s3 =	simm.s32 @!p0 $0x1082;
	s9 =	sld [smem:$0x3FAE]  }
0x2f: {  	lr =	sadd.s32 s0, s3;
	s0 =	sld [smem:$0x3FA5]  }
0x30: {  	s3 =	sld [smem:$0x3FA8]  }
0x31: {  	[smem:$0x3FB1] =	sst s10  }
0x32: {  	s10 =	sld [smem:$0x3FAF];
	_ =	sdelay $0x3  }
0x33: {  	p0 =	seq.s32 s10, $0x1;
	s10 =	sld [smem:$0x3FB1];
	_ =	sdelay $0x3  }
0x34: {  	[smem:$0x3FB1] =	sst s10  }
0x35: {  	s10 =	sld [smem:$0x3FB0];
	_ =	sdelay $0x3  }
0x36: {  	p1 =	seq.s32 s10, $0x1;
	s10 =	sld [smem:$0x3FB1];
	_ =	sdelay $0x3  }
0x37: {  	[smem:$0x3FB1] =	sst s10  }
0x38: {  	s10 =	sld [smem:$0x3FB2]  }
0x39: {  	_ = 	snop;
	(pc) =	sbr.ind lr, $3  }
0x3a: {  	_ = 	snop  }
0x3b: {  	_ = 	snop  }
0x3c: {  	p2 =	seq.s32 s10, $0x1;
	s10 =	sld [smem:$0x3FB1]  }
0x3d: {  	_ =	shalt  }
0x3e: {  	_ =	shalt  }
0x3f: {  	_ =	shalt  }
0x40: {  	_ =	shalt  }
0x41: {  	_ =	shalt  }
0x42: {  	_ =	shalt  }
0x43: {  	_ =	shalt  }
0x44: {  	_ =	shalt  }
0x45: {  	_ =	shalt  }
0x46: {  	_ =	shalt  }
0x47: {  	_ =	shalt  }
0x48: {  	_ =	shalt  }
0x49: {  	_ =	shalt  }
0x4a: {  	_ =	shalt  }
0x4b: {  	_ =	shalt  }
0x4c: {  	_ =	shalt  }
0x4d: {  	_ =	shalt  }
0x4e: {  	_ =	shalt  }
0x4f: {  	_ =	shalt  }
0x50: {  	_ =	shalt  }
0x51: {  	_ =	shalt  }
0x52: {  	_ =	shalt  }
0x53: {  	_ =	shalt  }
0x54: {  	_ =	shalt  }
0x55: {  	_ =	shalt  }
0x56: {  	_ =	shalt  }
0x57: {  	_ =	shalt  }
0x58: {  	_ =	shalt  }
0x59: {  	_ =	shalt  }
0x5a: {  	_ =	shalt  }
0x5b: {  	_ =	shalt  }
0x5c: {  	_ =	shalt  }
0x5d: {  	_ =	shalt  }
0x5e: {  	_ =	shalt  }
0x5f: {  	_ =	shalt  }
0x60: {  	_ =	shalt  }
0x61: {  	_ =	shalt  }
0x62: {  	_ =	shalt  }
0x63: {  	_ =	shalt  }
0x64: {  	_ =	shalt  }
0x65: {  	_ =	shalt  }
0x66: {  	_ =	shalt  }
0x67: {  	_ =	shalt  }
0x68: {  	_ =	shalt  }
0x69: {  	_ =	shalt  }
0x6a: {  	_ =	shalt  }
0x6b: {  	_ =	shalt  }
0x6c: {  	_ =	shalt  }
0x6d: {  	_ =	shalt  }
0x6e: {  	_ =	shalt  }
0x6f: {  	_ =	shalt  }
0x70: {  	_ =	shalt  }
0x71: {  	_ =	shalt  }
0x72: {  	_ =	shalt  }
0x73: {  	_ =	shalt  }
0x74: {  	_ =	shalt  }
0x75: {  	_ =	shalt  }
0x76: {  	_ =	shalt  }
0x77: {  	_ =	shalt  }
0x78: {  	_ =	shalt  }
0x79: {  	_ =	shalt  }
0x7a: {  	_ =	shalt  }
0x7b: {  	_ =	shalt  }
0x7c: {  	_ =	shalt  }
0x7d: {  	_ =	shalt  }
0x7e: {  	_ =	shalt  }
0x7f: {  	_ =	shalt  }
0x80: {  	_ =	shalt  }
0x81: {  	_ =	shalt  }
0x82: {  	_ =	shalt  }
0x83: {  	_ =	shalt  }
0x84: {  	_ =	shalt  }
0x85: {  	_ =	shalt  }
0x86: {  	_ =	shalt  }
0x87: {  	_ =	shalt  }
.Lfunc_end0:
.L_simem_size_0:
called_computation_lowered:
.L_overlay_start_0:
0x88: {  	s2 =	sld [smem:$0x3FD9]  }
0x89: {  	s3 =	sld [smem:$0x3FFE];
	_ =	sdelay $0x1  }
0x8a: {  	s1 =	srdreg.scid  }
0x8b: {  	s0 =	sand.u32 $0x1, s1  }
0x8c: {  	s17 =	sshll.u32 s0, $0xA;
	s2 =	sadd.s32 s3, s2  }
0x8d: {  	s2 =	sadd.s32 s2, s17  }
0x8e: {  	[smem:$0x3FBD] =	sst s2  }
0x8f: {  	_ = 	snop  }
0x90: {  	s18 =	sld [smem:$0x3FD0];
	(tm) =	ssettm $0x1  }
0x91: {  	s19 =	sld [smem:$0x3FFB];
	_ =	sdelay $0x3  }
0x92: {  	_ =	strace s19  }
0x93: {  	s2 =	sld [smem:$0x3FFC];
	_ =	sdelay $0x3  }
0x94: {  	_ =	strace s2  }
0x95: {  	s2 =	sld [smem:$0x3FFD];
	_ =	sdelay $0x3  }
0x96: {  	_ =	strace s2  }
0x97: {  	_ =	strace $0x8FFFFFFF  }
0x98: {  	s20 =	sld [smem:$0x3FDB];
	_ =	sdelay $0x1  }
0x99: {  	s4 =	simm.s32 $_scs_section_size  }
0x9a: {  	s5 =	simm.s32 $_size__tile_overlayer_lowered;
	s6 =	simm.s32 $_tile_overlayer_lowered  }
0x9b: {  	s7 =	simm.s32 $0x1BFF;
	s21 =	sshll.u32 s6, $0x1;
	s4 =	sadd.s32 s4, s20  }
0x9c: {  	s22 =	simm.s32 $0x0;
	s5 =	sshll.u32 s5, $0x1;
	s6 =	sadd.s32 s21, s4  }
0x9d: {  	[timem:s22], [sflag:s7] =	dma.local [hbm:s6], s5  }
0x9e: {  	_ =	swait.ge [sflag:s7], s5  }
0x9f: {  	s5 =	ssub.s32 $0x0, s5;
	[sflag:s7] =	ssyncset.done $0x0  }
0xa0: {  	[sflag:s7] =	ssyncadd.s32 s5;
	_ =	sdelay $0x1  }
0xa1: {  	s23 =	simm.s32 $0x1B8B  }
0xa2: {  	_ =	swait.ge [sflag:s23], $0x1  }
0xa3: {  	[sflag:s23] =	ssyncset.done $0x0  }
0xa4: {  	[sflag:s23] =	ssyncadd.s32 $0xFFFFFFFF  }
0xa5: {  	s5 =	sld [smem:$0x0]  }
0xa6: {  	s6 =	sand.u32 $0xFFFFFFFE, s1  }
0xa7: {  	p0 =	sne.s32 s1, s6  }
0xa8: {  	s6 =	sshll.u32 @p0 s6, $0xE  }
0xa9: {  	s6 =	sadd.s32 @p0 $0x11B8D, s6;
	s7 =	sshll.u32 @p0 s5, $0x11  }
0xaa: {  	s6 =	sor.u32 @p0 s7, s6  }
0xab: {  	[sflag:s6] =	ssyncadd.remote.s32 @p0 $0x1;
	_ =	sdelay $0x1  }
0xac: {  	s6 =	simm.s32 @p0 $0x1B8D  }
0xad: {  	_ =	swait.eq @p0 [sflag:s6], $0x1  }
0xae: {  	[sflag:s6] =	ssyncadd.s32 @p0 $0xFFFFFFFF  }
0xaf: {  	s7 =	sshll.u32 @!p0 s1, $0xE  }
0xb0: {  	s7 =	sor.u32 @!p0 $0x4000, s7;
	s6 =	simm.s32 @!p0 $0x1B8D  }
0xb1: {  	s5 =	sshll.u32 @!p0 s5, $0x11;
	s7 =	sadd.s32 @!p0 $0x11B8D, s7;
	_ =	swait.eq @!p0 [sflag:s6], $0x1  }
0xb2: {  	s5 =	sor.u32 @!p0 s5, s7;
	[sflag:s6] =	ssyncadd.s32 @!p0 $0xFFFFFFFF  }
0xb3: {  	s25 =	simm.s32 $0x1B8E;
	s24 =	sld [smem:$0x3FFE];
	[sflag:s5] =	ssyncadd.remote.s32 @!p0 $0x1  }
0xb4: {  	s26 =	simm.s32 $execute0_lowered;
	[smem:$0x3FD2] =	sst s25  }
0xb5: {  	s6 =	sshll.u32 s26, $0x1;
	_ =	strace $0x80000049;
	[dreg:$0x1] =	wrdreg $0xFFFFFFFF  }
0xb6: {  	s28 =	simm.s32 $_size_execute0_lowered;
	s4 =	sadd.s32 s4, s6;
	[dreg:$0x0] =	wrdreg $0x0  }
0xb7: {  	s6 =	sshll.u32 s28, $0x1;
	[dreg:$0x2] =	wrdreg s4  }
0xb8: {  	[dreg:$0x3] =	wrdreg s6  }
0xb9: {  	[dreg:$0x4] =	wrdreg $0xC0  }
0xba: {  	_ =	task [dreg:s22], $0x5FFFF  }
0xbb: {  	[dreg:$0x1] =	wrdreg $0xFFFFFFFF  }
0xbc: {  	[dreg:$0x0] =	wrdreg $0x60  }
0xbd: {  	[dreg:$0x2] =	wrdreg s24  }
0xbe: {  	[dreg:$0x3] =	wrdreg s18  }
0xbf: {  	[dreg:$0x4] =	wrdreg $0x80800  }
0xc0: {  	[dreg:$0x5] =	wrdreg $0x9  }
0xc1: {  	_ =	task.clear_ibuf [dreg:s22], $0x6FFFF;
	_ =	strace $0x90000049  }
0xc2: {  	s29 =	simm.s32 $0x9;
	_ =	strace $0x8000004B  }
0xc3: {  	_ =	swait.ge [sflag:s29], $0x1  }
0xc4: {  	[sflag:s29] =	ssyncadd.s32 $0xFFFFFFFF  }
0xc5: {  	_ =	strace $0x9000004B  }
0xc6: {  	_ =	sfence  }
0xc7: {  	s30 =	sld [smem:$0x0];
	_ =	sdelay $0x2  }
0xc8: {  	s31 =	sshll.u32 s1, $0xD;
	s1 =	sshrl.u32 s1, $0x2  }
0xc9: {  	s4 =	sand.u32 $0x4000, s31;
	s1 =	sadd.s32 s1, s30  }
0xca: {  	s0 =	sor.u32 s4, s0;
	s1 =	sshll.u32 s1, $0x11  }
0xcb: {  	s0 =	sor.u32 s1, s0  }
0xcc: {  	s0 =	sadd.s32 $0x8F2B, s0  }
0xcd: {  	[sflag:s0] =	ssyncadd.remote.s32 $0x1  }
0xce: {  	_ =	sfence.sel $0xFFFF  }
0xcf: {  	[dreg:$0x0] =	wrdreg $0xFFFFFFFF;
	(pc) =	sbr.abs _section_cstart, $3  }
0xd0: {  	[dreg:$0x1] =	wrdreg $0xFFFFFFFF  }
0xd1: {  	_ =	task.clear_ibuf [dreg:s22], $0x2FFFF;
	_ =	strace $0x9FFFFFFF  }
0xd2: {  	(tm) =	ssettm $0x7FFFFFFF  }
0xd3: {  	_ =	shalt  }
tec
execute0_lowered:
.L_overlay_start_1:
0x0: {  	(tag) =	ssettag $0x1  }
0x1: {  	s6 =	rddreg [dreg:$0x0]  }
0x2: {  	s2 =	rddreg [dreg:$0x1]  }
0x3: {  	s3 =	rddreg [dreg:$0x2]  }
0x4: {  	s0 =	rddreg [dreg:$0x3];
	s1 =	stileid.u32  }
0x5: {  	s5 =	srdreg.scid;
	s4 =	simm.s32 $0x0;
	s19 =	simm.s32 $0x1  }
0x6: {  	s20 =	simm.s32 $0x80;
	s21 =	simm.s32 $0x0;
	s7 =	smul.u32 $0x280, s1  }
0x7: {  	s11 =	sand.u32 $0x1, s5;
	[smem:$0x7FF] =	sst s4;
	s9 =	smul.u32 $0x50000, s1  }
0x8: {  	s29 =	sshll.u32 s1, $0x5;
	s5 =	sadd.s32 $0x17C00, s6;
	s8 =	smul.u32 $0x2800, s11  }
0x9: {  	_ =	strace $0x8000004A;
	s16 =	sadd.s32 s29, s6;
	s30 =	ssub.s32 $0x2, s11  }
0xa: {  	s18 =	sshll.u32 s11, $0x4;
	s9 =	sshrl.u32 s9, $0x2;
	s31 =	sshrl.u32 s30, $0x1  }
0xb: {  	s18 =	sadd.s32 s18, s16;
	s7 =	sadd.s32 s7, s8;
	s17 =	ssub.s32 s30, s31  }
0xc: {  	s7 =	sshll.u32 s7, $0x4;
	s16 =	smax.u32 s17, $0x1;
	s17 =	sadd.s32 $0x4000, s18  }
0xd: {  	s18 =	simm.s32 $0x4080;
	s15 =	sadd.s32 s7, s6;
	s6 =	sadd.s32 s9, s3  }
0xe: {  	s7 =	sadd.s32 $0x4000, s6;
	s8 =	sadd.s32 $0x8000, s6;
	s9 =	sadd.s32 $0xC000, s6  }
0xf: {  	s10 =	sadd.s32 $0x10000, s6;
	s11 =	sadd.s32 $0x68400, s15;
	s12 =	sadd.s32 $0x68C00, s15  }
0x10: {  	s13 =	sadd.s32 $0x69400, s15;
	s14 =	sadd.s32 $0x69C00, s15;
	s15 =	sadd.s32 $0x6A400, s15  }
.LBB2_1:
0x11: {  	[tilespmem:s18], [sflag:$0x1] =	stream.linear.gather [hbm4b:s5+s4], $0x4000, $0x38;
	[tilespmem:$0x1C080] =	vst v63  }
0x12: {  	_ =	swait.ge [sflag:s19], $0x4000  }
0x13: {  	[sflag:s19] =	ssyncset.done $0x0  }
0x14: {  	[sflag:s19] =	ssyncadd.s32 $0xFFFFC000  }
0x15: {  	[spmem:s6] =	stream.linear.scatter [tilespmem:s18], [sflag:$0x1], $0x4000, $0x38;
	[tilespmem:$0x1C080] =	vst v63  }
0x16: {  	_ =	swait.ge [sflag:s19], $0x4000  }
0x17: {  	[sflag:s19] =	ssyncset.done $0x0  }
0x18: {  	[sflag:s19] =	ssyncadd.s32 $0xFFFFC000  }
0x19: {  	[spmem:s7] =	stream.linear.scatter [tilespmem:s18], [sflag:$0x1], $0x4000, $0x38;
	[tilespmem:$0x1C080] =	vst v63  }
0x1a: {  	_ =	swait.ge [sflag:s19], $0x4000  }
0x1b: {  	[sflag:s19] =	ssyncset.done $0x0  }
0x1c: {  	[sflag:s19] =	ssyncadd.s32 $0xFFFFC000  }
0x1d: {  	[spmem:s8] =	stream.linear.scatter [tilespmem:s18], [sflag:$0x1], $0x4000, $0x38;
	[tilespmem:$0x1C080] =	vst v63  }
0x1e: {  	_ =	swait.ge [sflag:s19], $0x4000  }
0x1f: {  	[sflag:s19] =	ssyncset.done $0x0  }
0x20: {  	[sflag:s19] =	ssyncadd.s32 $0xFFFFC000  }
0x21: {  	[spmem:s9] =	stream.linear.scatter [tilespmem:s18], [sflag:$0x1], $0x4000, $0x38;
	[tilespmem:$0x1C080] =	vst v63  }
0x22: {  	_ =	swait.ge [sflag:s19], $0x4000  }
0x23: {  	[sflag:s19] =	ssyncset.done $0x0  }
0x24: {  	[sflag:s19] =	ssyncadd.s32 $0xFFFFC000  }
0x25: {  	[spmem:s10] =	stream.linear.scatter [tilespmem:s18], [sflag:$0x1], $0x4000, $0x38;
	[tilespmem:$0x1C080] =	vst v63  }
0x26: {  	_ =	swait.ge [sflag:s19], $0x4000  }
0x27: {  	[sflag:s19] =	ssyncset.done $0x0  }
0x28: {  	[sflag:s19] =	ssyncadd.s32 $0xFFFFC000  }
0x29: {  	[tilespmem:s20], [sflag:$0x1] =	stream.linear.gather [hbm4b:s2+s4], $0x4000, $0x38;
	[tilespmem:$0x1C080] =	vst v63  }
0x2a: {  	_ =	swait.ge [sflag:s19], $0x4000  }
0x2b: {  	[sflag:s19] =	ssyncset.done $0x0  }
0x2c: {  	[sflag:s19] =	ssyncadd.s32 $0xFFFFC000  }
0x2d: {  	s22 =	sadd.s32 $0x0, s17;
	[bflag:$0x0] =	sbarrier.arrive $0xFFFF  }
0x2e: {  	[tilespmem:s4], [sflag:$0x1] =	stream.linear.gather [hbm4b:s22+s4], $0x80, $0x38;
	[tilespmem:$0x1C080] =	vst v63  }
0x2f: {  	_ =	swait.ge [sflag:s19], $0x80  }
0x30: {  	[sflag:s19] =	ssyncset.done $0x0  }
0x31: {  	[sflag:s19] =	ssyncadd.s32 $0xFFFFFF80  }
0x32: {  	[spmem:s3] =	stream.indirect.scatter.add.f32 [tilespmem:s20], [sflag:$0x1], $0x80, s4, s20, $0xb8;
	[tilespmem:$0x1C080] =	vst v63  }
0x33: {  	_ =	swait.ge [sflag:s19], $0x4000  }
0x34: {  	s23 =	simm.s32 $0x400;
	s22 =	simm.s32 $0x200;
	[sflag:s19] =	ssyncset.done $0x0  }
.LBB2_2:
0x35: {  	s24 =	sadd.s32 s22, s17  }
0x36: {  	[sflag:s19] =	ssyncadd.s32 $0xFFFFC000;
	s22 =	smov.u32 s23;
	s25 =	sadd.s32 $0x200, s23  }
0x37: {  	[tilespmem:s4], [sflag:$0x1] =	stream.linear.gather [hbm4b:s24+s4], $0x80, $0x38;
	[tilespmem:$0x1C080] =	vst v63  }
0x38: {  	p0 =	sne.s32 s23, $0x9C00;
	_ =	swait.ge [sflag:s19], $0x80  }
.Ltmp0:
0x39: {  	[sflag:s19] =	ssyncset.done $0x0;
	(pc) =	sbr.rel @p0 .LBB2_2-.Ltmp0, $4  }
0x3a: {  	[sflag:s19] =	ssyncadd.s32 $0xFFFFFF80  }
0x3b: {  	[spmem:s3] =	stream.indirect.scatter.add.f32 [tilespmem:s20], [sflag:$0x1], $0x80, s4, s20, $0xb8;
	[tilespmem:$0x1C080] =	vst v63  }
0x3c: {  	_ =	swait.ge [sflag:s19], $0x4000  }
0x3d: {  	s23 =	smov.u32 s25;
	[sflag:s19] =	ssyncset.done $0x0  }
0x3e: {  	s22 =	sadd.s32 s22, s17;
	[sflag:s19] =	ssyncadd.s32 $0xFFFFC000  }
0x3f: {  	[tilespmem:s4], [sflag:$0x1] =	stream.linear.gather [hbm4b:s22+s4], $0x80, $0x38;
	[tilespmem:$0x1C080] =	vst v63  }
0x40: {  	_ =	swait.ge [sflag:s19], $0x80  }
0x41: {  	[sflag:s19] =	ssyncset.done $0x0  }
0x42: {  	[sflag:s19] =	ssyncadd.s32 $0xFFFFFF80  }
0x43: {  	[spmem:s3] =	stream.indirect.scatter.add.f32 [tilespmem:s20], [sflag:$0x1], $0x80, s4, s20, $0xb8;
	[tilespmem:$0x1C080] =	vst v63  }
0x44: {  	_ =	swait.ge [sflag:s19], $0x4000  }
0x45: {  	[sflag:s19] =	ssyncset.done $0x0  }
0x46: {  	[sflag:s19] =	ssyncadd.s32 $0xFFFFC000  }
0x47: {  	[bflag:$0x0] =	sbarrier.arrive $0xFFFF  }
0x48: {  	[tilespmem:s18], [sflag:$0x1] =	stream.linear.gather [spmem:s6], $0x4000, $0x38;
	[tilespmem:$0x1C080] =	vst v63  }
0x49: {  	_ =	swait.ge [sflag:s19], $0x4000  }
0x4a: {  	[sflag:s19] =	ssyncset.done $0x0  }
0x4b: {  	[sflag:s19] =	ssyncadd.s32 $0xFFFFC000  }
0x4c: {  	[hbm4b:s11+s4] =	stream.linear.scatter [tilespmem:s18], [sflag:$0x1], $0x4000, $0x38;
	[tilespmem:$0x1C080] =	vst v63  }
0x4d: {  	_ =	swait.ge [sflag:s19], $0x4000  }
0x4e: {  	[sflag:s19] =	ssyncset.done $0x0  }
0x4f: {  	[sflag:s19] =	ssyncadd.s32 $0xFFFFC000  }
0x50: {  	[tilespmem:s18], [sflag:$0x1] =	stream.linear.gather [spmem:s7], $0x4000, $0x38;
	[tilespmem:$0x1C080] =	vst v63  }
0x51: {  	_ =	swait.ge [sflag:s19], $0x4000  }
0x52: {  	[sflag:s19] =	ssyncset.done $0x0  }
0x53: {  	[sflag:s19] =	ssyncadd.s32 $0xFFFFC000  }
0x54: {  	[hbm4b:s12+s4] =	stream.linear.scatter [tilespmem:s18], [sflag:$0x1], $0x4000, $0x38;
	[tilespmem:$0x1C080] =	vst v63  }
0x55: {  	_ =	swait.ge [sflag:s19], $0x4000  }
0x56: {  	[sflag:s19] =	ssyncset.done $0x0  }
0x57: {  	[sflag:s19] =	ssyncadd.s32 $0xFFFFC000  }
0x58: {  	[tilespmem:s18], [sflag:$0x1] =	stream.linear.gather [spmem:s8], $0x4000, $0x38;
	[tilespmem:$0x1C080] =	vst v63  }
0x59: {  	_ =	swait.ge [sflag:s19], $0x4000  }
0x5a: {  	[sflag:s19] =	ssyncset.done $0x0  }
0x5b: {  	[sflag:s19] =	ssyncadd.s32 $0xFFFFC000  }
0x5c: {  	[hbm4b:s13+s4] =	stream.linear.scatter [tilespmem:s18], [sflag:$0x1], $0x4000, $0x38;
	[tilespmem:$0x1C080] =	vst v63  }
0x5d: {  	_ =	swait.ge [sflag:s19], $0x4000  }
0x5e: {  	[sflag:s19] =	ssyncset.done $0x0  }
0x5f: {  	[sflag:s19] =	ssyncadd.s32 $0xFFFFC000  }
0x60: {  	[tilespmem:s18], [sflag:$0x1] =	stream.linear.gather [spmem:s9], $0x4000, $0x38;
	[tilespmem:$0x1C080] =	vst v63  }
0x61: {  	_ =	swait.ge [sflag:s19], $0x4000  }
0x62: {  	[sflag:s19] =	ssyncset.done $0x0  }
0x63: {  	[sflag:s19] =	ssyncadd.s32 $0xFFFFC000  }
0x64: {  	[hbm4b:s14+s4] =	stream.linear.scatter [tilespmem:s18], [sflag:$0x1], $0x4000, $0x38;
	[tilespmem:$0x1C080] =	vst v63  }
0x65: {  	_ =	swait.ge [sflag:s19], $0x4000  }
0x66: {  	[sflag:s19] =	ssyncset.done $0x0  }
0x67: {  	[sflag:s19] =	ssyncadd.s32 $0xFFFFC000  }
0x68: {  	[tilespmem:s18], [sflag:$0x1] =	stream.linear.gather [spmem:s10], $0x4000, $0x38;
	[tilespmem:$0x1C080] =	vst v63  }
0x69: {  	s21 =	sadd.s32 $0x1, s21;
	_ =	swait.ge [sflag:s19], $0x4000  }
0x6a: {  	p0 =	sne.s32 s21, s16;
	[sflag:s19] =	ssyncset.done $0x0  }
.Ltmp1:
0x6b: {  	[sflag:s19] =	ssyncadd.s32 $0xFFFFC000;
	(pc) =	sbr.rel @p0 .LBB2_1-.Ltmp1, $4  }
0x6c: {  	[hbm4b:s15+s4] =	stream.linear.scatter [tilespmem:s18], [sflag:$0x1], $0x4000, $0x38;
	[tilespmem:$0x1C080] =	vst v63  }
0x6d: {  	_ =	swait.ge [sflag:s19], $0x4000  }
0x6e: {  	[sflag:s19] =	ssyncset.done $0x0  }
0x6f: {  	[sflag:s19] =	ssyncadd.s32 $0xFFFFC000  }
0x70: {  	_ =	sfence.sel $0x180000  }
0x71: {  	[bflag:$0x0] =	sbarrier.arrive $0xFFFF  }
0x72: {  	p0 =	sne.s32 s1, $0x0;
	_ =	strace $0x9000004A  }
0x73: {  	s0 =	sadd.s32 @!p0 $0x100000, s0;
	[bflag:$0x2] =	sbarrier.arrive $0xFFFF  }
0x74: {  	[sflag:s0] =	ssyncadd.tile.s32 @!p0 $0x1;
	_ =	shalt  }
.Lfunc_end2:
_tile_overlayer_lowered:
.L_overlay_start_2:
0x75: {  	(tag) =	ssettag $0x2  }
0x76: {  	s0 =	rddreg [dreg:$0x0];
	s2 =	stileid.u32  }
0x77: {  	s1 =	rddreg [dreg:$0x1];
	p0 =	sne.s32 s2, $0x0  }
0x78: {  	s3 =	rddreg [dreg:$0x2];
	[bflag:$0x3] =	sbarrier.arrive $0xFFFF;
	s2 =	simm.s32 @!p0 $0x1C01  }
0x79: {  	[timem:s3], [sflag:s2] =	dma.local @!p0 [hbm:s0], s1  }
0x7a: {  	s0 =	simm.s32 @!p0 $0x1  }
0x7b: {  	_ =	swait.ge @!p0 [sflag:s0], s1  }
0x7c: {  	s1 =	ssub.s32 @!p0 $0x0, s1;
	[sflag:s0] =	ssyncset.done @!p0 $0x0  }
0x7d: {  	[sflag:s0] =	ssyncadd.s32 @!p0 s1  }
0x7e: {  	[bflag:$0x3] =	sbarrier.arrive $0xFFFF  }
0x7f: {  	_ =	shalt  }

// kernel: kernel.15.cloned.1.call-start
scs
__scs_entry_jumppad:
0x0: {  	(pc) =	sbr.rel $0x88, $3  }
0x1: {  	(tag) =	ssettag $0x0;
	lr =	simm.s32 $0x1  }
0x2: {  	[smem:$0x3F96] =	sst lr;
	_ =	strace $0xD0000000  }
0x3: {  	_ = 	snop  }
0x4: {  	_ = 	snop  }
0x5: {  	_ = 	snop  }
0x6: {  	_ = 	snop  }
0x7: {  	_ = 	snop  }
__scs_overlays_trampoline_lowered:
0x8: {  	[smem:$0x3FA5] =	sst s0  }
0x9: {  	[smem:$0x3FA6] =	sst s1  }
0xa: {  	[smem:$0x3FA7] =	sst s2  }
0xb: {  	[smem:$0x3FA8] =	sst s3  }
0xc: {  	[smem:$0x3FA9] =	sst s4  }
0xd: {  	[smem:$0x3FAA] =	sst s5  }
0xe: {  	[smem:$0x3FAB] =	sst s6  }
0xf: {  	[smem:$0x3FAC] =	sst s7  }
0x10: {  	[smem:$0x3FAD] =	sst s8  }
0x11: {  	[smem:$0x3FAE] =	sst s9;
	s0 =	simm.s32 @!p0 $0x0  }
0x12: {  	s1 =	sld [smem:$0x3F94];
	s0 =	simm.s32 @p0 $0x1  }
0x13: {  	[smem:$0x3FAF] =	sst s0;
	s0 =	simm.s32 @!p1 $0x0  }
0x14: {  	s2 =	sld [smem:$0x3F93];
	s0 =	simm.s32 @p1 $0x1  }
0x15: {  	[smem:$0x3FB0] =	sst s0;
	s0 =	simm.s32 @!p2 $0x0  }
0x16: {  	s3 =	sld [smem:$0x3FDB];
	s0 =	simm.s32 @p2 $0x1  }
0x17: {  	s4 =	simm.s32 $0x1BF5;
	[smem:$0x3FB2] =	sst s0  }
0x18: {  	s0 =	sld [smem:$0x3F95];
	_ =	swait.ge [sflag:s4], $0x0  }
0x19: {  	s7 =	sld [smem:$0x3F96]  }
0x1a: {  	s8 =	sadd.s32 $0xFFFFE003, lr  }
0x1b: {  	s9 =	sadd.s32 $0xFFFFFEF7, lr;
	s5 =	simm.s32 $0xFFFFFFFF;
	p2 =	slt.u32 s8, $0xFFFFF086  }
0x1c: {  	p1 =	slt.u32 s9, $0xF7A;
	s5 =	simm.s32 @!p2 $0x0  }
0x1d: {  	s5 =	simm.s32 @p1 $0x1;
	p0 =	seq.s32 s7, s2  }
0x1e: {  	s7 =	smul.u32 @!p0 $0xF7A, s2;
	p2 =	seq.s32 @!p0 s5, $0x0  }
0x1f: {  	s9 =	smul.u32 $0xF7A, s1;
	s8 =	simm.s32 @!p0 $0x1BF5;
	p2 =	por !p2, p0  }
0x20: {  	[sflag:s8] =	ssyncset.s32 @!p0 $0xFFFFF086;
	s6 =	sadd.s32 @!p0 s3, s7;
	s7 =	simm.s32 @!p0 $0x108  }
0x21: {  	s3 =	sadd.s32 s3, s9;
	s6 =	sadd.s32 @!p0 $0x88, s6;
	s7 =	simm.s32 @p2 $0x1082  }
0x22: {  	[simem:s7], [sflag:s8] =	dma.local @!p0 [hbm:s6], $0xF7A  }
0x23: {  	s9 =	sor.u32 $0xD0000000, s2;
	s6 =	simm.s32 $0x108;
	_ =	swait.ge @!p0 [sflag:s8], $0x0  }
0x24: {  	s3 =	sadd.s32 $0x88, s3;
	s6 =	simm.s32 @!p1 $0x1082;
	[sflag:s4] =	ssyncset.s32 $0xFFFFF086  }
0x25: {  	[simem:s6], [sflag:s4] =	dma.local [hbm:s3], $0xF7A  }
0x26: {  	[smem:$0x3F96] =	sst s1;
	(tag) =	ssettag s2;
	_ =	strace s9  }
0x27: {  	s1 =	sld [smem:$0x3FA6]  }
0x28: {  	s2 =	sld [smem:$0x3FA7]  }
0x29: {  	s4 =	sld [smem:$0x3FA9]  }
0x2a: {  	p0 =	seq.s32 s5, $0x0;
	s5 =	sld [smem:$0x3FAA]  }
0x2b: {  	s6 =	sld [smem:$0x3FAB]  }
0x2c: {  	s7 =	sld [smem:$0x3FAC]  }
0x2d: {  	s3 =	simm.s32 $0x108;
	s8 =	sld [smem:$0x3FAD]  }
0x2e: {  	s3 =	simm.s32 @!p0 $0x1082;
	s9 =	sld [smem:$0x3FAE]  }
0x2f: {  	lr =	sadd.s32 s0, s3;
	s0 =	sld [smem:$0x3FA5]  }
0x30: {  	s3 =	sld [smem:$0x3FA8]  }
0x31: {  	[smem:$0x3FB1] =	sst s10  }
0x32: {  	s10 =	sld [smem:$0x3FAF];
	_ =	sdelay $0x3  }
0x33: {  	p0 =	seq.s32 s10, $0x1;
	s10 =	sld [smem:$0x3FB1];
	_ =	sdelay $0x3  }
0x34: {  	[smem:$0x3FB1] =	sst s10  }
0x35: {  	s10 =	sld [smem:$0x3FB0];
	_ =	sdelay $0x3  }
0x36: {  	p1 =	seq.s32 s10, $0x1;
	s10 =	sld [smem:$0x3FB1];
	_ =	sdelay $0x3  }
0x37: {  	[smem:$0x3FB1] =	sst s10  }
0x38: {  	s10 =	sld [smem:$0x3FB2]  }
0x39: {  	_ = 	snop;
	(pc) =	sbr.ind lr, $3  }
0x3a: {  	_ = 	snop  }
0x3b: {  	_ = 	snop  }
0x3c: {  	p2 =	seq.s32 s10, $0x1;
	s10 =	sld [smem:$0x3FB1]  }
0x3d: {  	_ =	shalt  }
0x3e: {  	_ =	shalt  }
0x3f: {  	_ =	shalt  }
0x40: {  	_ =	shalt  }
0x41: {  	_ =	shalt  }
0x42: {  	_ =	shalt  }
0x43: {  	_ =	shalt  }
0x44: {  	_ =	shalt  }
0x45: {  	_ =	shalt  }
0x46: {  	_ =	shalt  }
0x47: {  	_ =	shalt  }
0x48: {  	_ =	shalt  }
0x49: {  	_ =	shalt  }
0x4a: {  	_ =	shalt  }
0x4b: {  	_ =	shalt  }
0x4c: {  	_ =	shalt  }
0x4d: {  	_ =	shalt  }
0x4e: {  	_ =	shalt  }
0x4f: {  	_ =	shalt  }
0x50: {  	_ =	shalt  }
0x51: {  	_ =	shalt  }
0x52: {  	_ =	shalt  }
0x53: {  	_ =	shalt  }
0x54: {  	_ =	shalt  }
0x55: {  	_ =	shalt  }
0x56: {  	_ =	shalt  }
0x57: {  	_ =	shalt  }
0x58: {  	_ =	shalt  }
0x59: {  	_ =	shalt  }
0x5a: {  	_ =	shalt  }
0x5b: {  	_ =	shalt  }
0x5c: {  	_ =	shalt  }
0x5d: {  	_ =	shalt  }
0x5e: {  	_ =	shalt  }
0x5f: {  	_ =	shalt  }
0x60: {  	_ =	shalt  }
0x61: {  	_ =	shalt  }
0x62: {  	_ =	shalt  }
0x63: {  	_ =	shalt  }
0x64: {  	_ =	shalt  }
0x65: {  	_ =	shalt  }
0x66: {  	_ =	shalt  }
0x67: {  	_ =	shalt  }
0x68: {  	_ =	shalt  }
0x69: {  	_ =	shalt  }
0x6a: {  	_ =	shalt  }
0x6b: {  	_ =	shalt  }
0x6c: {  	_ =	shalt  }
0x6d: {  	_ =	shalt  }
0x6e: {  	_ =	shalt  }
0x6f: {  	_ =	shalt  }
0x70: {  	_ =	shalt  }
0x71: {  	_ =	shalt  }
0x72: {  	_ =	shalt  }
0x73: {  	_ =	shalt  }
0x74: {  	_ =	shalt  }
0x75: {  	_ =	shalt  }
0x76: {  	_ =	shalt  }
0x77: {  	_ =	shalt  }
0x78: {  	_ =	shalt  }
0x79: {  	_ =	shalt  }
0x7a: {  	_ =	shalt  }
0x7b: {  	_ =	shalt  }
0x7c: {  	_ =	shalt  }
0x7d: {  	_ =	shalt  }
0x7e: {  	_ =	shalt  }
0x7f: {  	_ =	shalt  }
0x80: {  	_ =	shalt  }
0x81: {  	_ =	shalt  }
0x82: {  	_ =	shalt  }
0x83: {  	_ =	shalt  }
0x84: {  	_ =	shalt  }
0x85: {  	_ =	shalt  }
0x86: {  	_ =	shalt  }
0x87: {  	_ =	shalt  }
.Lfunc_end0:
.L_simem_size_0:
called_computation.1_lowered:
.L_overlay_start_0:
0x88: {  	s2 =	sld [smem:$0x3FD9]  }
0x89: {  	s3 =	sld [smem:$0x3FFE];
	_ =	sdelay $0x1  }
0x8a: {  	s1 =	srdreg.scid  }
0x8b: {  	s0 =	sand.u32 $0x1, s1  }
0x8c: {  	s17 =	sshll.u32 s0, $0xA;
	s2 =	sadd.s32 s3, s2  }
0x8d: {  	s2 =	sadd.s32 s2, s17  }
0x8e: {  	[smem:$0x3FBD] =	sst s2  }
0x8f: {  	_ = 	snop  }
0x90: {  	s2 =	sld [smem:$0x3FC9];
	(tm) =	ssettm $0x1  }
0x91: {  	s18 =	sld [smem:$0x3FFB];
	_ =	sdelay $0x3  }
0x92: {  	_ =	strace s18  }
0x93: {  	s3 =	sld [smem:$0x3FFC];
	_ =	sdelay $0x3  }
0x94: {  	_ =	strace s3  }
0x95: {  	s3 =	sld [smem:$0x3FFD];
	_ =	sdelay $0x3  }
0x96: {  	_ =	strace s3  }
0x97: {  	_ =	strace $0x8FFFFFFF  }
0x98: {  	s19 =	sld [smem:$0x3FDB];
	_ =	sdelay $0x1  }
0x99: {  	s4 =	simm.s32 $_scs_section_size  }
0x9a: {  	s5 =	simm.s32 $_size__tile_overlayer_lowered;
	s6 =	simm.s32 $_tile_overlayer_lowered  }
0x9b: {  	s22 =	simm.s32 $0x1BFF;
	s21 =	sshll.u32 s6, $0x1;
	s3 =	sadd.s32 s4, s19  }
0x9c: {  	s7 =	simm.s32 $0x0;
	s20 =	sshll.u32 s5, $0x1;
	s5 =	sadd.s32 s21, s3  }
0x9d: {  	[timem:s7], [sflag:s22] =	dma.local [hbm:s5], s20  }
0x9e: {  	_ =	swait.ge [sflag:s22], s20  }
0x9f: {  	s4 =	ssub.s32 $0x0, s20;
	[sflag:s22] =	ssyncset.done $0x0  }
0xa0: {  	[sflag:s22] =	ssyncadd.s32 s4;
	_ =	sdelay $0x1  }
0xa1: {  	s23 =	simm.s32 $0x1B8B  }
0xa2: {  	_ =	swait.ge [sflag:s23], $0x1  }
0xa3: {  	[sflag:s23] =	ssyncset.done $0x0  }
0xa4: {  	s25 =	simm.s32 $0x1B8E;
	s24 =	sld [smem:$0x3FFE];
	[sflag:s23] =	ssyncadd.s32 $0xFFFFFFFF  }
0xa5: {  	s26 =	simm.s32 $execute0_lowered;
	[smem:$0x3FD2] =	sst s25  }
0xa6: {  	s5 =	sshll.u32 s26, $0x1;
	_ =	strace $0x80000046;
	[dreg:$0x1] =	wrdreg $0xFFFFFFFF  }
0xa7: {  	s28 =	simm.s32 $_size_execute0_lowered;
	s3 =	sadd.s32 s3, s5;
	[dreg:$0x0] =	wrdreg $0x0  }
0xa8: {  	s5 =	sshll.u32 s28, $0x1;
	[dreg:$0x2] =	wrdreg s3  }
0xa9: {  	[dreg:$0x3] =	wrdreg s5  }
0xaa: {  	[dreg:$0x4] =	wrdreg $0xC0  }
0xab: {  	_ =	task [dreg:s7], $0x5FFFF  }
0xac: {  	[dreg:$0x1] =	wrdreg $0xFFFFFFFF  }
0xad: {  	[dreg:$0x0] =	wrdreg $0x60  }
0xae: {  	[dreg:$0x2] =	wrdreg s24  }
0xaf: {  	[dreg:$0x3] =	wrdreg s2  }
0xb0: {  	[dreg:$0x4] =	wrdreg $0x41000  }
0xb1: {  	[dreg:$0x5] =	wrdreg $0xA  }
0xb2: {  	_ =	task.clear_ibuf [dreg:s7], $0x6FFFF;
	_ =	strace $0x90000046  }
0xb3: {  	s29 =	simm.s32 $0xA;
	_ =	strace $0x80000048  }
0xb4: {  	_ =	swait.ge [sflag:s29], $0x1  }
0xb5: {  	[sflag:s29] =	ssyncadd.s32 $0xFFFFFFFF  }
0xb6: {  	_ =	strace $0x90000048  }
0xb7: {  	_ =	sfence  }
0xb8: {  	s30 =	sld [smem:$0x0];
	_ =	sdelay $0x2  }
0xb9: {  	s31 =	sshll.u32 s1, $0xD;
	s1 =	sshrl.u32 s1, $0x2  }
0xba: {  	s3 =	sand.u32 $0x4000, s31;
	s1 =	sadd.s32 s1, s30  }
0xbb: {  	s0 =	sor.u32 s3, s0;
	s1 =	sshll.u32 s1, $0x11  }
0xbc: {  	s0 =	sor.u32 s1, s0  }
0xbd: {  	s0 =	sadd.s32 $0x8F2B, s0  }
0xbe: {  	[sflag:s0] =	ssyncadd.remote.s32 $0x1  }
0xbf: {  	_ =	sfence.sel $0xFFFF  }
0xc0: {  	[dreg:$0x0] =	wrdreg $0xFFFFFFFF;
	(pc) =	sbr.abs _section_cstart, $3  }
0xc1: {  	[dreg:$0x1] =	wrdreg $0xFFFFFFFF  }
0xc2: {  	_ =	task.clear_ibuf [dreg:s7], $0x2FFFF;
	_ =	strace $0x9FFFFFFF  }
0xc3: {  	(tm) =	ssettm $0x7FFFFFFF  }
tec
execute0_lowered:
.L_overlay_start_1:
0x0: {  	(tag) =	ssettag $0x1  }
0x1: {  	s6 =	rddreg [dreg:$0x0]  }
0x2: {  	s2 =	rddreg [dreg:$0x1]  }
0x3: {  	s3 =	rddreg [dreg:$0x2]  }
0x4: {  	s0 =	rddreg [dreg:$0x3]  }
0x5: {  	s1 =	stileid.u32;
	s5 =	srdreg.scid  }
0x6: {  	s4 =	simm.s32 $0x0;
	s19 =	simm.s32 $0x100;
	s20 =	simm.s32 $0x1  }
0x7: {  	s21 =	simm.s32 $0x80;
	s22 =	simm.s32 $0x0;
	s7 =	smul.u32 $0x280, s1  }
0x8: {  	s11 =	sand.u32 $0x1, s5;
	[smem:$0x7FF] =	sst s4;
	s9 =	smul.u32 $0x50000, s1  }
0x9: {  	s30 =	sshll.u32 s1, $0x5;
	s5 =	sadd.s32 $0x17C00, s6;
	s8 =	smul.u32 $0x2800, s11  }
0xa: {  	_ =	strace $0x80000047;
	s17 =	sadd.s32 s30, s6;
	s31 =	ssub.s32 $0x2, s11  }
0xb: {  	s18 =	sshll.u32 s11, $0x4;
	s10 =	sshrl.u32 s31, $0x1;
	s9 =	sshrl.u32 s9, $0x2  }
0xc: {  	s18 =	sadd.s32 s18, s17;
	s7 =	sadd.s32 s7, s8;
	s16 =	ssub.s32 s31, s10  }
0xd: {  	s17 =	sadd.s32 $0xDE00, s18;
	s18 =	sadd.s32 $0x4000, s18;
	s7 =	sshll.u32 s7, $0x4  }
0xe: {  	s16 =	smax.u32 s16, $0x1;
	s15 =	sadd.s32 s7, s6;
	s6 =	sadd.s32 s9, s3  }
0xf: {  	s7 =	sadd.s32 $0x4000, s6;
	s8 =	sadd.s32 $0x8000, s6;
	s9 =	sadd.s32 $0xC000, s6  }
0x10: {  	s10 =	sadd.s32 $0x10000, s6;
	s11 =	sadd.s32 $0x18400, s15;
	s12 =	sadd.s32 $0x18C00, s15  }
0x11: {  	s13 =	sadd.s32 $0x19400, s15;
	s14 =	sadd.s32 $0x19C00, s15;
	s15 =	sadd.s32 $0x1A400, s15  }
.LBB2_1:
0x12: {  	[tilespmem:s19], [sflag:$0x1] =	stream.linear.gather [hbm4b:s5+s4], $0x4000, $0x38;
	[tilespmem:$0x18100] =	vst v63  }
0x13: {  	_ =	swait.ge [sflag:s20], $0x4000  }
0x14: {  	[sflag:s20] =	ssyncset.done $0x0  }
0x15: {  	[sflag:s20] =	ssyncadd.s32 $0xFFFFC000  }
0x16: {  	[spmem:s6] =	stream.linear.scatter [tilespmem:s19], [sflag:$0x1], $0x4000, $0x38;
	[tilespmem:$0x18100] =	vst v63  }
0x17: {  	_ =	swait.ge [sflag:s20], $0x4000  }
0x18: {  	[sflag:s20] =	ssyncset.done $0x0  }
0x19: {  	[sflag:s20] =	ssyncadd.s32 $0xFFFFC000  }
0x1a: {  	[spmem:s7] =	stream.linear.scatter [tilespmem:s19], [sflag:$0x1], $0x4000, $0x38;
	[tilespmem:$0x18100] =	vst v63  }
0x1b: {  	_ =	swait.ge [sflag:s20], $0x4000  }
0x1c: {  	[sflag:s20] =	ssyncset.done $0x0  }
0x1d: {  	[sflag:s20] =	ssyncadd.s32 $0xFFFFC000  }
0x1e: {  	[spmem:s8] =	stream.linear.scatter [tilespmem:s19], [sflag:$0x1], $0x4000, $0x38;
	[tilespmem:$0x18100] =	vst v63  }
0x1f: {  	_ =	swait.ge [sflag:s20], $0x4000  }
0x20: {  	[sflag:s20] =	ssyncset.done $0x0  }
0x21: {  	[sflag:s20] =	ssyncadd.s32 $0xFFFFC000  }
0x22: {  	[spmem:s9] =	stream.linear.scatter [tilespmem:s19], [sflag:$0x1], $0x4000, $0x38;
	[tilespmem:$0x18100] =	vst v63  }
0x23: {  	_ =	swait.ge [sflag:s20], $0x4000  }
0x24: {  	[sflag:s20] =	ssyncset.done $0x0  }
0x25: {  	[sflag:s20] =	ssyncadd.s32 $0xFFFFC000  }
0x26: {  	[spmem:s10] =	stream.linear.scatter [tilespmem:s19], [sflag:$0x1], $0x4000, $0x38;
	[tilespmem:$0x18100] =	vst v63  }
0x27: {  	_ =	swait.ge [sflag:s20], $0x4000  }
0x28: {  	[sflag:s20] =	ssyncset.done $0x0  }
0x29: {  	[sflag:s20] =	ssyncadd.s32 $0xFFFFC000  }
0x2a: {  	s23 =	sadd.s32 $0x0, s17;
	[bflag:$0x0] =	sbarrier.arrive $0xFFFF  }
0x2b: {  	[tilespmem:s4], [sflag:$0x1] =	stream.linear.gather [hbm4b:s23+s4], $0x80, $0x38;
	[tilespmem:$0x18100] =	vst v63  }
0x2c: {  	_ =	swait.ge [sflag:s20], $0x80  }
0x2d: {  	[sflag:s20] =	ssyncset.done $0x0  }
0x2e: {  	s31 =	sadd.s32 $0x0, s18;
	[sflag:s20] =	ssyncadd.s32 $0xFFFFFF80  }
0x2f: {  	[tilespmem:s21], [sflag:$0x1] =	stream.linear.gather [hbm4b:s31+s4], $0x80, $0x38;
	[tilespmem:$0x18100] =	vst v63  }
0x30: {  	_ =	swait.ge [sflag:s20], $0x80  }
0x31: {  	[sflag:s20] =	ssyncset.done $0x0  }
0x32: {  	[sflag:s20] =	ssyncadd.s32 $0xFFFFFF80  }
0x33: {  	[tilespmem:s19], [sflag:$0x1] =	stream.indirect.gather [hbm4b:s2+s21], $0x80, s4, s21, $0xb8;
	[tilespmem:$0x18100] =	vst v63  }
0x34: {  	_ =	swait.ge [sflag:s20], $0x4000  }
0x35: {  	[sflag:s20] =	ssyncset.done $0x0  }
0x36: {  	[sflag:s20] =	ssyncadd.s32 $0xFFFFC000  }
0x37: {  	[spmem:s3] =	stream.indirect.scatter.add.f32 [tilespmem:s19], [sflag:$0x1], $0x80, s21, s21, $0xb8;
	[tilespmem:$0x18100] =	vst v63  }
0x38: {  	_ =	swait.ge [sflag:s20], $0x4000  }
0x39: {  	s24 =	simm.s32 $0x400;
	s23 =	simm.s32 $0x200;
	[sflag:s20] =	ssyncset.done $0x0  }
.LBB2_2:
0x3a: {  	s25 =	sadd.s32 s23, s17  }
0x3b: {  	[sflag:s20] =	ssyncadd.s32 $0xFFFFC000;
	s26 =	smov.u32 s24;
	s28 =	sadd.s32 $0x200, s24  }
0x3c: {  	[tilespmem:s4], [sflag:$0x1] =	stream.linear.gather [hbm4b:s25+s4], $0x80, $0x38;
	[tilespmem:$0x18100] =	vst v63  }
0x3d: {  	p0 =	sne.s32 s24, $0x9C00;
	_ =	swait.ge [sflag:s20], $0x80  }
0x3e: {  	[sflag:s20] =	ssyncset.done $0x0  }
0x3f: {  	s24 =	sadd.s32 s23, s18;
	s23 =	smov.u32 s26;
	[sflag:s20] =	ssyncadd.s32 $0xFFFFFF80  }
0x40: {  	[tilespmem:s21], [sflag:$0x1] =	stream.linear.gather [hbm4b:s24+s4], $0x80, $0x38;
	[tilespmem:$0x18100] =	vst v63  }
0x41: {  	_ =	swait.ge [sflag:s20], $0x80  }
0x42: {  	[sflag:s20] =	ssyncset.done $0x0  }
0x43: {  	[sflag:s20] =	ssyncadd.s32 $0xFFFFFF80  }
0x44: {  	[tilespmem:s19], [sflag:$0x1] =	stream.indirect.gather [hbm4b:s2+s21], $0x80, s4, s21, $0xb8;
	[tilespmem:$0x18100] =	vst v63  }
0x45: {  	_ =	swait.ge [sflag:s20], $0x4000  }
.Ltmp0:
0x46: {  	[sflag:s20] =	ssyncset.done $0x0;
	(pc) =	sbr.rel @p0 .LBB2_2-.Ltmp0, $4  }
0x47: {  	[sflag:s20] =	ssyncadd.s32 $0xFFFFC000  }
0x48: {  	[spmem:s3] =	stream.indirect.scatter.add.f32 [tilespmem:s19], [sflag:$0x1], $0x80, s21, s21, $0xb8;
	[tilespmem:$0x18100] =	vst v63  }
0x49: {  	_ =	swait.ge [sflag:s20], $0x4000  }
0x4a: {  	s24 =	smov.u32 s28;
	[sflag:s20] =	ssyncset.done $0x0  }
0x4b: {  	s24 =	sadd.s32 s23, s17;
	[sflag:s20] =	ssyncadd.s32 $0xFFFFC000  }
0x4c: {  	[tilespmem:s4], [sflag:$0x1] =	stream.linear.gather [hbm4b:s24+s4], $0x80, $0x38;
	[tilespmem:$0x18100] =	vst v63  }
0x4d: {  	_ =	swait.ge [sflag:s20], $0x80  }
0x4e: {  	[sflag:s20] =	ssyncset.done $0x0  }
0x4f: {  	s31 =	sadd.s32 s23, s18;
	[sflag:s20] =	ssyncadd.s32 $0xFFFFFF80  }
0x50: {  	[tilespmem:s21], [sflag:$0x1] =	stream.linear.gather [hbm4b:s31+s4], $0x80, $0x38;
	[tilespmem:$0x18100] =	vst v63  }
0x51: {  	_ =	swait.ge [sflag:s20], $0x80  }
0x52: {  	[sflag:s20] =	ssyncset.done $0x0  }
0x53: {  	[sflag:s20] =	ssyncadd.s32 $0xFFFFFF80  }
0x54: {  	[tilespmem:s19], [sflag:$0x1] =	stream.indirect.gather [hbm4b:s2+s21], $0x80, s4, s21, $0xb8;
	[tilespmem:$0x18100] =	vst v63  }
0x55: {  	_ =	swait.ge [sflag:s20], $0x4000  }
0x56: {  	[sflag:s20] =	ssyncset.done $0x0  }
0x57: {  	[sflag:s20] =	ssyncadd.s32 $0xFFFFC000  }
0x58: {  	[spmem:s3] =	stream.indirect.scatter.add.f32 [tilespmem:s19], [sflag:$0x1], $0x80, s21, s21, $0xb8;
	[tilespmem:$0x18100] =	vst v63  }
0x59: {  	_ =	swait.ge [sflag:s20], $0x4000  }
0x5a: {  	[sflag:s20] =	ssyncset.done $0x0  }
0x5b: {  	[sflag:s20] =	ssyncadd.s32 $0xFFFFC000  }
0x5c: {  	[bflag:$0x0] =	sbarrier.arrive $0xFFFF  }
0x5d: {  	[tilespmem:s19], [sflag:$0x1] =	stream.linear.gather [spmem:s6], $0x4000, $0x38;
	[tilespmem:$0x18100] =	vst v63  }
0x5e: {  	_ =	swait.ge [sflag:s20], $0x4000  }
0x5f: {  	[sflag:s20] =	ssyncset.done $0x0  }
0x60: {  	[sflag:s20] =	ssyncadd.s32 $0xFFFFC000  }
0x61: {  	[hbm4b:s11+s4] =	stream.linear.scatter [tilespmem:s19], [sflag:$0x1], $0x4000, $0x38;
	[tilespmem:$0x18100] =	vst v63  }
0x62: {  	_ =	swait.ge [sflag:s20], $0x4000  }
0x63: {  	[sflag:s20] =	ssyncset.done $0x0  }
0x64: {  	[sflag:s20] =	ssyncadd.s32 $0xFFFFC000  }
0x65: {  	[tilespmem:s19], [sflag:$0x1] =	stream.linear.gather [spmem:s7], $0x4000, $0x38;
	[tilespmem:$0x18100] =	vst v63  }
0x66: {  	_ =	swait.ge [sflag:s20], $0x4000  }
0x67: {  	[sflag:s20] =	ssyncset.done $0x0  }
0x68: {  	[sflag:s20] =	ssyncadd.s32 $0xFFFFC000  }
0x69: {  	[hbm4b:s12+s4] =	stream.linear.scatter [tilespmem:s19], [sflag:$0x1], $0x4000, $0x38;
	[tilespmem:$0x18100] =	vst v63  }
0x6a: {  	_ =	swait.ge [sflag:s20], $0x4000  }
0x6b: {  	[sflag:s20] =	ssyncset.done $0x0  }
0x6c: {  	[sflag:s20] =	ssyncadd.s32 $0xFFFFC000  }
0x6d: {  	[tilespmem:s19], [sflag:$0x1] =	stream.linear.gather [spmem:s8], $0x4000, $0x38;
	[tilespmem:$0x18100] =	vst v63  }
0x6e: {  	_ =	swait.ge [sflag:s20], $0x4000  }
0x6f: {  	[sflag:s20] =	ssyncset.done $0x0  }
0x70: {  	[sflag:s20] =	ssyncadd.s32 $0xFFFFC000  }
0x71: {  	[hbm4b:s13+s4] =	stream.linear.scatter [tilespmem:s19], [sflag:$0x1], $0x4000, $0x38;
	[tilespmem:$0x18100] =	vst v63  }
0x72: {  	_ =	swait.ge [sflag:s20], $0x4000  }
0x73: {  	[sflag:s20] =	ssyncset.done $0x0  }
0x74: {  	[sflag:s20] =	ssyncadd.s32 $0xFFFFC000  }
0x75: {  	[tilespmem:s19], [sflag:$0x1] =	stream.linear.gather [spmem:s9], $0x4000, $0x38;
	[tilespmem:$0x18100] =	vst v63  }
0x76: {  	_ =	swait.ge [sflag:s20], $0x4000  }
0x77: {  	[sflag:s20] =	ssyncset.done $0x0  }
0x78: {  	[sflag:s20] =	ssyncadd.s32 $0xFFFFC000  }
0x79: {  	[hbm4b:s14+s4] =	stream.linear.scatter [tilespmem:s19], [sflag:$0x1], $0x4000, $0x38;
	[tilespmem:$0x18100] =	vst v63  }
0x7a: {  	_ =	swait.ge [sflag:s20], $0x4000  }
0x7b: {  	[sflag:s20] =	ssyncset.done $0x0  }
0x7c: {  	[sflag:s20] =	ssyncadd.s32 $0xFFFFC000  }
0x7d: {  	[tilespmem:s19], [sflag:$0x1] =	stream.linear.gather [spmem:s10], $0x4000, $0x38;
	[tilespmem:$0x18100] =	vst v63  }
0x7e: {  	s22 =	sadd.s32 $0x1, s22;
	_ =	swait.ge [sflag:s20], $0x4000  }
0x7f: {  	p0 =	sne.s32 s22, s16;
	[sflag:s20] =	ssyncset.done $0x0  }
.Ltmp1:
0x80: {  	[sflag:s20] =	ssyncadd.s32 $0xFFFFC000;
	(pc) =	sbr.rel @p0 .LBB2_1-.Ltmp1, $4  }
0x81: {  	[hbm4b:s15+s4] =	stream.linear.scatter [tilespmem:s19], [sflag:$0x1], $0x4000, $0x38;
	[tilespmem:$0x18100] =	vst v63  }
0x82: {  	_ =	swait.ge [sflag:s20], $0x4000  }
0x83: {  	[sflag:s20] =	ssyncset.done $0x0  }
0x84: {  	[sflag:s20] =	ssyncadd.s32 $0xFFFFC000  }
0x85: {  	_ =	sfence.sel $0x180000  }
0x86: {  	[bflag:$0x0] =	sbarrier.arrive $0xFFFF  }
0x87: {  	p0 =	sne.s32 s1, $0x0;
	_ =	strace $0x90000047  }
0x88: {  	s0 =	sadd.s32 @!p0 $0x100000, s0;
	[bflag:$0x2] =	sbarrier.arrive $0xFFFF  }
0x89: {  	[sflag:s0] =	ssyncadd.tile.s32 @!p0 $0x1;
	_ =	shalt  }
.Lfunc_end2:
_tile_overlayer_lowered:
.L_overlay_start_2:
0x8a: {  	(tag) =	ssettag $0x2  }
0x8b: {  	s0 =	rddreg [dreg:$0x0];
	s2 =	stileid.u32  }
0x8c: {  	s1 =	rddreg [dreg:$0x1];
	p0 =	sne.s32 s2, $0x0  }
0x8d: {  	s3 =	rddreg [dreg:$0x2];
	[bflag:$0x3] =	sbarrier.arrive $0xFFFF;
	s2 =	simm.s32 @!p0 $0x1C01  }
0x8e: {  	[timem:s3], [sflag:s2] =	dma.local @!p0 [hbm:s0], s1  }
0x8f: {  	s0 =	simm.s32 @!p0 $0x1  }
0x90: {  	_ =	swait.ge @!p0 [sflag:s0], s1  }
0x91: {  	s1 =	ssub.s32 @!p0 $0x0, s1;
	[sflag:s0] =	ssyncset.done @!p0 $0x0  }
0x92: {  	[sflag:s0] =	ssyncadd.s32 @!p0 s1  }
0x93: {  	[bflag:$0x3] =	sbarrier.arrive $0xFFFF  }
0x94: {  	_ =	shalt  }

// kernel: kernel.18.cloned.1.call-start
scs
__scs_entry_jumppad:
0x0: {  	(pc) =	sbr.rel $0x88, $3  }
0x1: {  	(tag) =	ssettag $0x0;
	lr =	simm.s32 $0x1  }
0x2: {  	[smem:$0x3F96] =	sst lr;
	_ =	strace $0xD0000000  }
0x3: {  	_ = 	snop  }
0x4: {  	_ = 	snop  }
0x5: {  	_ = 	snop  }
0x6: {  	_ = 	snop  }
0x7: {  	_ = 	snop  }
__scs_overlays_trampoline_lowered:
0x8: {  	[smem:$0x3FA5] =	sst s0  }
0x9: {  	[smem:$0x3FA6] =	sst s1  }
0xa: {  	[smem:$0x3FA7] =	sst s2  }
0xb: {  	[smem:$0x3FA8] =	sst s3  }
0xc: {  	[smem:$0x3FA9] =	sst s4  }
0xd: {  	[smem:$0x3FAA] =	sst s5  }
0xe: {  	[smem:$0x3FAB] =	sst s6  }
0xf: {  	[smem:$0x3FAC] =	sst s7  }
0x10: {  	[smem:$0x3FAD] =	sst s8  }
0x11: {  	[smem:$0x3FAE] =	sst s9;
	s0 =	simm.s32 @!p0 $0x0  }
0x12: {  	s1 =	sld [smem:$0x3F94];
	s0 =	simm.s32 @p0 $0x1  }
0x13: {  	[smem:$0x3FAF] =	sst s0;
	s0 =	simm.s32 @!p1 $0x0  }
0x14: {  	s2 =	sld [smem:$0x3F93];
	s0 =	simm.s32 @p1 $0x1  }
0x15: {  	[smem:$0x3FB0] =	sst s0;
	s0 =	simm.s32 @!p2 $0x0  }
0x16: {  	s3 =	sld [smem:$0x3FDB];
	s0 =	simm.s32 @p2 $0x1  }
0x17: {  	s4 =	simm.s32 $0x1BF5;
	[smem:$0x3FB2] =	sst s0  }
0x18: {  	s0 =	sld [smem:$0x3F95];
	_ =	swait.ge [sflag:s4], $0x0  }
0x19: {  	s7 =	sld [smem:$0x3F96]  }
0x1a: {  	s8 =	sadd.s32 $0xFFFFE003, lr  }
0x1b: {  	s9 =	sadd.s32 $0xFFFFFEF7, lr;
	s5 =	simm.s32 $0xFFFFFFFF;
	p2 =	slt.u32 s8, $0xFFFFF086  }
0x1c: {  	p1 =	slt.u32 s9, $0xF7A;
	s5 =	simm.s32 @!p2 $0x0  }
0x1d: {  	s5 =	simm.s32 @p1 $0x1;
	p0 =	seq.s32 s7, s2  }
0x1e: {  	s7 =	smul.u32 @!p0 $0xF7A, s2;
	p2 =	seq.s32 @!p0 s5, $0x0  }
0x1f: {  	s9 =	smul.u32 $0xF7A, s1;
	s8 =	simm.s32 @!p0 $0x1BF5;
	p2 =	por !p2, p0  }
0x20: {  	[sflag:s8] =	ssyncset.s32 @!p0 $0xFFFFF086;
	s6 =	sadd.s32 @!p0 s3, s7;
	s7 =	simm.s32 @!p0 $0x108  }
0x21: {  	s3 =	sadd.s32 s3, s9;
	s6 =	sadd.s32 @!p0 $0x88, s6;
	s7 =	simm.s32 @p2 $0x1082  }
0x22: {  	[simem:s7], [sflag:s8] =	dma.local @!p0 [hbm:s6], $0xF7A  }
0x23: {  	s9 =	sor.u32 $0xD0000000, s2;
	s6 =	simm.s32 $0x108;
	_ =	swait.ge @!p0 [sflag:s8], $0x0  }
0x24: {  	s3 =	sadd.s32 $0x88, s3;
	s6 =	simm.s32 @!p1 $0x1082;
	[sflag:s4] =	ssyncset.s32 $0xFFFFF086  }
0x25: {  	[simem:s6], [sflag:s4] =	dma.local [hbm:s3], $0xF7A  }
0x26: {  	[smem:$0x3F96] =	sst s1;
	(tag) =	ssettag s2;
	_ =	strace s9  }
0x27: {  	s1 =	sld [smem:$0x3FA6]  }
0x28: {  	s2 =	sld [smem:$0x3FA7]  }
0x29: {  	s4 =	sld [smem:$0x3FA9]  }
0x2a: {  	p0 =	seq.s32 s5, $0x0;
	s5 =	sld [smem:$0x3FAA]  }
0x2b: {  	s6 =	sld [smem:$0x3FAB]  }
0x2c: {  	s7 =	sld [smem:$0x3FAC]  }
0x2d: {  	s3 =	simm.s32 $0x108;
	s8 =	sld [smem:$0x3FAD]  }
0x2e: {  	s3 =	simm.s32 @!p0 $0x1082;
	s9 =	sld [smem:$0x3FAE]  }
0x2f: {  	lr =	sadd.s32 s0, s3;
	s0 =	sld [smem:$0x3FA5]  }
0x30: {  	s3 =	sld [smem:$0x3FA8]  }
0x31: {  	[smem:$0x3FB1] =	sst s10  }
0x32: {  	s10 =	sld [smem:$0x3FAF];
	_ =	sdelay $0x3  }
0x33: {  	p0 =	seq.s32 s10, $0x1;
	s10 =	sld [smem:$0x3FB1];
	_ =	sdelay $0x3  }
0x34: {  	[smem:$0x3FB1] =	sst s10  }
0x35: {  	s10 =	sld [smem:$0x3FB0];
	_ =	sdelay $0x3  }
0x36: {  	p1 =	seq.s32 s10, $0x1;
	s10 =	sld [smem:$0x3FB1];
	_ =	sdelay $0x3  }
0x37: {  	[smem:$0x3FB1] =	sst s10  }
0x38: {  	s10 =	sld [smem:$0x3FB2]  }
0x39: {  	_ = 	snop;
	(pc) =	sbr.ind lr, $3  }
0x3a: {  	_ = 	snop  }
0x3b: {  	_ = 	snop  }
0x3c: {  	p2 =	seq.s32 s10, $0x1;
	s10 =	sld [smem:$0x3FB1]  }
0x3d: {  	_ =	shalt  }
0x3e: {  	_ =	shalt  }
0x3f: {  	_ =	shalt  }
0x40: {  	_ =	shalt  }
0x41: {  	_ =	shalt  }
0x42: {  	_ =	shalt  }
0x43: {  	_ =	shalt  }
0x44: {  	_ =	shalt  }
0x45: {  	_ =	shalt  }
0x46: {  	_ =	shalt  }
0x47: {  	_ =	shalt  }
0x48: {  	_ =	shalt  }
0x49: {  	_ =	shalt  }
0x4a: {  	_ =	shalt  }
0x4b: {  	_ =	shalt  }
0x4c: {  	_ =	shalt  }
0x4d: {  	_ =	shalt  }
0x4e: {  	_ =	shalt  }
0x4f: {  	_ =	shalt  }
0x50: {  	_ =	shalt  }
0x51: {  	_ =	shalt  }
0x52: {  	_ =	shalt  }
0x53: {  	_ =	shalt  }
0x54: {  	_ =	shalt  }
0x55: {  	_ =	shalt  }
0x56: {  	_ =	shalt  }
0x57: {  	_ =	shalt  }
0x58: {  	_ =	shalt  }
0x59: {  	_ =	shalt  }
0x5a: {  	_ =	shalt  }
0x5b: {  	_ =	shalt  }
0x5c: {  	_ =	shalt  }
0x5d: {  	_ =	shalt  }
0x5e: {  	_ =	shalt  }
0x5f: {  	_ =	shalt  }
0x60: {  	_ =	shalt  }
0x61: {  	_ =	shalt  }
0x62: {  	_ =	shalt  }
0x63: {  	_ =	shalt  }
0x64: {  	_ =	shalt  }
0x65: {  	_ =	shalt  }
0x66: {  	_ =	shalt  }
0x67: {  	_ =	shalt  }
0x68: {  	_ =	shalt  }
0x69: {  	_ =	shalt  }
0x6a: {  	_ =	shalt  }
0x6b: {  	_ =	shalt  }
0x6c: {  	_ =	shalt  }
0x6d: {  	_ =	shalt  }
0x6e: {  	_ =	shalt  }
0x6f: {  	_ =	shalt  }
0x70: {  	_ =	shalt  }
0x71: {  	_ =	shalt  }
0x72: {  	_ =	shalt  }
0x73: {  	_ =	shalt  }
0x74: {  	_ =	shalt  }
0x75: {  	_ =	shalt  }
0x76: {  	_ =	shalt  }
0x77: {  	_ =	shalt  }
0x78: {  	_ =	shalt  }
0x79: {  	_ =	shalt  }
0x7a: {  	_ =	shalt  }
0x7b: {  	_ =	shalt  }
0x7c: {  	_ =	shalt  }
0x7d: {  	_ =	shalt  }
0x7e: {  	_ =	shalt  }
0x7f: {  	_ =	shalt  }
0x80: {  	_ =	shalt  }
0x81: {  	_ =	shalt  }
0x82: {  	_ =	shalt  }
0x83: {  	_ =	shalt  }
0x84: {  	_ =	shalt  }
0x85: {  	_ =	shalt  }
0x86: {  	_ =	shalt  }
0x87: {  	_ =	shalt  }
.Lfunc_end0:
.L_simem_size_0:
called_computation.2_lowered:
.L_overlay_start_0:
0x88: {  	s2 =	sld [smem:$0x3FD9]  }
0x89: {  	s3 =	sld [smem:$0x3FFE];
	_ =	sdelay $0x1  }
0x8a: {  	s1 =	srdreg.scid  }
0x8b: {  	s0 =	sand.u32 $0x1, s1  }
0x8c: {  	s16 =	sshll.u32 s0, $0xA;
	s2 =	sadd.s32 s3, s2  }
0x8d: {  	s2 =	sadd.s32 s2, s16  }
0x8e: {  	[smem:$0x3FBD] =	sst s2  }
0x8f: {  	_ = 	snop  }
0x90: {  	(tm) =	ssettm $0x1  }
0x91: {  	s17 =	sld [smem:$0x3FFB];
	_ =	sdelay $0x3  }
0x92: {  	_ =	strace s17  }
0x93: {  	s2 =	sld [smem:$0x3FFC];
	_ =	sdelay $0x3  }
0x94: {  	_ =	strace s2  }
0x95: {  	s2 =	sld [smem:$0x3FFD];
	_ =	sdelay $0x3  }
0x96: {  	_ =	strace s2  }
0x97: {  	_ =	strace $0x8FFFFFFF  }
0x98: {  	s18 =	sld [smem:$0x3FDB];
	_ =	sdelay $0x1  }
0x99: {  	s19 =	simm.s32 $_scs_section_size  }
0x9a: {  	s4 =	simm.s32 $_size__tile_overlayer_lowered;
	s5 =	simm.s32 $_tile_overlayer_lowered  }
0x9b: {  	s22 =	simm.s32 $0x1BFF;
	s21 =	sshll.u32 s5, $0x1;
	s2 =	sadd.s32 s19, s18  }
0x9c: {  	s6 =	simm.s32 $0x0;
	s20 =	sshll.u32 s4, $0x1;
	s4 =	sadd.s32 s21, s2  }
0x9d: {  	[timem:s6], [sflag:s22] =	dma.local [hbm:s4], s20  }
0x9e: {  	_ =	swait.ge [sflag:s22], s20  }
0x9f: {  	s3 =	ssub.s32 $0x0, s20;
	[sflag:s22] =	ssyncset.done $0x0  }
0xa0: {  	[sflag:s22] =	ssyncadd.s32 s3;
	_ =	sdelay $0x1  }
0xa1: {  	s23 =	simm.s32 $0x1B8B  }
0xa2: {  	_ =	swait.ge [sflag:s23], $0x1  }
0xa3: {  	[sflag:s23] =	ssyncset.done $0x0  }
0xa4: {  	s25 =	simm.s32 $0x1B8E;
	s24 =	sld [smem:$0x3FFE];
	[sflag:s23] =	ssyncadd.s32 $0xFFFFFFFF  }
0xa5: {  	s26 =	simm.s32 $execute0_lowered;
	[smem:$0x3FD2] =	sst s25  }
0xa6: {  	s4 =	sshll.u32 s26, $0x1;
	_ =	strace $0x8000004C;
	[dreg:$0x1] =	wrdreg $0xFFFFFFFF  }
0xa7: {  	s28 =	simm.s32 $_size_execute0_lowered;
	s2 =	sadd.s32 s2, s4;
	[dreg:$0x0] =	wrdreg $0x0  }
0xa8: {  	s4 =	sshll.u32 s28, $0x1;
	[dreg:$0x2] =	wrdreg s2  }
0xa9: {  	[dreg:$0x3] =	wrdreg s4  }
0xaa: {  	[dreg:$0x4] =	wrdreg $0xC0  }
0xab: {  	_ =	task [dreg:s6], $0x5FFFF  }
0xac: {  	[dreg:$0x1] =	wrdreg $0xFFFFFFFF  }
0xad: {  	[dreg:$0x0] =	wrdreg $0x60  }
0xae: {  	[dreg:$0x2] =	wrdreg s24  }
0xaf: {  	[dreg:$0x3] =	wrdreg $0x41000  }
0xb0: {  	[dreg:$0x4] =	wrdreg $0x9  }
0xb1: {  	_ =	task.clear_ibuf [dreg:s6], $0x5FFFF;
	_ =	strace $0x9000004C  }
0xb2: {  	s29 =	simm.s32 $0x9;
	_ =	strace $0x8000004E  }
0xb3: {  	_ =	swait.ge [sflag:s29], $0x1  }
0xb4: {  	[sflag:s29] =	ssyncadd.s32 $0xFFFFFFFF  }
0xb5: {  	_ =	strace $0x9000004E  }
0xb6: {  	_ =	sfence  }
0xb7: {  	s30 =	sld [smem:$0x0];
	_ =	sdelay $0x2  }
0xb8: {  	s31 =	sshll.u32 s1, $0xD;
	s1 =	sshrl.u32 s1, $0x2  }
0xb9: {  	s3 =	sand.u32 $0x4000, s31;
	s1 =	sadd.s32 s1, s30  }
0xba: {  	s0 =	sor.u32 s3, s0;
	s1 =	sshll.u32 s1, $0x11  }
0xbb: {  	s0 =	sor.u32 s1, s0  }
0xbc: {  	s0 =	sadd.s32 $0x8F2B, s0  }
0xbd: {  	[sflag:s0] =	ssyncadd.remote.s32 $0x1  }
0xbe: {  	_ =	sfence.sel $0xFFFF  }
0xbf: {  	[dreg:$0x0] =	wrdreg $0xFFFFFFFF;
	(pc) =	sbr.abs _section_cstart, $3  }
0xc0: {  	[dreg:$0x1] =	wrdreg $0xFFFFFFFF  }
0xc1: {  	_ =	task.clear_ibuf [dreg:s6], $0x2FFFF;
	_ =	strace $0x9FFFFFFF  }
0xc2: {  	(tm) =	ssettm $0x7FFFFFFF  }
0xc3: {  	_ =	shalt  }
tec
execute0_lowered:
.L_overlay_start_1:
0x0: {  	(tag) =	ssettag $0x1  }
0x1: {  	s6 =	rddreg [dreg:$0x0]  }
0x2: {  	s2 =	rddreg [dreg:$0x1]  }
0x3: {  	s0 =	rddreg [dreg:$0x2]  }
0x4: {  	s3 =	simm.s32 $0x0;
	s1 =	stileid.u32;
	s4 =	srdreg.scid  }
0x5: {  	s19 =	simm.s32 $0x100;
	s20 =	simm.s32 $0x1;
	s21 =	simm.s32 $0x80  }
0x6: {  	s22 =	simm.s32 $0x0;
	[smem:$0x7FF] =	sst s3;
	s11 =	sand.u32 $0x1, s4  }
0x7: {  	s7 =	smul.u32 $0x280, s1;
	s30 =	sshll.u32 s1, $0x5;
	s4 =	sadd.s32 $0x18400, s6  }
0x8: {  	s9 =	smul.u32 $0x50000, s1;
	s5 =	sadd.s32 $0x17C00, s6;
	_ =	strace $0x8000004D  }
0x9: {  	s8 =	smul.u32 $0x2800, s11;
	s17 =	sadd.s32 s30, s6;
	s31 =	ssub.s32 $0x2, s11  }
0xa: {  	s18 =	sshll.u32 s11, $0x4;
	s10 =	sshrl.u32 s31, $0x1;
	s9 =	sshrl.u32 s9, $0x2  }
0xb: {  	s18 =	sadd.s32 s18, s17;
	s7 =	sadd.s32 s7, s8;
	s16 =	ssub.s32 s31, s10  }
0xc: {  	s17 =	sadd.s32 $0xDE00, s18;
	s18 =	sadd.s32 $0x4000, s18;
	s7 =	sshll.u32 s7, $0x4  }
0xd: {  	s16 =	smax.u32 s16, $0x1;
	s15 =	sadd.s32 s7, s6;
	s6 =	sadd.s32 s9, s2  }
0xe: {  	s7 =	sadd.s32 $0x4000, s6;
	s8 =	sadd.s32 $0x8000, s6;
	s9 =	sadd.s32 $0xC000, s6  }
0xf: {  	s10 =	sadd.s32 $0x10000, s6;
	s11 =	sadd.s32 $0x3F600, s15;
	s12 =	sadd.s32 $0x3FE00, s15  }
0x10: {  	s13 =	sadd.s32 $0x40600, s15;
	s14 =	sadd.s32 $0x40E00, s15;
	s15 =	sadd.s32 $0x41600, s15  }
.LBB2_1:
0x11: {  	[tilespmem:s19], [sflag:$0x1] =	stream.linear.gather [hbm4b:s5+s3], $0x4000, $0x38;
	[tilespmem:$0x18100] =	vst v63  }
0x12: {  	_ =	swait.ge [sflag:s20], $0x4000  }
0x13: {  	[sflag:s20] =	ssyncset.done $0x0  }
0x14: {  	[sflag:s20] =	ssyncadd.s32 $0xFFFFC000  }
0x15: {  	[spmem:s6] =	stream.linear.scatter [tilespmem:s19], [sflag:$0x1], $0x4000, $0x38;
	[tilespmem:$0x18100] =	vst v63  }
0x16: {  	_ =	swait.ge [sflag:s20], $0x4000  }
0x17: {  	[sflag:s20] =	ssyncset.done $0x0  }
0x18: {  	[sflag:s20] =	ssyncadd.s32 $0xFFFFC000  }
0x19: {  	[spmem:s7] =	stream.linear.scatter [tilespmem:s19], [sflag:$0x1], $0x4000, $0x38;
	[tilespmem:$0x18100] =	vst v63  }
0x1a: {  	_ =	swait.ge [sflag:s20], $0x4000  }
0x1b: {  	[sflag:s20] =	ssyncset.done $0x0  }
0x1c: {  	[sflag:s20] =	ssyncadd.s32 $0xFFFFC000  }
0x1d: {  	[spmem:s8] =	stream.linear.scatter [tilespmem:s19], [sflag:$0x1], $0x4000, $0x38;
	[tilespmem:$0x18100] =	vst v63  }
0x1e: {  	_ =	swait.ge [sflag:s20], $0x4000  }
0x1f: {  	[sflag:s20] =	ssyncset.done $0x0  }
0x20: {  	[sflag:s20] =	ssyncadd.s32 $0xFFFFC000  }
0x21: {  	[spmem:s9] =	stream.linear.scatter [tilespmem:s19], [sflag:$0x1], $0x4000, $0x38;
	[tilespmem:$0x18100] =	vst v63  }
0x22: {  	_ =	swait.ge [sflag:s20], $0x4000  }
0x23: {  	[sflag:s20] =	ssyncset.done $0x0  }
0x24: {  	[sflag:s20] =	ssyncadd.s32 $0xFFFFC000  }
0x25: {  	[spmem:s10] =	stream.linear.scatter [tilespmem:s19], [sflag:$0x1], $0x4000, $0x38;
	[tilespmem:$0x18100] =	vst v63  }
0x26: {  	_ =	swait.ge [sflag:s20], $0x4000  }
0x27: {  	[sflag:s20] =	ssyncset.done $0x0  }
0x28: {  	[sflag:s20] =	ssyncadd.s32 $0xFFFFC000  }
0x29: {  	s23 =	sadd.s32 $0x0, s17;
	[bflag:$0x0] =	sbarrier.arrive $0xFFFF  }
0x2a: {  	[tilespmem:s3], [sflag:$0x1] =	stream.linear.gather [hbm4b:s23+s3], $0x80, $0x38;
	[tilespmem:$0x18100] =	vst v63  }
0x2b: {  	_ =	swait.ge [sflag:s20], $0x80  }
0x2c: {  	[sflag:s20] =	ssyncset.done $0x0  }
0x2d: {  	s31 =	sadd.s32 $0x0, s18;
	[sflag:s20] =	ssyncadd.s32 $0xFFFFFF80  }
0x2e: {  	[tilespmem:s21], [sflag:$0x1] =	stream.linear.gather [hbm4b:s31+s3], $0x80, $0x38;
	[tilespmem:$0x18100] =	vst v63  }
0x2f: {  	_ =	swait.ge [sflag:s20], $0x80  }
0x30: {  	[sflag:s20] =	ssyncset.done $0x0  }
0x31: {  	[sflag:s20] =	ssyncadd.s32 $0xFFFFFF80  }
0x32: {  	[tilespmem:s19], [sflag:$0x1] =	stream.indirect.gather [hbm4b:s4+s21], $0x80, s3, s21, $0xb8;
	[tilespmem:$0x18100] =	vst v63  }
0x33: {  	_ =	swait.ge [sflag:s20], $0x4000  }
0x34: {  	[sflag:s20] =	ssyncset.done $0x0  }
0x35: {  	[sflag:s20] =	ssyncadd.s32 $0xFFFFC000  }
0x36: {  	[spmem:s2] =	stream.indirect.scatter.add.f32 [tilespmem:s19], [sflag:$0x1], $0x80, s21, s21, $0xb8;
	[tilespmem:$0x18100] =	vst v63  }
0x37: {  	_ =	swait.ge [sflag:s20], $0x4000  }
0x38: {  	s24 =	simm.s32 $0x400;
	s23 =	simm.s32 $0x200;
	[sflag:s20] =	ssyncset.done $0x0  }
.LBB2_2:
0x39: {  	s25 =	sadd.s32 s23, s17  }
0x3a: {  	[sflag:s20] =	ssyncadd.s32 $0xFFFFC000;
	s26 =	smov.u32 s24;
	s28 =	sadd.s32 $0x200, s24  }
0x3b: {  	[tilespmem:s3], [sflag:$0x1] =	stream.linear.gather [hbm4b:s25+s3], $0x80, $0x38;
	[tilespmem:$0x18100] =	vst v63  }
0x3c: {  	p0 =	sne.s32 s24, $0x9C00;
	_ =	swait.ge [sflag:s20], $0x80  }
0x3d: {  	[sflag:s20] =	ssyncset.done $0x0  }
0x3e: {  	s24 =	sadd.s32 s23, s18;
	s23 =	smov.u32 s26;
	[sflag:s20] =	ssyncadd.s32 $0xFFFFFF80  }
0x3f: {  	[tilespmem:s21], [sflag:$0x1] =	stream.linear.gather [hbm4b:s24+s3], $0x80, $0x38;
	[tilespmem:$0x18100] =	vst v63  }
0x40: {  	_ =	swait.ge [sflag:s20], $0x80  }
0x41: {  	[sflag:s20] =	ssyncset.done $0x0  }
0x42: {  	[sflag:s20] =	ssyncadd.s32 $0xFFFFFF80  }
0x43: {  	[tilespmem:s19], [sflag:$0x1] =	stream.indirect.gather [hbm4b:s4+s21], $0x80, s3, s21, $0xb8;
	[tilespmem:$0x18100] =	vst v63  }
0x44: {  	_ =	swait.ge [sflag:s20], $0x4000  }
.Ltmp0:
0x45: {  	[sflag:s20] =	ssyncset.done $0x0;
	(pc) =	sbr.rel @p0 .LBB2_2-.Ltmp0, $4  }
0x46: {  	[sflag:s20] =	ssyncadd.s32 $0xFFFFC000  }
0x47: {  	[spmem:s2] =	stream.indirect.scatter.add.f32 [tilespmem:s19], [sflag:$0x1], $0x80, s21, s21, $0xb8;
	[tilespmem:$0x18100] =	vst v63  }
0x48: {  	_ =	swait.ge [sflag:s20], $0x4000  }
0x49: {  	s24 =	smov.u32 s28;
	[sflag:s20] =	ssyncset.done $0x0  }
0x4a: {  	s24 =	sadd.s32 s23, s17;
	[sflag:s20] =	ssyncadd.s32 $0xFFFFC000  }
0x4b: {  	[tilespmem:s3], [sflag:$0x1] =	stream.linear.gather [hbm4b:s24+s3], $0x80, $0x38;
	[tilespmem:$0x18100] =	vst v63  }
0x4c: {  	_ =	swait.ge [sflag:s20], $0x80  }
0x4d: {  	[sflag:s20] =	ssyncset.done $0x0  }
0x4e: {  	s31 =	sadd.s32 s23, s18;
	[sflag:s20] =	ssyncadd.s32 $0xFFFFFF80  }
0x4f: {  	[tilespmem:s21], [sflag:$0x1] =	stream.linear.gather [hbm4b:s31+s3], $0x80, $0x38;
	[tilespmem:$0x18100] =	vst v63  }
0x50: {  	_ =	swait.ge [sflag:s20], $0x80  }
0x51: {  	[sflag:s20] =	ssyncset.done $0x0  }
0x52: {  	[sflag:s20] =	ssyncadd.s32 $0xFFFFFF80  }
0x53: {  	[tilespmem:s19], [sflag:$0x1] =	stream.indirect.gather [hbm4b:s4+s21], $0x80, s3, s21, $0xb8;
	[tilespmem:$0x18100] =	vst v63  }
0x54: {  	_ =	swait.ge [sflag:s20], $0x4000  }
0x55: {  	[sflag:s20] =	ssyncset.done $0x0  }
0x56: {  	[sflag:s20] =	ssyncadd.s32 $0xFFFFC000  }
0x57: {  	[spmem:s2] =	stream.indirect.scatter.add.f32 [tilespmem:s19], [sflag:$0x1], $0x80, s21, s21, $0xb8;
	[tilespmem:$0x18100] =	vst v63  }
0x58: {  	_ =	swait.ge [sflag:s20], $0x4000  }
0x59: {  	[sflag:s20] =	ssyncset.done $0x0  }
0x5a: {  	[sflag:s20] =	ssyncadd.s32 $0xFFFFC000  }
0x5b: {  	[bflag:$0x0] =	sbarrier.arrive $0xFFFF  }
0x5c: {  	[tilespmem:s19], [sflag:$0x1] =	stream.linear.gather [spmem:s6], $0x4000, $0x38;
	[tilespmem:$0x18100] =	vst v63  }
0x5d: {  	_ =	swait.ge [sflag:s20], $0x4000  }
0x5e: {  	[sflag:s20] =	ssyncset.done $0x0  }
0x5f: {  	[sflag:s20] =	ssyncadd.s32 $0xFFFFC000  }
0x60: {  	[hbm4b:s11+s3] =	stream.linear.scatter [tilespmem:s19], [sflag:$0x1], $0x4000, $0x38;
	[tilespmem:$0x18100] =	vst v63  }
0x61: {  	_ =	swait.ge [sflag:s20], $0x4000  }
0x62: {  	[sflag:s20] =	ssyncset.done $0x0  }
0x63: {  	[sflag:s20] =	ssyncadd.s32 $0xFFFFC000  }
0x64: {  	[tilespmem:s19], [sflag:$0x1] =	stream.linear.gather [spmem:s7], $0x4000, $0x38;
	[tilespmem:$0x18100] =	vst v63  }
0x65: {  	_ =	swait.ge [sflag:s20], $0x4000  }
0x66: {  	[sflag:s20] =	ssyncset.done $0x0  }
0x67: {  	[sflag:s20] =	ssyncadd.s32 $0xFFFFC000  }
0x68: {  	[hbm4b:s12+s3] =	stream.linear.scatter [tilespmem:s19], [sflag:$0x1], $0x4000, $0x38;
	[tilespmem:$0x18100] =	vst v63  }
0x69: {  	_ =	swait.ge [sflag:s20], $0x4000  }
0x6a: {  	[sflag:s20] =	ssyncset.done $0x0  }
0x6b: {  	[sflag:s20] =	ssyncadd.s32 $0xFFFFC000  }
0x6c: {  	[tilespmem:s19], [sflag:$0x1] =	stream.linear.gather [spmem:s8], $0x4000, $0x38;
	[tilespmem:$0x18100] =	vst v63  }
0x6d: {  	_ =	swait.ge [sflag:s20], $0x4000  }
0x6e: {  	[sflag:s20] =	ssyncset.done $0x0  }
0x6f: {  	[sflag:s20] =	ssyncadd.s32 $0xFFFFC000  }
0x70: {  	[hbm4b:s13+s3] =	stream.linear.scatter [tilespmem:s19], [sflag:$0x1], $0x4000, $0x38;
	[tilespmem:$0x18100] =	vst v63  }
0x71: {  	_ =	swait.ge [sflag:s20], $0x4000  }
0x72: {  	[sflag:s20] =	ssyncset.done $0x0  }
0x73: {  	[sflag:s20] =	ssyncadd.s32 $0xFFFFC000  }
0x74: {  	[tilespmem:s19], [sflag:$0x1] =	stream.linear.gather [spmem:s9], $0x4000, $0x38;
	[tilespmem:$0x18100] =	vst v63  }
0x75: {  	_ =	swait.ge [sflag:s20], $0x4000  }
0x76: {  	[sflag:s20] =	ssyncset.done $0x0  }
0x77: {  	[sflag:s20] =	ssyncadd.s32 $0xFFFFC000  }
0x78: {  	[hbm4b:s14+s3] =	stream.linear.scatter [tilespmem:s19], [sflag:$0x1], $0x4000, $0x38;
	[tilespmem:$0x18100] =	vst v63  }
0x79: {  	_ =	swait.ge [sflag:s20], $0x4000  }
0x7a: {  	[sflag:s20] =	ssyncset.done $0x0  }
0x7b: {  	[sflag:s20] =	ssyncadd.s32 $0xFFFFC000  }
0x7c: {  	[tilespmem:s19], [sflag:$0x1] =	stream.linear.gather [spmem:s10], $0x4000, $0x38;
	[tilespmem:$0x18100] =	vst v63  }
0x7d: {  	s22 =	sadd.s32 $0x1, s22;
	_ =	swait.ge [sflag:s20], $0x4000  }
0x7e: {  	p0 =	sne.s32 s22, s16;
	[sflag:s20] =	ssyncset.done $0x0  }
.Ltmp1:
0x7f: {  	[sflag:s20] =	ssyncadd.s32 $0xFFFFC000;
	(pc) =	sbr.rel @p0 .LBB2_1-.Ltmp1, $4  }
0x80: {  	[hbm4b:s15+s3] =	stream.linear.scatter [tilespmem:s19], [sflag:$0x1], $0x4000, $0x38;
	[tilespmem:$0x18100] =	vst v63  }
0x81: {  	_ =	swait.ge [sflag:s20], $0x4000  }
0x82: {  	[sflag:s20] =	ssyncset.done $0x0  }
0x83: {  	[sflag:s20] =	ssyncadd.s32 $0xFFFFC000  }
0x84: {  	_ =	sfence.sel $0x180000  }
0x85: {  	[bflag:$0x0] =	sbarrier.arrive $0xFFFF  }
0x86: {  	p0 =	sne.s32 s1, $0x0;
	_ =	strace $0x9000004D  }
0x87: {  	s0 =	sadd.s32 @!p0 $0x100000, s0;
	[bflag:$0x2] =	sbarrier.arrive $0xFFFF  }
0x88: {  	[sflag:s0] =	ssyncadd.tile.s32 @!p0 $0x1;
	_ =	shalt  }
.Lfunc_end2:
_tile_overlayer_lowered:
.L_overlay_start_2:
0x89: {  	(tag) =	ssettag $0x2  }
0x8a: {  	s0 =	rddreg [dreg:$0x0];
	s2 =	stileid.u32  }
0x8b: {  	s1 =	rddreg [dreg:$0x1];
	p0 =	sne.s32 s2, $0x0  }
0x8c: {  	s3 =	rddreg [dreg:$0x2];
	[bflag:$0x3] =	sbarrier.arrive $0xFFFF;
	s2 =	simm.s32 @!p0 $0x1C01  }
0x8d: {  	[timem:s3], [sflag:s2] =	dma.local @!p0 [hbm:s0], s1  }
0x8e: {  	s0 =	simm.s32 @!p0 $0x1  }
0x8f: {  	_ =	swait.ge @!p0 [sflag:s0], s1  }
0x90: {  	s1 =	ssub.s32 @!p0 $0x0, s1;
	[sflag:s0] =	ssyncset.done @!p0 $0x0  }
0x91: {  	[sflag:s0] =	ssyncadd.s32 @!p0 s1  }
0x92: {  	[bflag:$0x3] =	sbarrier.arrive $0xFFFF  }
0x93: {  	_ =	shalt  }

// kernel: kernel.21.cloned.1.call-start
scs
__scs_entry_jumppad:
0x0: {  	(pc) =	sbr.rel $0x88, $3  }
0x1: {  	(tag) =	ssettag $0x0;
	lr =	simm.s32 $0x1  }
0x2: {  	[smem:$0x3F96] =	sst lr;
	_ =	strace $0xD0000000  }
0x3: {  	_ = 	snop  }
0x4: {  	_ = 	snop  }
0x5: {  	_ = 	snop  }
0x6: {  	_ = 	snop  }
0x7: {  	_ = 	snop  }
__scs_overlays_trampoline_lowered:
0x8: {  	[smem:$0x3FA5] =	sst s0  }
0x9: {  	[smem:$0x3FA6] =	sst s1  }
0xa: {  	[smem:$0x3FA7] =	sst s2  }
0xb: {  	[smem:$0x3FA8] =	sst s3  }
0xc: {  	[smem:$0x3FA9] =	sst s4  }
0xd: {  	[smem:$0x3FAA] =	sst s5  }
0xe: {  	[smem:$0x3FAB] =	sst s6  }
0xf: {  	[smem:$0x3FAC] =	sst s7  }
0x10: {  	[smem:$0x3FAD] =	sst s8  }
0x11: {  	[smem:$0x3FAE] =	sst s9;
	s0 =	simm.s32 @!p0 $0x0  }
0x12: {  	s1 =	sld [smem:$0x3F94];
	s0 =	simm.s32 @p0 $0x1  }
0x13: {  	[smem:$0x3FAF] =	sst s0;
	s0 =	simm.s32 @!p1 $0x0  }
0x14: {  	s2 =	sld [smem:$0x3F93];
	s0 =	simm.s32 @p1 $0x1  }
0x15: {  	[smem:$0x3FB0] =	sst s0;
	s0 =	simm.s32 @!p2 $0x0  }
0x16: {  	s3 =	sld [smem:$0x3FDB];
	s0 =	simm.s32 @p2 $0x1  }
0x17: {  	s4 =	simm.s32 $0x1BF5;
	[smem:$0x3FB2] =	sst s0  }
0x18: {  	s0 =	sld [smem:$0x3F95];
	_ =	swait.ge [sflag:s4], $0x0  }
0x19: {  	s7 =	sld [smem:$0x3F96]  }
0x1a: {  	s8 =	sadd.s32 $0xFFFFE003, lr  }
0x1b: {  	s9 =	sadd.s32 $0xFFFFFEF7, lr;
	s5 =	simm.s32 $0xFFFFFFFF;
	p2 =	slt.u32 s8, $0xFFFFF086  }
0x1c: {  	p1 =	slt.u32 s9, $0xF7A;
	s5 =	simm.s32 @!p2 $0x0  }
0x1d: {  	s5 =	simm.s32 @p1 $0x1;
	p0 =	seq.s32 s7, s2  }
0x1e: {  	s7 =	smul.u32 @!p0 $0xF7A, s2;
	p2 =	seq.s32 @!p0 s5, $0x0  }
0x1f: {  	s9 =	smul.u32 $0xF7A, s1;
	s8 =	simm.s32 @!p0 $0x1BF5;
	p2 =	por !p2, p0  }
0x20: {  	[sflag:s8] =	ssyncset.s32 @!p0 $0xFFFFF086;
	s6 =	sadd.s32 @!p0 s3, s7;
	s7 =	simm.s32 @!p0 $0x108  }
0x21: {  	s3 =	sadd.s32 s3, s9;
	s6 =	sadd.s32 @!p0 $0x88, s6;
	s7 =	simm.s32 @p2 $0x1082  }
0x22: {  	[simem:s7], [sflag:s8] =	dma.local @!p0 [hbm:s6], $0xF7A  }
0x23: {  	s9 =	sor.u32 $0xD0000000, s2;
	s6 =	simm.s32 $0x108;
	_ =	swait.ge @!p0 [sflag:s8], $0x0  }
0x24: {  	s3 =	sadd.s32 $0x88, s3;
	s6 =	simm.s32 @!p1 $0x1082;
	[sflag:s4] =	ssyncset.s32 $0xFFFFF086  }
0x25: {  	[simem:s6], [sflag:s4] =	dma.local [hbm:s3], $0xF7A  }
0x26: {  	[smem:$0x3F96] =	sst s1;
	(tag) =	ssettag s2;
	_ =	strace s9  }
0x27: {  	s1 =	sld [smem:$0x3FA6]  }
0x28: {  	s2 =	sld [smem:$0x3FA7]  }
0x29: {  	s4 =	sld [smem:$0x3FA9]  }
0x2a: {  	p0 =	seq.s32 s5, $0x0;
	s5 =	sld [smem:$0x3FAA]  }
0x2b: {  	s6 =	sld [smem:$0x3FAB]  }
0x2c: {  	s7 =	sld [smem:$0x3FAC]  }
0x2d: {  	s3 =	simm.s32 $0x108;
	s8 =	sld [smem:$0x3FAD]  }
0x2e: {  	s3 =	simm.s32 @!p0 $0x1082;
	s9 =	sld [smem:$0x3FAE]  }
0x2f: {  	lr =	sadd.s32 s0, s3;
	s0 =	sld [smem:$0x3FA5]  }
0x30: {  	s3 =	sld [smem:$0x3FA8]  }
0x31: {  	[smem:$0x3FB1] =	sst s10  }
0x32: {  	s10 =	sld [smem:$0x3FAF];
	_ =	sdelay $0x3  }
0x33: {  	p0 =	seq.s32 s10, $0x1;
	s10 =	sld [smem:$0x3FB1];
	_ =	sdelay $0x3  }
0x34: {  	[smem:$0x3FB1] =	sst s10  }
0x35: {  	s10 =	sld [smem:$0x3FB0];
	_ =	sdelay $0x3  }
0x36: {  	p1 =	seq.s32 s10, $0x1;
	s10 =	sld [smem:$0x3FB1];
	_ =	sdelay $0x3  }
0x37: {  	[smem:$0x3FB1] =	sst s10  }
0x38: {  	s10 =	sld [smem:$0x3FB2]  }
0x39: {  	_ = 	snop;
	(pc) =	sbr.ind lr, $3  }
0x3a: {  	_ = 	snop  }
0x3b: {  	_ = 	snop  }
0x3c: {  	p2 =	seq.s32 s10, $0x1;
	s10 =	sld [smem:$0x3FB1]  }
0x3d: {  	_ =	shalt  }
0x3e: {  	_ =	shalt  }
0x3f: {  	_ =	shalt  }
0x40: {  	_ =	shalt  }
0x41: {  	_ =	shalt  }
0x42: {  	_ =	shalt  }
0x43: {  	_ =	shalt  }
0x44: {  	_ =	shalt  }
0x45: {  	_ =	shalt  }
0x46: {  	_ =	shalt  }
0x47: {  	_ =	shalt  }
0x48: {  	_ =	shalt  }
0x49: {  	_ =	shalt  }
0x4a: {  	_ =	shalt  }
0x4b: {  	_ =	shalt  }
0x4c: {  	_ =	shalt  }
0x4d: {  	_ =	shalt  }
0x4e: {  	_ =	shalt  }
0x4f: {  	_ =	shalt  }
0x50: {  	_ =	shalt  }
0x51: {  	_ =	shalt  }
0x52: {  	_ =	shalt  }
0x53: {  	_ =	shalt  }
0x54: {  	_ =	shalt  }
0x55: {  	_ =	shalt  }
0x56: {  	_ =	shalt  }
0x57: {  	_ =	shalt  }
0x58: {  	_ =	shalt  }
0x59: {  	_ =	shalt  }
0x5a: {  	_ =	shalt  }
0x5b: {  	_ =	shalt  }
0x5c: {  	_ =	shalt  }
0x5d: {  	_ =	shalt  }
0x5e: {  	_ =	shalt  }
0x5f: {  	_ =	shalt  }
0x60: {  	_ =	shalt  }
0x61: {  	_ =	shalt  }
0x62: {  	_ =	shalt  }
0x63: {  	_ =	shalt  }
0x64: {  	_ =	shalt  }
0x65: {  	_ =	shalt  }
0x66: {  	_ =	shalt  }
0x67: {  	_ =	shalt  }
0x68: {  	_ =	shalt  }
0x69: {  	_ =	shalt  }
0x6a: {  	_ =	shalt  }
0x6b: {  	_ =	shalt  }
0x6c: {  	_ =	shalt  }
0x6d: {  	_ =	shalt  }
0x6e: {  	_ =	shalt  }
0x6f: {  	_ =	shalt  }
0x70: {  	_ =	shalt  }
0x71: {  	_ =	shalt  }
0x72: {  	_ =	shalt  }
0x73: {  	_ =	shalt  }
0x74: {  	_ =	shalt  }
0x75: {  	_ =	shalt  }
0x76: {  	_ =	shalt  }
0x77: {  	_ =	shalt  }
0x78: {  	_ =	shalt  }
0x79: {  	_ =	shalt  }
0x7a: {  	_ =	shalt  }
0x7b: {  	_ =	shalt  }
0x7c: {  	_ =	shalt  }
0x7d: {  	_ =	shalt  }
0x7e: {  	_ =	shalt  }
0x7f: {  	_ =	shalt  }
0x80: {  	_ =	shalt  }
0x81: {  	_ =	shalt  }
0x82: {  	_ =	shalt  }
0x83: {  	_ =	shalt  }
0x84: {  	_ =	shalt  }
0x85: {  	_ =	shalt  }
0x86: {  	_ =	shalt  }
0x87: {  	_ =	shalt  }
.Lfunc_end0:
.L_simem_size_0:
called_computation.3_lowered:
.L_overlay_start_0:
0x88: {  	s2 =	sld [smem:$0x3FD9]  }
0x89: {  	s3 =	sld [smem:$0x3FFE];
	_ =	sdelay $0x1  }
0x8a: {  	s1 =	srdreg.scid  }
0x8b: {  	s0 =	sand.u32 $0x1, s1  }
0x8c: {  	s16 =	sshll.u32 s0, $0xA;
	s2 =	sadd.s32 s3, s2  }
0x8d: {  	s2 =	sadd.s32 s2, s16  }
0x8e: {  	[smem:$0x3FBD] =	sst s2  }
0x8f: {  	_ = 	snop  }
0x90: {  	(tm) =	ssettm $0x1  }
0x91: {  	s17 =	sld [smem:$0x3FFB];
	_ =	sdelay $0x3  }
0x92: {  	_ =	strace s17  }
0x93: {  	s2 =	sld [smem:$0x3FFC];
	_ =	sdelay $0x3  }
0x94: {  	_ =	strace s2  }
0x95: {  	s2 =	sld [smem:$0x3FFD];
	_ =	sdelay $0x3  }
0x96: {  	_ =	strace s2  }
0x97: {  	_ =	strace $0x8FFFFFFF  }
0x98: {  	s18 =	sld [smem:$0x3FDB];
	_ =	sdelay $0x1  }
0x99: {  	s19 =	simm.s32 $_scs_section_size  }
0x9a: {  	s4 =	simm.s32 $_size__tile_overlayer_lowered;
	s5 =	simm.s32 $_tile_overlayer_lowered  }
0x9b: {  	s22 =	simm.s32 $0x1BFF;
	s21 =	sshll.u32 s5, $0x1;
	s2 =	sadd.s32 s19, s18  }
0x9c: {  	s6 =	simm.s32 $0x0;
	s20 =	sshll.u32 s4, $0x1;
	s4 =	sadd.s32 s21, s2  }
0x9d: {  	[timem:s6], [sflag:s22] =	dma.local [hbm:s4], s20  }
0x9e: {  	_ =	swait.ge [sflag:s22], s20  }
0x9f: {  	s3 =	ssub.s32 $0x0, s20;
	[sflag:s22] =	ssyncset.done $0x0  }
0xa0: {  	[sflag:s22] =	ssyncadd.s32 s3;
	_ =	sdelay $0x1  }
0xa1: {  	s23 =	simm.s32 $0x1B8B  }
0xa2: {  	_ =	swait.ge [sflag:s23], $0x1  }
0xa3: {  	[sflag:s23] =	ssyncset.done $0x0  }
0xa4: {  	s25 =	simm.s32 $0x1B8E;
	s24 =	sld [smem:$0x3FFE];
	[sflag:s23] =	ssyncadd.s32 $0xFFFFFFFF  }
0xa5: {  	s26 =	simm.s32 $execute0_lowered;
	[smem:$0x3FD2] =	sst s25  }
0xa6: {  	s4 =	sshll.u32 s26, $0x1;
	_ =	strace $0x8000004F;
	[dreg:$0x1] =	wrdreg $0xFFFFFFFF  }
0xa7: {  	s28 =	simm.s32 $_size_execute0_lowered;
	s2 =	sadd.s32 s2, s4;
	[dreg:$0x0] =	wrdreg $0x0  }
0xa8: {  	s4 =	sshll.u32 s28, $0x1;
	[dreg:$0x2] =	wrdreg s2  }
0xa9: {  	[dreg:$0x3] =	wrdreg s4  }
0xaa: {  	[dreg:$0x4] =	wrdreg $0xC0  }
0xab: {  	_ =	task [dreg:s6], $0x5FFFF  }
0xac: {  	[dreg:$0x1] =	wrdreg $0xFFFFFFFF  }
0xad: {  	[dreg:$0x0] =	wrdreg $0x60  }
0xae: {  	[dreg:$0x2] =	wrdreg s24  }
0xaf: {  	[dreg:$0x3] =	wrdreg $0x41000  }
0xb0: {  	[dreg:$0x4] =	wrdreg $0x9  }
0xb1: {  	_ =	task.clear_ibuf [dreg:s6], $0x5FFFF;
	_ =	strace $0x9000004F  }
0xb2: {  	s29 =	simm.s32 $0x9;
	_ =	strace $0x80000051  }
0xb3: {  	_ =	swait.ge [sflag:s29], $0x1  }
0xb4: {  	[sflag:s29] =	ssyncadd.s32 $0xFFFFFFFF  }
0xb5: {  	_ =	strace $0x90000051  }
0xb6: {  	_ =	sfence  }
0xb7: {  	s30 =	sld [smem:$0x0];
	_ =	sdelay $0x2  }
0xb8: {  	s31 =	sshll.u32 s1, $0xD;
	s1 =	sshrl.u32 s1, $0x2  }
0xb9: {  	s3 =	sand.u32 $0x4000, s31;
	s1 =	sadd.s32 s1, s30  }
0xba: {  	s0 =	sor.u32 s3, s0;
	s1 =	sshll.u32 s1, $0x11  }
0xbb: {  	s0 =	sor.u32 s1, s0  }
0xbc: {  	s0 =	sadd.s32 $0x8F2B, s0  }
0xbd: {  	[sflag:s0] =	ssyncadd.remote.s32 $0x1  }
0xbe: {  	_ =	sfence.sel $0xFFFF  }
0xbf: {  	[dreg:$0x0] =	wrdreg $0xFFFFFFFF;
	(pc) =	sbr.abs _section_cstart, $3  }
0xc0: {  	[dreg:$0x1] =	wrdreg $0xFFFFFFFF  }
0xc1: {  	_ =	task.clear_ibuf [dreg:s6], $0x2FFFF;
	_ =	strace $0x9FFFFFFF  }
0xc2: {  	(tm) =	ssettm $0x7FFFFFFF  }
0xc3: {  	_ =	shalt  }
tec
execute0_lowered:
.L_overlay_start_1:
0x0: {  	(tag) =	ssettag $0x1  }
0x1: {  	s6 =	rddreg [dreg:$0x0]  }
0x2: {  	s2 =	rddreg [dreg:$0x1]  }
0x3: {  	s0 =	rddreg [dreg:$0x2]  }
0x4: {  	s3 =	simm.s32 $0x0;
	s1 =	stileid.u32;
	s4 =	srdreg.scid  }
0x5: {  	s19 =	simm.s32 $0x100;
	s20 =	simm.s32 $0x1;
	s21 =	simm.s32 $0x80  }
0x6: {  	s22 =	simm.s32 $0x0;
	[smem:$0x7FF] =	sst s3;
	s11 =	sand.u32 $0x1, s4  }
0x7: {  	s7 =	smul.u32 $0x280, s1;
	s30 =	sshll.u32 s1, $0x5;
	s4 =	sadd.s32 $0x18400, s6  }
0x8: {  	s9 =	smul.u32 $0x50000, s1;
	s5 =	sadd.s32 $0x17C00, s6;
	_ =	strace $0x80000050  }
0x9: {  	s8 =	smul.u32 $0x2800, s11;
	s17 =	sadd.s32 s30, s6;
	s31 =	ssub.s32 $0x2, s11  }
0xa: {  	s18 =	sshll.u32 s11, $0x4;
	s10 =	sshrl.u32 s31, $0x1;
	s9 =	sshrl.u32 s9, $0x2  }
0xb: {  	s18 =	sadd.s32 s18, s17;
	s7 =	sadd.s32 s7, s8;
	s16 =	ssub.s32 s31, s10  }
0xc: {  	s17 =	sadd.s32 $0xDE00, s18;
	s18 =	sadd.s32 $0x4000, s18;
	s7 =	sshll.u32 s7, $0x4  }
0xd: {  	s16 =	smax.u32 s16, $0x1;
	s15 =	sadd.s32 s7, s6;
	s6 =	sadd.s32 s9, s2  }
0xe: {  	s7 =	sadd.s32 $0x4000, s6;
	s8 =	sadd.s32 $0x8000, s6;
	s9 =	sadd.s32 $0xC000, s6  }
0xf: {  	s10 =	sadd.s32 $0x10000, s6;
	s11 =	sadd.s32 $0x3F600, s15;
	s12 =	sadd.s32 $0x3FE00, s15  }
0x10: {  	s13 =	sadd.s32 $0x40600, s15;
	s14 =	sadd.s32 $0x40E00, s15;
	s15 =	sadd.s32 $0x41600, s15  }
.LBB2_1:
0x11: {  	[tilespmem:s19], [sflag:$0x1] =	stream.linear.gather [hbm4b:s5+s3], $0x4000, $0x38;
	[tilespmem:$0x18100] =	vst v63  }
0x12: {  	_ =	swait.ge [sflag:s20], $0x4000  }
0x13: {  	[sflag:s20] =	ssyncset.done $0x0  }
0x14: {  	[sflag:s20] =	ssyncadd.s32 $0xFFFFC000  }
0x15: {  	[spmem:s6] =	stream.linear.scatter [tilespmem:s19], [sflag:$0x1], $0x4000, $0x38;
	[tilespmem:$0x18100] =	vst v63  }
0x16: {  	_ =	swait.ge [sflag:s20], $0x4000  }
0x17: {  	[sflag:s20] =	ssyncset.done $0x0  }
0x18: {  	[sflag:s20] =	ssyncadd.s32 $0xFFFFC000  }
0x19: {  	[spmem:s7] =	stream.linear.scatter [tilespmem:s19], [sflag:$0x1], $0x4000, $0x38;
	[tilespmem:$0x18100] =	vst v63  }
0x1a: {  	_ =	swait.ge [sflag:s20], $0x4000  }
0x1b: {  	[sflag:s20] =	ssyncset.done $0x0  }
0x1c: {  	[sflag:s20] =	ssyncadd.s32 $0xFFFFC000  }
0x1d: {  	[spmem:s8] =	stream.linear.scatter [tilespmem:s19], [sflag:$0x1], $0x4000, $0x38;
	[tilespmem:$0x18100] =	vst v63  }
0x1e: {  	_ =	swait.ge [sflag:s20], $0x4000  }
0x1f: {  	[sflag:s20] =	ssyncset.done $0x0  }
0x20: {  	[sflag:s20] =	ssyncadd.s32 $0xFFFFC000  }
0x21: {  	[spmem:s9] =	stream.linear.scatter [tilespmem:s19], [sflag:$0x1], $0x4000, $0x38;
	[tilespmem:$0x18100] =	vst v63  }
0x22: {  	_ =	swait.ge [sflag:s20], $0x4000  }
0x23: {  	[sflag:s20] =	ssyncset.done $0x0  }
0x24: {  	[sflag:s20] =	ssyncadd.s32 $0xFFFFC000  }
0x25: {  	[spmem:s10] =	stream.linear.scatter [tilespmem:s19], [sflag:$0x1], $0x4000, $0x38;
	[tilespmem:$0x18100] =	vst v63  }
0x26: {  	_ =	swait.ge [sflag:s20], $0x4000  }
0x27: {  	[sflag:s20] =	ssyncset.done $0x0  }
0x28: {  	[sflag:s20] =	ssyncadd.s32 $0xFFFFC000  }
0x29: {  	s23 =	sadd.s32 $0x0, s17;
	[bflag:$0x0] =	sbarrier.arrive $0xFFFF  }
0x2a: {  	[tilespmem:s3], [sflag:$0x1] =	stream.linear.gather [hbm4b:s23+s3], $0x80, $0x38;
	[tilespmem:$0x18100] =	vst v63  }
0x2b: {  	_ =	swait.ge [sflag:s20], $0x80  }
0x2c: {  	[sflag:s20] =	ssyncset.done $0x0  }
0x2d: {  	s31 =	sadd.s32 $0x0, s18;
	[sflag:s20] =	ssyncadd.s32 $0xFFFFFF80  }
0x2e: {  	[tilespmem:s21], [sflag:$0x1] =	stream.linear.gather [hbm4b:s31+s3], $0x80, $0x38;
	[tilespmem:$0x18100] =	vst v63  }
0x2f: {  	_ =	swait.ge [sflag:s20], $0x80  }
0x30: {  	[sflag:s20] =	ssyncset.done $0x0  }
0x31: {  	[sflag:s20] =	ssyncadd.s32 $0xFFFFFF80  }
0x32: {  	[tilespmem:s19], [sflag:$0x1] =	stream.indirect.gather [hbm4b:s4+s21], $0x80, s3, s21, $0xb8;
	[tilespmem:$0x18100] =	vst v63  }
0x33: {  	_ =	swait.ge [sflag:s20], $0x4000  }
0x34: {  	[sflag:s20] =	ssyncset.done $0x0  }
0x35: {  	[sflag:s20] =	ssyncadd.s32 $0xFFFFC000  }
0x36: {  	[spmem:s2] =	stream.indirect.scatter.add.f32 [tilespmem:s19], [sflag:$0x1], $0x80, s21, s21, $0xb8;
	[tilespmem:$0x18100] =	vst v63  }
0x37: {  	_ =	swait.ge [sflag:s20], $0x4000  }
0x38: {  	s24 =	simm.s32 $0x400;
	s23 =	simm.s32 $0x200;
	[sflag:s20] =	ssyncset.done $0x0  }
.LBB2_2:
0x39: {  	s25 =	sadd.s32 s23, s17  }
0x3a: {  	[sflag:s20] =	ssyncadd.s32 $0xFFFFC000;
	s26 =	smov.u32 s24;
	s28 =	sadd.s32 $0x200, s24  }
0x3b: {  	[tilespmem:s3], [sflag:$0x1] =	stream.linear.gather [hbm4b:s25+s3], $0x80, $0x38;
	[tilespmem:$0x18100] =	vst v63  }
0x3c: {  	p0 =	sne.s32 s24, $0x9C00;
	_ =	swait.ge [sflag:s20], $0x80  }
0x3d: {  	[sflag:s20] =	ssyncset.done $0x0  }
0x3e: {  	s24 =	sadd.s32 s23, s18;
	s23 =	smov.u32 s26;
	[sflag:s20] =	ssyncadd.s32 $0xFFFFFF80  }
0x3f: {  	[tilespmem:s21], [sflag:$0x1] =	stream.linear.gather [hbm4b:s24+s3], $0x80, $0x38;
	[tilespmem:$0x18100] =	vst v63  }
0x40: {  	_ =	swait.ge [sflag:s20], $0x80  }
0x41: {  	[sflag:s20] =	ssyncset.done $0x0  }
0x42: {  	[sflag:s20] =	ssyncadd.s32 $0xFFFFFF80  }
0x43: {  	[tilespmem:s19], [sflag:$0x1] =	stream.indirect.gather [hbm4b:s4+s21], $0x80, s3, s21, $0xb8;
	[tilespmem:$0x18100] =	vst v63  }
0x44: {  	_ =	swait.ge [sflag:s20], $0x4000  }
.Ltmp0:
0x45: {  	[sflag:s20] =	ssyncset.done $0x0;
	(pc) =	sbr.rel @p0 .LBB2_2-.Ltmp0, $4  }
0x46: {  	[sflag:s20] =	ssyncadd.s32 $0xFFFFC000  }
0x47: {  	[spmem:s2] =	stream.indirect.scatter.add.f32 [tilespmem:s19], [sflag:$0x1], $0x80, s21, s21, $0xb8;
	[tilespmem:$0x18100] =	vst v63  }
0x48: {  	_ =	swait.ge [sflag:s20], $0x4000  }
0x49: {  	s24 =	smov.u32 s28;
	[sflag:s20] =	ssyncset.done $0x0  }
0x4a: {  	s24 =	sadd.s32 s23, s17;
	[sflag:s20] =	ssyncadd.s32 $0xFFFFC000  }
0x4b: {  	[tilespmem:s3], [sflag:$0x1] =	stream.linear.gather [hbm4b:s24+s3], $0x80, $0x38;
	[tilespmem:$0x18100] =	vst v63  }
0x4c: {  	_ =	swait.ge [sflag:s20], $0x80  }
0x4d: {  	[sflag:s20] =	ssyncset.done $0x0  }
0x4e: {  	s31 =	sadd.s32 s23, s18;
	[sflag:s20] =	ssyncadd.s32 $0xFFFFFF80  }
0x4f: {  	[tilespmem:s21], [sflag:$0x1] =	stream.linear.gather [hbm4b:s31+s3], $0x80, $0x38;
	[tilespmem:$0x18100] =	vst v63  }
0x50: {  	_ =	swait.ge [sflag:s20], $0x80  }
0x51: {  	[sflag:s20] =	ssyncset.done $0x0  }
0x52: {  	[sflag:s20] =	ssyncadd.s32 $0xFFFFFF80  }
0x53: {  	[tilespmem:s19], [sflag:$0x1] =	stream.indirect.gather [hbm4b:s4+s21], $0x80, s3, s21, $0xb8;
	[tilespmem:$0x18100] =	vst v63  }
0x54: {  	_ =	swait.ge [sflag:s20], $0x4000  }
0x55: {  	[sflag:s20] =	ssyncset.done $0x0  }
0x56: {  	[sflag:s20] =	ssyncadd.s32 $0xFFFFC000  }
0x57: {  	[spmem:s2] =	stream.indirect.scatter.add.f32 [tilespmem:s19], [sflag:$0x1], $0x80, s21, s21, $0xb8;
	[tilespmem:$0x18100] =	vst v63  }
0x58: {  	_ =	swait.ge [sflag:s20], $0x4000  }
0x59: {  	[sflag:s20] =	ssyncset.done $0x0  }
0x5a: {  	[sflag:s20] =	ssyncadd.s32 $0xFFFFC000  }
0x5b: {  	[bflag:$0x0] =	sbarrier.arrive $0xFFFF  }
0x5c: {  	[tilespmem:s19], [sflag:$0x1] =	stream.linear.gather [spmem:s6], $0x4000, $0x38;
	[tilespmem:$0x18100] =	vst v63  }
0x5d: {  	_ =	swait.ge [sflag:s20], $0x4000  }
0x5e: {  	[sflag:s20] =	ssyncset.done $0x0  }
0x5f: {  	[sflag:s20] =	ssyncadd.s32 $0xFFFFC000  }
0x60: {  	[hbm4b:s11+s3] =	stream.linear.scatter [tilespmem:s19], [sflag:$0x1], $0x4000, $0x38;
	[tilespmem:$0x18100] =	vst v63  }
0x61: {  	_ =	swait.ge [sflag:s20], $0x4000  }
0x62: {  	[sflag:s20] =	ssyncset.done $0x0  }
0x63: {  	[sflag:s20] =	ssyncadd.s32 $0xFFFFC000  }
0x64: {  	[tilespmem:s19], [sflag:$0x1] =	stream.linear.gather [spmem:s7], $0x4000, $0x38;
	[tilespmem:$0x18100] =	vst v63  }
0x65: {  	_ =	swait.ge [sflag:s20], $0x4000  }
0x66: {  	[sflag:s20] =	ssyncset.done $0x0  }
0x67: {  	[sflag:s20] =	ssyncadd.s32 $0xFFFFC000  }
0x68: {  	[hbm4b:s12+s3] =	stream.linear.scatter [tilespmem:s19], [sflag:$0x1], $0x4000, $0x38;
	[tilespmem:$0x18100] =	vst v63  }
0x69: {  	_ =	swait.ge [sflag:s20], $0x4000  }
0x6a: {  	[sflag:s20] =	ssyncset.done $0x0  }
0x6b: {  	[sflag:s20] =	ssyncadd.s32 $0xFFFFC000  }
0x6c: {  	[tilespmem:s19], [sflag:$0x1] =	stream.linear.gather [spmem:s8], $0x4000, $0x38;
	[tilespmem:$0x18100] =	vst v63  }
0x6d: {  	_ =	swait.ge [sflag:s20], $0x4000  }
0x6e: {  	[sflag:s20] =	ssyncset.done $0x0  }
0x6f: {  	[sflag:s20] =	ssyncadd.s32 $0xFFFFC000  }
0x70: {  	[hbm4b:s13+s3] =	stream.linear.scatter [tilespmem:s19], [sflag:$0x1], $0x4000, $0x38;
	[tilespmem:$0x18100] =	vst v63  }
0x71: {  	_ =	swait.ge [sflag:s20], $0x4000  }
0x72: {  	[sflag:s20] =	ssyncset.done $0x0  }
0x73: {  	[sflag:s20] =	ssyncadd.s32 $0xFFFFC000  }
0x74: {  	[tilespmem:s19], [sflag:$0x1] =	stream.linear.gather [spmem:s9], $0x4000, $0x38;
	[tilespmem:$0x18100] =	vst v63  }
0x75: {  	_ =	swait.ge [sflag:s20], $0x4000  }
0x76: {  	[sflag:s20] =	ssyncset.done $0x0  }
0x77: {  	[sflag:s20] =	ssyncadd.s32 $0xFFFFC000  }
0x78: {  	[hbm4b:s14+s3] =	stream.linear.scatter [tilespmem:s19], [sflag:$0x1], $0x4000, $0x38;
	[tilespmem:$0x18100] =	vst v63  }
0x79: {  	_ =	swait.ge [sflag:s20], $0x4000  }
0x7a: {  	[sflag:s20] =	ssyncset.done $0x0  }
0x7b: {  	[sflag:s20] =	ssyncadd.s32 $0xFFFFC000  }
0x7c: {  	[tilespmem:s19], [sflag:$0x1] =	stream.linear.gather [spmem:s10], $0x4000, $0x38;
	[tilespmem:$0x18100] =	vst v63  }
0x7d: {  	s22 =	sadd.s32 $0x1, s22;
	_ =	swait.ge [sflag:s20], $0x4000  }
0x7e: {  	p0 =	sne.s32 s22, s16;
	[sflag:s20] =	ssyncset.done $0x0  }
.Ltmp1:
0x7f: {  	[sflag:s20] =	ssyncadd.s32 $0xFFFFC000;
	(pc) =	sbr.rel @p0 .LBB2_1-.Ltmp1, $4  }
0x80: {  	[hbm4b:s15+s3] =	stream.linear.scatter [tilespmem:s19], [sflag:$0x1], $0x4000, $0x38;
	[tilespmem:$0x18100] =	vst v63  }
0x81: {  	_ =	swait.ge [sflag:s20], $0x4000  }
0x82: {  	[sflag:s20] =	ssyncset.done $0x0  }
0x83: {  	[sflag:s20] =	ssyncadd.s32 $0xFFFFC000  }
0x84: {  	_ =	sfence.sel $0x180000  }
0x85: {  	[bflag:$0x0] =	sbarrier.arrive $0xFFFF  }
0x86: {  	p0 =	sne.s32 s1, $0x0;
	_ =	strace $0x90000050  }
0x87: {  	s0 =	sadd.s32 @!p0 $0x100000, s0;
	[bflag:$0x2] =	sbarrier.arrive $0xFFFF  }
0x88: {  	[sflag:s0] =	ssyncadd.tile.s32 @!p0 $0x1;
	_ =	shalt  }
.Lfunc_end2:
_tile_overlayer_lowered:
.L_overlay_start_2:
0x89: {  	(tag) =	ssettag $0x2  }
0x8a: {  	s0 =	rddreg [dreg:$0x0];
	s2 =	stileid.u32  }
0x8b: {  	s1 =	rddreg [dreg:$0x1];
	p0 =	sne.s32 s2, $0x0  }
0x8c: {  	s3 =	rddreg [dreg:$0x2];
	[bflag:$0x3] =	sbarrier.arrive $0xFFFF;
	s2 =	simm.s32 @!p0 $0x1C01  }
0x8d: {  	[timem:s3], [sflag:s2] =	dma.local @!p0 [hbm:s0], s1  }
0x8e: {  	s0 =	simm.s32 @!p0 $0x1  }
0x8f: {  	_ =	swait.ge @!p0 [sflag:s0], s1  }
0x90: {  	s1 =	ssub.s32 @!p0 $0x0, s1;
	[sflag:s0] =	ssyncset.done @!p0 $0x0  }
0x91: {  	[sflag:s0] =	ssyncadd.s32 @!p0 s1  }
0x92: {  	[bflag:$0x3] =	sbarrier.arrive $0xFFFF  }
0x93: {  	_ =	shalt  }

</sc_bundles>
